<compile_context>
chip_gen: v7x
topology: tpu7x:2x2x1
jax: 0.10.2.dev20260603
libtpu: 0.0.44.dev20260713+nightly
codegen_flags: <defaults>
</compile_context>

<pallas_src>
import functools

import jax
import jax.numpy as jnp
from jax import lax
from jax.experimental import pallas as pl
from jax.experimental.pallas import tpu as pltpu
from jax.experimental.pallas import tpu_sc as plsc

NTOK = 8192
TOPK = 2
HID = 2048
NC = 2
NS = 16
NW = NC * NS
T = 8
ROWS = T * TOPK
CPW = NTOK // (NW * T)
LANES = 16
HREG = HID // LANES
NBUF = 3


@functools.partial(
    pl.kernel,
    out_type=jax.ShapeDtypeStruct((NTOK, HID), jnp.float32),
    mesh=plsc.VectorSubcoreMesh(core_axis_name="c", subcore_axis_name="s"),
    scratch_types=[
        pltpu.VMEM((CPW * ROWS,), jnp.int32),
        pltpu.VMEM((CPW * ROWS,), jnp.int32),
        pltpu.VMEM((NBUF, ROWS, HID), jnp.float32),
        [pltpu.SemaphoreType.DMA] * NBUF,
        [pltpu.SemaphoreType.DMA] * NBUF,
    ],
)
def _gather_add(table_hbm, idx_hbm, out_hbm, idx_raw, idx_v, buf_v,
                gsems, osems):
    wid = lax.axis_index("s") * NC + lax.axis_index("c")
    g0 = wid * CPW
    idx_base = pl.multiple_of(g0 * ROWS, 8)
    pltpu.sync_copy(idx_hbm.at[pl.ds(idx_base, CPW * ROWS)], idx_raw)

    lane = lax.broadcasted_iota(jnp.int32, (LANES,), 0)
    pattern = jnp.where(lane < T, 2 * lane, 2 * lane - (ROWS - 1))

    def perm_body(c, carry):
        base = c * ROWS
        if not isinstance(base, int):
            base = pl.multiple_of(base, 8)
        v = idx_raw[pl.ds(base, ROWS)]
        pv = lax.gather(
            v,
            pattern[:, None],
            dimension_numbers=lax.GatherDimensionNumbers(
                offset_dims=(), collapsed_slice_dims=(0,), start_index_map=(0,)
            ),
            slice_sizes=(1,),
            mode=lax.GatherScatterMode.PROMISE_IN_BOUNDS,
        )
        idx_v[pl.ds(base, ROWS)] = pv
        return carry

    perm_body(0, 0)
    perm_body(1, 0)

    def start_gather(c_local, p):
        off = c_local * ROWS
        if not isinstance(off, int):
            off = pl.multiple_of(off, 8)
        pltpu.make_async_copy(
            table_hbm.at[idx_v.at[pl.ds(off, ROWS)]],
            buf_v.at[p],
            gsems[p],
        ).start()

    def wait_gather(p):
        pltpu.make_async_copy(
            table_hbm.at[pl.ds(0, ROWS)],
            buf_v.at[p],
            gsems[p],
        ).wait()

    def start_out(c_local, p):
        row0 = pl.multiple_of((g0 + c_local) * T, 8)
        pltpu.make_async_copy(
            buf_v.at[p, pl.ds(0, T)], out_hbm.at[pl.ds(row0, T)], osems[p]
        ).start()

    def wait_out(p):
        pltpu.make_async_copy(
            table_hbm.at[pl.ds(0, T)], buf_v.at[p, pl.ds(0, T)], osems[p]
        ).wait()

    start_gather(0, 0)
    start_gather(1, 1)
    lax.fori_loop(2, CPW, perm_body, 0)

    def chunk_step(c_local, p, drain, prefetch):
        wait_gather(p)

        if prefetch:
            p2 = (p + 2) % NBUF
            if drain:
                wait_out(p2)
            start_gather(c_local + 2, p2)

        def h_body(h, carry):
            base = pl.multiple_of(h * LANES, LANES)
            for t in range(T):
                v = buf_v[p, T + t, pl.ds(base, LANES)]
                plsc.addupdate(buf_v.at[p, t, pl.ds(base, LANES)], v)
            return carry

        lax.fori_loop(0, HREG, h_body, 0)
        start_out(c_local, p)

    chunk_step(0, 0, False, True)
    chunk_step(1, 1, True, True)

    def loop_body(i, carry):
        c = 3 * i + 2
        chunk_step(c, 2, True, True)
        chunk_step(c + 1, 0, True, True)
        chunk_step(c + 2, 1, True, True)
        return carry

    lax.fori_loop(0, (CPW - 5) // 3, loop_body, 0)
    chunk_step(CPW - 3, (CPW - 3) % NBUF, True, True)
    chunk_step(CPW - 2, (CPW - 2) % NBUF, False, False)
    chunk_step(CPW - 1, (CPW - 1) % NBUF, False, False)
    for p in range(NBUF):
        wait_out(p)


def kernel(gemm_buffer, outputs_buf, gemm_ready_flag, scatter_index, num_groups):
    return _gather_add(gemm_buffer, scatter_index)

# --- scband reference (transcript-rebuilt; emitter-appended) ---
"""Pipeline reference for scband-topk-gather-rs-triton-op-44848048505530 (READ-ONLY COPY).

The authoritative reference and input builder live on the scoring server;
editing this copy changes nothing except your own understanding.
"""

import jax, jax.numpy as jnp
import numpy as np

NTOKENS = 8192
TOPK = 2
HIDDEN = 2048
M_FULL = NTOKENS * TOPK
NUM_GROUPS = 1

def setup_inputs(seed: int = 0) -> dict:
    key = jax.random.key(seed)
    k1, k2 = jax.random.split(key, 2)
    gemm_buffer = jax.random.normal(k1, (NUM_GROUPS * M_FULL, HIDDEN), dtype=jnp.float32)
    outputs_buf = jnp.zeros((NTOKENS, HIDDEN), dtype=jnp.float32)
    gemm_ready_flag = jnp.ones((4,), dtype=jnp.int32)
    scatter_index = jax.random.randint(k2, (M_FULL,), 0, M_FULL, dtype=jnp.int32)
    return {
        "gemm_buffer": gemm_buffer,
        "outputs_buf": outputs_buf,
        "gemm_ready_flag": gemm_ready_flag,
        "scatter_index": scatter_index,
        "num_groups": NUM_GROUPS,
    }

def reference(gemm_buffer, outputs_buf, gemm_ready_flag, scatter_index, num_groups):
    # Single-rank (world_size=1) semantics of the fused topk-gather + reduce-scatter:
    # for each token t, output[t] = sum_{k < topk} sum_{g < num_groups}
    #                               gemm_buffer[g * m_full + scatter_index[t * topk + k]]
    # The reduce-scatter ring across TP ranks collapses to identity when world_size == 1;
    # the barrier/flag tensors are synchronization-only and carry no math.
    idx = scatter_index.reshape(NTOKENS, TOPK)
    acc = jnp.zeros((NTOKENS, HIDDEN), dtype=jnp.float32)
    num_groups_static = gemm_buffer.shape[0] // M_FULL
    for g in range(num_groups_static):
        rows = idx + g * M_FULL  # [NTOKENS, TOPK]
        gathered = jnp.take(gemm_buffer, rows.reshape(-1), axis=0).reshape(NTOKENS, TOPK, HIDDEN)
        group_active = jnp.where(g < num_groups, jnp.float32(1.0), jnp.float32(0.0))
        acc = acc + gathered.astype(jnp.float32).sum(axis=1) * group_active
    return acc.astype(gemm_buffer.dtype)

if __name__ == "__main__":
    import jax
    _d = setup_inputs()
    print(jax.jit(kernel)(*tuple(_d.values())))

</pallas_src>

<mosaic_0001>
#map = affine_map<(d0, d1) -> (0, 0)>
#map1 = affine_map<(d0, d1) -> (0)>
module attributes {stable_mosaic.version = 14 : i64} {
  func.func @_gather_add(%arg0: i32, %arg1: i32, %arg2: memref<16384x2048xf32, #tpu.memory_space<hbm>>, %arg3: memref<16384xi32, #tpu.memory_space<hbm>>, %arg4: memref<8192x2048xf32, #tpu.memory_space<hbm>>, %arg5: memref<512xi32, #tpu.memory_space<vmem>>, %arg6: memref<512xi32, #tpu.memory_space<vmem>>, %arg7: memref<3x16x2048xf32, #tpu.memory_space<vmem>>, %arg8: memref<!tpu.dma_semaphore, #tpu.memory_space<semaphore_mem>>, %arg9: memref<!tpu.dma_semaphore, #tpu.memory_space<semaphore_mem>>, %arg10: memref<!tpu.dma_semaphore, #tpu.memory_space<semaphore_mem>>, %arg11: memref<!tpu.dma_semaphore, #tpu.memory_space<semaphore_mem>>, %arg12: memref<!tpu.dma_semaphore, #tpu.memory_space<semaphore_mem>>, %arg13: memref<!tpu.dma_semaphore, #tpu.memory_space<semaphore_mem>>) attributes {dimension_semantics = [#tpu.dimension_semantics<core_parallel>, #tpu.dimension_semantics<subcore_parallel>], iteration_bounds = array<i64: 2, 16>, scalar_prefetch = 0 : i64, scratch_operands = 9 : i64, tpu.core_type = #tpu.core_type<sc_vector_subcore>, window_params = [{transform_indices = #map}, {transform_indices = #map1}, {transform_indices = #map}]} {
    %mul3A = arith.constant 2 : i32
    %mul3A_0 = arith.muli %arg1, %mul3A : i32
    %add3A = arith.addi %mul3A_0, %arg0 : i32
    %mul3A_1 = arith.constant 32 : i32
    %mul3A_2 = arith.muli %add3A, %mul3A_1 : i32
    %mul3A_3 = arith.constant 16 : i32
    %mul3A_4 = arith.muli %mul3A_2, %mul3A_3 : i32
    %multiple_of3A = tpu.assume_multiple %mul3A_4, 8 : i32
    "tpu.region"() ({
      %run_scoped3A = tpu.sem_alloc : memref<!tpu.dma_semaphore, #tpu.memory_space<semaphore_mem>>
      %dma_start3A_360 = tpu.memref_slice %arg3[%multiple_of3A] : memref<16384xi32, #tpu.memory_space<hbm>> -> memref<512xi32, #tpu.memory_space<hbm>>
      %dma_start3A_361 = tpu.memref_slice %arg3[%multiple_of3A] : memref<16384xi32, #tpu.memory_space<hbm>> -> memref<512xi32, #tpu.memory_space<hbm>>
      tpu.enqueue_dma source(%dma_start3A_361 : memref<512xi32, #tpu.memory_space<hbm>>) target(%arg5 : memref<512xi32, #tpu.memory_space<vmem>>) target_semaphore(%run_scoped3A : memref<!tpu.dma_semaphore, #tpu.memory_space<semaphore_mem>>)
      %dma_wait3A_362 = tpu.memref_slice %arg3[%multiple_of3A] : memref<16384xi32, #tpu.memory_space<hbm>> -> memref<512xi32, #tpu.memory_space<hbm>>
      %dma_wait3A_363 = tpu.memref_slice %arg3[%multiple_of3A] : memref<16384xi32, #tpu.memory_space<hbm>> -> memref<512xi32, #tpu.memory_space<hbm>>
      tpu.wait_dma2 semaphore(%run_scoped3A : memref<!tpu.dma_semaphore, #tpu.memory_space<semaphore_mem>>) src(%dma_wait3A_363 : memref<512xi32, #tpu.memory_space<hbm>>) dst(%arg5 : memref<512xi32, #tpu.memory_space<vmem>>)
      tpu.yield
    }) : () -> ()
    %iota3A = tpu.iota {dimensions = array<i32: 0>} : vector<16xi32>
    %lt3A = arith.constant 8 : i32
    %lt3A_5 = vector.broadcast %lt3A : i32 to vector<16xi32>
    %lt3A_6 = arith.cmpi slt, %iota3A, %lt3A_5 : vector<16xi32>
    %mul3A_7 = arith.constant 2 : i32
    %mul3A_8 = vector.broadcast %mul3A_7 : i32 to vector<16xi32>
    %mul3A_9 = arith.muli %mul3A_8, %iota3A : vector<16xi32>
    %mul3A_10 = arith.constant 2 : i32
    %mul3A_11 = vector.broadcast %mul3A_10 : i32 to vector<16xi32>
    %mul3A_12 = arith.muli %mul3A_11, %iota3A : vector<16xi32>
    %sub3A = arith.constant 15 : i32
    %sub3A_13 = vector.broadcast %sub3A : i32 to vector<16xi32>
    %sub3A_14 = arith.subi %mul3A_12, %sub3A_13 : vector<16xi32>
    %select_n3A = arith.select %lt3A_6, %mul3A_9, %sub3A_14 : vector<16xi1>, vector<16xi32>
    %get3A = arith.constant 0 : index
    %get3A_15 = tpu.vector_load %arg5[%get3A] {strides = array<i32>} : memref<512xi32, #tpu.memory_space<vmem>>, vector<16xi32>,
    %get3A_16 = vector.shape_cast %get3A_15 : vector<16xi32> to vector<16xi32>
    %broadcast_in_dim3A = vector.shape_cast %select_n3A : vector<16xi32> to vector<16x1xi32>
    %gather3A = vector.shape_cast %broadcast_in_dim3A : vector<16x1xi32> to vector<16xi32>
    %gather3A_17 = tpu.dynamic_gather %get3A_16[%gather3A] in [0] : vector<16xi32>, vector<16xi32> -> vector<16xi32>
    %swap3A = arith.constant 0 : index
    %swap3A_18 = tpu.vector_load %arg6[%swap3A] {strides = array<i32>} : memref<512xi32, #tpu.memory_space<vmem>>, vector<16xi32>,
    %swap3A_19 = vector.shape_cast %swap3A_18 : vector<16xi32> to vector<16xi32>
    %swap3A_20 = vector.shape_cast %gather3A_17 : vector<16xi32> to vector<16xi32>
    tpu.vector_store %arg6[%swap3A], %swap3A_20 {strides = array<i32>} : memref<512xi32, #tpu.memory_space<vmem>>, vector<16xi32>,
    %get3A_21 = arith.constant 16 : index
    %get3A_22 = tpu.vector_load %arg5[%get3A_21] {strides = array<i32>} : memref<512xi32, #tpu.memory_space<vmem>>, vector<16xi32>,
    %get3A_23 = vector.shape_cast %get3A_22 : vector<16xi32> to vector<16xi32>
    %broadcast_in_dim3A_24 = vector.shape_cast %select_n3A : vector<16xi32> to vector<16x1xi32>
    %gather3A_25 = vector.shape_cast %broadcast_in_dim3A_24 : vector<16x1xi32> to vector<16xi32>
    %gather3A_26 = tpu.dynamic_gather %get3A_23[%gather3A_25] in [0] : vector<16xi32>, vector<16xi32> -> vector<16xi32>
    %swap3A_27 = arith.constant 16 : index
    %swap3A_28 = tpu.vector_load %arg6[%swap3A_27] {strides = array<i32>} : memref<512xi32, #tpu.memory_space<vmem>>, vector<16xi32>,
    %swap3A_29 = vector.shape_cast %swap3A_28 : vector<16xi32> to vector<16xi32>
    %swap3A_30 = vector.shape_cast %gather3A_26 : vector<16xi32> to vector<16xi32>
    tpu.vector_store %arg6[%swap3A_27], %swap3A_30 {strides = array<i32>} : memref<512xi32, #tpu.memory_space<vmem>>, vector<16xi32>,
    %dma_start3A = arith.constant 0 : i32
    %dma_start3A_31 = arith.constant 0 : i32
    %dma_start3A_32 = arith.constant 0 : i32
    %dma_start3A_33 = tpu.memref_slice %arg7[%dma_start3A, %dma_start3A_31, %dma_start3A_32] : memref<3x16x2048xf32, #tpu.memory_space<vmem>> -> memref<1x16x2048xf32, #tpu.memory_space<vmem>>
    %dma_start3A_34 = tpu.memref_squeeze %dma_start3A_33 : memref<1x16x2048xf32, #tpu.memory_space<vmem>> -> memref<16x2048xf32, #tpu.memory_space<vmem>>
    %dma_start3A_35 = arith.constant 0 : i32
    %dma_start3A_36 = tpu.memref_slice %arg6[%dma_start3A_35] : memref<512xi32, #tpu.memory_space<vmem>> -> memref<16xi32, #tpu.memory_space<vmem>>
    %dma_start3A_37 = arith.constant 0 : i32
    %dma_start3A_38 = arith.constant 0 : i32
    %dma_start3A_39 = tpu.memref_slice %arg2[%dma_start3A_37, %dma_start3A_38] : memref<16384x2048xf32, #tpu.memory_space<hbm>> -> memref<16384x2048xf32, #tpu.memory_space<hbm>>
    tpu.enqueue_indirect_dma source(%dma_start3A_39 : memref<16384x2048xf32, #tpu.memory_space<hbm>>) target(%dma_start3A_34 : memref<16x2048xf32, #tpu.memory_space<vmem>>) offsets(%dma_start3A_36 : memref<16xi32, #tpu.memory_space<vmem>>) semaphore(%arg8 : memref<!tpu.dma_semaphore, #tpu.memory_space<semaphore_mem>>)
    %dma_start3A_40 = arith.constant 1 : i32
    %dma_start3A_41 = arith.constant 0 : i32
    %dma_start3A_42 = arith.constant 0 : i32
    %dma_start3A_43 = tpu.memref_slice %arg7[%dma_start3A_40, %dma_start3A_41, %dma_start3A_42] : memref<3x16x2048xf32, #tpu.memory_space<vmem>> -> memref<1x16x2048xf32, #tpu.memory_space<vmem>>
    %dma_start3A_44 = tpu.memref_squeeze %dma_start3A_43 : memref<1x16x2048xf32, #tpu.memory_space<vmem>> -> memref<16x2048xf32, #tpu.memory_space<vmem>>
    %dma_start3A_45 = arith.constant 16 : i32
    %dma_start3A_46 = tpu.memref_slice %arg6[%dma_start3A_45] : memref<512xi32, #tpu.memory_space<vmem>> -> memref<16xi32, #tpu.memory_space<vmem>>
    %dma_start3A_47 = arith.constant 0 : i32
    %dma_start3A_48 = arith.constant 0 : i32
    %dma_start3A_49 = tpu.memref_slice %arg2[%dma_start3A_47, %dma_start3A_48] : memref<16384x2048xf32, #tpu.memory_space<hbm>> -> memref<16384x2048xf32, #tpu.memory_space<hbm>>
    tpu.enqueue_indirect_dma source(%dma_start3A_49 : memref<16384x2048xf32, #tpu.memory_space<hbm>>) target(%dma_start3A_44 : memref<16x2048xf32, #tpu.memory_space<vmem>>) offsets(%dma_start3A_46 : memref<16xi32, #tpu.memory_space<vmem>>) semaphore(%arg9 : memref<!tpu.dma_semaphore, #tpu.memory_space<semaphore_mem>>)
    %scan3A = arith.constant 0 : i32
    %scan3A_50 = arith.constant 2 : i32
    %scan3A_51 = arith.constant 30 : i32
    %scan3A_52 = arith.addi %scan3A_50, %scan3A_51 : i32
    %scan3A_53 = arith.constant 1 : i32
    scf.for %scan3A_360 = %scan3A_50 to %scan3A_52 step %scan3A_53  : i32 {
      %mul3A_361 = arith.constant 16 : i32
      %mul3A_362 = arith.muli %scan3A_360, %mul3A_361 : i32
      %multiple_of3A_363 = tpu.assume_multiple %mul3A_362, 8 : i32
      %get3A_364 = arith.index_cast %multiple_of3A_363 : i32 to index
      %get3A_365 = tpu.vector_load %arg5[%get3A_364] {strides = array<i32>} : memref<512xi32, #tpu.memory_space<vmem>>, vector<16xi32>,
      %get3A_366 = vector.shape_cast %get3A_365 : vector<16xi32> to vector<16xi32>
      %broadcast_in_dim3A_367 = vector.shape_cast %select_n3A : vector<16xi32> to vector<16x1xi32>
      %gather3A_368 = vector.shape_cast %broadcast_in_dim3A_367 : vector<16x1xi32> to vector<16xi32>
      %gather3A_369 = tpu.dynamic_gather %get3A_366[%gather3A_368] in [0] : vector<16xi32>, vector<16xi32> -> vector<16xi32>
      %swap3A_370 = arith.index_cast %multiple_of3A_363 : i32 to index
      %swap3A_371 = tpu.vector_load %arg6[%swap3A_370] {strides = array<i32>} : memref<512xi32, #tpu.memory_space<vmem>>, vector<16xi32>,
      %swap3A_372 = vector.shape_cast %swap3A_371 : vector<16xi32> to vector<16xi32>
      %swap3A_373 = vector.shape_cast %gather3A_369 : vector<16xi32> to vector<16xi32>
      tpu.vector_store %arg6[%swap3A_370], %swap3A_373 {strides = array<i32>} : memref<512xi32, #tpu.memory_space<vmem>>, vector<16xi32>,
    }
    %scan3A_54 = arith.constant 30 : i32
    %dma_wait3A = arith.constant 0 : i32
    %dma_wait3A_55 = arith.constant 0 : i32
    %dma_wait3A_56 = arith.constant 0 : i32
    %dma_wait3A_57 = tpu.memref_slice %arg7[%dma_wait3A, %dma_wait3A_55, %dma_wait3A_56] : memref<3x16x2048xf32, #tpu.memory_space<vmem>> -> memref<1x16x2048xf32, #tpu.memory_space<vmem>>
    %dma_wait3A_58 = tpu.memref_squeeze %dma_wait3A_57 : memref<1x16x2048xf32, #tpu.memory_space<vmem>> -> memref<16x2048xf32, #tpu.memory_space<vmem>>
    %dma_wait3A_59 = arith.constant 0 : i32
    %dma_wait3A_60 = arith.constant 0 : i32
    %dma_wait3A_61 = tpu.memref_slice %arg2[%dma_wait3A_59, %dma_wait3A_60] : memref<16384x2048xf32, #tpu.memory_space<hbm>> -> memref<16x2048xf32, #tpu.memory_space<hbm>>
    %dma_wait3A_62 = arith.constant 0 : i32
    %dma_wait3A_63 = arith.constant 0 : i32
    %dma_wait3A_64 = tpu.memref_slice %arg7[%dma_wait3A, %dma_wait3A_62, %dma_wait3A_63] : memref<3x16x2048xf32, #tpu.memory_space<vmem>> -> memref<1x16x2048xf32, #tpu.memory_space<vmem>>
    %dma_wait3A_65 = tpu.memref_squeeze %dma_wait3A_64 : memref<1x16x2048xf32, #tpu.memory_space<vmem>> -> memref<16x2048xf32, #tpu.memory_space<vmem>>
    %dma_wait3A_66 = arith.constant 0 : i32
    %dma_wait3A_67 = arith.constant 0 : i32
    %dma_wait3A_68 = tpu.memref_slice %arg2[%dma_wait3A_66, %dma_wait3A_67] : memref<16384x2048xf32, #tpu.memory_space<hbm>> -> memref<16x2048xf32, #tpu.memory_space<hbm>>
    tpu.wait_dma2 semaphore(%arg8 : memref<!tpu.dma_semaphore, #tpu.memory_space<semaphore_mem>>) src(%dma_wait3A_68 : memref<16x2048xf32, #tpu.memory_space<hbm>>) dst(%dma_wait3A_65 : memref<16x2048xf32, #tpu.memory_space<vmem>>)
    %dma_start3A_69 = arith.constant 2 : i32
    %dma_start3A_70 = arith.constant 0 : i32
    %dma_start3A_71 = arith.constant 0 : i32
    %dma_start3A_72 = tpu.memref_slice %arg7[%dma_start3A_69, %dma_start3A_70, %dma_start3A_71] : memref<3x16x2048xf32, #tpu.memory_space<vmem>> -> memref<1x16x2048xf32, #tpu.memory_space<vmem>>
    %dma_start3A_73 = tpu.memref_squeeze %dma_start3A_72 : memref<1x16x2048xf32, #tpu.memory_space<vmem>> -> memref<16x2048xf32, #tpu.memory_space<vmem>>
    %dma_start3A_74 = arith.constant 32 : i32
    %dma_start3A_75 = tpu.memref_slice %arg6[%dma_start3A_74] : memref<512xi32, #tpu.memory_space<vmem>> -> memref<16xi32, #tpu.memory_space<vmem>>
    %dma_start3A_76 = arith.constant 0 : i32
    %dma_start3A_77 = arith.constant 0 : i32
    %dma_start3A_78 = tpu.memref_slice %arg2[%dma_start3A_76, %dma_start3A_77] : memref<16384x2048xf32, #tpu.memory_space<hbm>> -> memref<16384x2048xf32, #tpu.memory_space<hbm>>
    tpu.enqueue_indirect_dma source(%dma_start3A_78 : memref<16384x2048xf32, #tpu.memory_space<hbm>>) target(%dma_start3A_73 : memref<16x2048xf32, #tpu.memory_space<vmem>>) offsets(%dma_start3A_75 : memref<16xi32, #tpu.memory_space<vmem>>) semaphore(%arg10 : memref<!tpu.dma_semaphore, #tpu.memory_space<semaphore_mem>>)
    %scan3A_79 = arith.constant 0 : i32
    %scan3A_80 = arith.constant 0 : i32
    %scan3A_81 = arith.constant 128 : i32
    %scan3A_82 = arith.addi %scan3A_80, %scan3A_81 : i32
    %scan3A_83 = arith.constant 1 : i32
    scf.for %scan3A_360 = %scan3A_80 to %scan3A_82 step %scan3A_83  : i32 {
      %mul3A_361 = arith.constant 16 : i32
      %mul3A_362 = arith.muli %scan3A_360, %mul3A_361 : i32
      %multiple_of3A_363 = tpu.assume_multiple %mul3A_362, 16 : i32
      %get3A_364 = arith.constant 0 : i32
      %get3A_365 = arith.constant 8 : i32
      %get3A_366 = arith.index_cast %get3A_364 : i32 to index
      %get3A_367 = arith.index_cast %get3A_365 : i32 to index
      %get3A_368 = arith.index_cast %multiple_of3A_363 : i32 to index
      %get3A_369 = tpu.vector_load %arg7[%get3A_366, %get3A_367, %get3A_368] {strides = array<i32>} : memref<3x16x2048xf32, #tpu.memory_space<vmem>>, vector<1x1x16xf32>,
      %get3A_370 = vector.shape_cast %get3A_369 : vector<1x1x16xf32> to vector<16xf32>
      %swap3A_371 = arith.constant 0 : i32
      %swap3A_372 = arith.constant 0 : i32
      %swap3A_373 = arith.index_cast %swap3A_371 : i32 to index
      %swap3A_374 = arith.index_cast %swap3A_372 : i32 to index
      %swap3A_375 = arith.index_cast %multiple_of3A_363 : i32 to index
      %swap3A_376 = tpu.vector_load %arg7[%swap3A_373, %swap3A_374, %swap3A_375] {strides = array<i32>} : memref<3x16x2048xf32, #tpu.memory_space<vmem>>, vector<1x1x16xf32>,
      %swap3A_377 = vector.shape_cast %swap3A_376 : vector<1x1x16xf32> to vector<16xf32>
      %swap3A_378 = vector.shape_cast %get3A_370 : vector<16xf32> to vector<1x1x16xf32>
      tpu.vector_store %arg7[%swap3A_373, %swap3A_374, %swap3A_375], %swap3A_378 {add = true, strides = array<i32>} : memref<3x16x2048xf32, #tpu.memory_space<vmem>>, vector<1x1x16xf32>,
      %get3A_379 = arith.constant 0 : i32
      %get3A_380 = arith.constant 9 : i32
      %get3A_381 = arith.index_cast %get3A_379 : i32 to index
      %get3A_382 = arith.index_cast %get3A_380 : i32 to index
      %get3A_383 = arith.index_cast %multiple_of3A_363 : i32 to index
      %get3A_384 = tpu.vector_load %arg7[%get3A_381, %get3A_382, %get3A_383] {strides = array<i32>} : memref<3x16x2048xf32, #tpu.memory_space<vmem>>, vector<1x1x16xf32>,
      %get3A_385 = vector.shape_cast %get3A_384 : vector<1x1x16xf32> to vector<16xf32>
      %swap3A_386 = arith.constant 0 : i32
      %swap3A_387 = arith.constant 1 : i32
      %swap3A_388 = arith.index_cast %swap3A_386 : i32 to index
      %swap3A_389 = arith.index_cast %swap3A_387 : i32 to index
      %swap3A_390 = arith.index_cast %multiple_of3A_363 : i32 to index
      %swap3A_391 = tpu.vector_load %arg7[%swap3A_388, %swap3A_389, %swap3A_390] {strides = array<i32>} : memref<3x16x2048xf32, #tpu.memory_space<vmem>>, vector<1x1x16xf32>,
      %swap3A_392 = vector.shape_cast %swap3A_391 : vector<1x1x16xf32> to vector<16xf32>
      %swap3A_393 = vector.shape_cast %get3A_385 : vector<16xf32> to vector<1x1x16xf32>
      tpu.vector_store %arg7[%swap3A_388, %swap3A_389, %swap3A_390], %swap3A_393 {add = true, strides = array<i32>} : memref<3x16x2048xf32, #tpu.memory_space<vmem>>, vector<1x1x16xf32>,
      %get3A_394 = arith.constant 0 : i32
      %get3A_395 = arith.constant 10 : i32
      %get3A_396 = arith.index_cast %get3A_394 : i32 to index
      %get3A_397 = arith.index_cast %get3A_395 : i32 to index
      %get3A_398 = arith.index_cast %multiple_of3A_363 : i32 to index
      %get3A_399 = tpu.vector_load %arg7[%get3A_396, %get3A_397, %get3A_398] {strides = array<i32>} : memref<3x16x2048xf32, #tpu.memory_space<vmem>>, vector<1x1x16xf32>,
      %get3A_400 = vector.shape_cast %get3A_399 : vector<1x1x16xf32> to vector<16xf32>
      %swap3A_401 = arith.constant 0 : i32
      %swap3A_402 = arith.constant 2 : i32
      %swap3A_403 = arith.index_cast %swap3A_401 : i32 to index
      %swap3A_404 = arith.index_cast %swap3A_402 : i32 to index
      %swap3A_405 = arith.index_cast %multiple_of3A_363 : i32 to index
      %swap3A_406 = tpu.vector_load %arg7[%swap3A_403, %swap3A_404, %swap3A_405] {strides = array<i32>} : memref<3x16x2048xf32, #tpu.memory_space<vmem>>, vector<1x1x16xf32>,
      %swap3A_407 = vector.shape_cast %swap3A_406 : vector<1x1x16xf32> to vector<16xf32>
      %swap3A_408 = vector.shape_cast %get3A_400 : vector<16xf32> to vector<1x1x16xf32>
      tpu.vector_store %arg7[%swap3A_403, %swap3A_404, %swap3A_405], %swap3A_408 {add = true, strides = array<i32>} : memref<3x16x2048xf32, #tpu.memory_space<vmem>>, vector<1x1x16xf32>,
      %get3A_409 = arith.constant 0 : i32
      %get3A_410 = arith.constant 11 : i32
      %get3A_411 = arith.index_cast %get3A_409 : i32 to index
      %get3A_412 = arith.index_cast %get3A_410 : i32 to index
      %get3A_413 = arith.index_cast %multiple_of3A_363 : i32 to index
      %get3A_414 = tpu.vector_load %arg7[%get3A_411, %get3A_412, %get3A_413] {strides = array<i32>} : memref<3x16x2048xf32, #tpu.memory_space<vmem>>, vector<1x1x16xf32>,
      %get3A_415 = vector.shape_cast %get3A_414 : vector<1x1x16xf32> to vector<16xf32>
      %swap3A_416 = arith.constant 0 : i32
      %swap3A_417 = arith.constant 3 : i32
      %swap3A_418 = arith.index_cast %swap3A_416 : i32 to index
      %swap3A_419 = arith.index_cast %swap3A_417 : i32 to index
      %swap3A_420 = arith.index_cast %multiple_of3A_363 : i32 to index
      %swap3A_421 = tpu.vector_load %arg7[%swap3A_418, %swap3A_419, %swap3A_420] {strides = array<i32>} : memref<3x16x2048xf32, #tpu.memory_space<vmem>>, vector<1x1x16xf32>,
      %swap3A_422 = vector.shape_cast %swap3A_421 : vector<1x1x16xf32> to vector<16xf32>
      %swap3A_423 = vector.shape_cast %get3A_415 : vector<16xf32> to vector<1x1x16xf32>
      tpu.vector_store %arg7[%swap3A_418, %swap3A_419, %swap3A_420], %swap3A_423 {add = true, strides = array<i32>} : memref<3x16x2048xf32, #tpu.memory_space<vmem>>, vector<1x1x16xf32>,
      %get3A_424 = arith.constant 0 : i32
      %get3A_425 = arith.constant 12 : i32
      %get3A_426 = arith.index_cast %get3A_424 : i32 to index
      %get3A_427 = arith.index_cast %get3A_425 : i32 to index
      %get3A_428 = arith.index_cast %multiple_of3A_363 : i32 to index
      %get3A_429 = tpu.vector_load %arg7[%get3A_426, %get3A_427, %get3A_428] {strides = array<i32>} : memref<3x16x2048xf32, #tpu.memory_space<vmem>>, vector<1x1x16xf32>,
      %get3A_430 = vector.shape_cast %get3A_429 : vector<1x1x16xf32> to vector<16xf32>
      %swap3A_431 = arith.constant 0 : i32
      %swap3A_432 = arith.constant 4 : i32
      %swap3A_433 = arith.index_cast %swap3A_431 : i32 to index
      %swap3A_434 = arith.index_cast %swap3A_432 : i32 to index
      %swap3A_435 = arith.index_cast %multiple_of3A_363 : i32 to index
      %swap3A_436 = tpu.vector_load %arg7[%swap3A_433, %swap3A_434, %swap3A_435] {strides = array<i32>} : memref<3x16x2048xf32, #tpu.memory_space<vmem>>, vector<1x1x16xf32>,
      %swap3A_437 = vector.shape_cast %swap3A_436 : vector<1x1x16xf32> to vector<16xf32>
      %swap3A_438 = vector.shape_cast %get3A_430 : vector<16xf32> to vector<1x1x16xf32>
      tpu.vector_store %arg7[%swap3A_433, %swap3A_434, %swap3A_435], %swap3A_438 {add = true, strides = array<i32>} : memref<3x16x2048xf32, #tpu.memory_space<vmem>>, vector<1x1x16xf32>,
      %get3A_439 = arith.constant 0 : i32
      %get3A_440 = arith.constant 13 : i32
      %get3A_441 = arith.index_cast %get3A_439 : i32 to index
      %get3A_442 = arith.index_cast %get3A_440 : i32 to index
      %get3A_443 = arith.index_cast %multiple_of3A_363 : i32 to index
      %get3A_444 = tpu.vector_load %arg7[%get3A_441, %get3A_442, %get3A_443] {strides = array<i32>} : memref<3x16x2048xf32, #tpu.memory_space<vmem>>, vector<1x1x16xf32>,
      %get3A_445 = vector.shape_cast %get3A_444 : vector<1x1x16xf32> to vector<16xf32>
      %swap3A_446 = arith.constant 0 : i32
      %swap3A_447 = arith.constant 5 : i32
      %swap3A_448 = arith.index_cast %swap3A_446 : i32 to index
      %swap3A_449 = arith.index_cast %swap3A_447 : i32 to index
      %swap3A_450 = arith.index_cast %multiple_of3A_363 : i32 to index
      %swap3A_451 = tpu.vector_load %arg7[%swap3A_448, %swap3A_449, %swap3A_450] {strides = array<i32>} : memref<3x16x2048xf32, #tpu.memory_space<vmem>>, vector<1x1x16xf32>,
      %swap3A_452 = vector.shape_cast %swap3A_451 : vector<1x1x16xf32> to vector<16xf32>
      %swap3A_453 = vector.shape_cast %get3A_445 : vector<16xf32> to vector<1x1x16xf32>
      tpu.vector_store %arg7[%swap3A_448, %swap3A_449, %swap3A_450], %swap3A_453 {add = true, strides = array<i32>} : memref<3x16x2048xf32, #tpu.memory_space<vmem>>, vector<1x1x16xf32>,
      %get3A_454 = arith.constant 0 : i32
      %get3A_455 = arith.constant 14 : i32
      %get3A_456 = arith.index_cast %get3A_454 : i32 to index
      %get3A_457 = arith.index_cast %get3A_455 : i32 to index
      %get3A_458 = arith.index_cast %multiple_of3A_363 : i32 to index
      %get3A_459 = tpu.vector_load %arg7[%get3A_456, %get3A_457, %get3A_458] {strides = array<i32>} : memref<3x16x2048xf32, #tpu.memory_space<vmem>>, vector<1x1x16xf32>,
      %get3A_460 = vector.shape_cast %get3A_459 : vector<1x1x16xf32> to vector<16xf32>
      %swap3A_461 = arith.constant 0 : i32
      %swap3A_462 = arith.constant 6 : i32
      %swap3A_463 = arith.index_cast %swap3A_461 : i32 to index
      %swap3A_464 = arith.index_cast %swap3A_462 : i32 to index
      %swap3A_465 = arith.index_cast %multiple_of3A_363 : i32 to index
      %swap3A_466 = tpu.vector_load %arg7[%swap3A_463, %swap3A_464, %swap3A_465] {strides = array<i32>} : memref<3x16x2048xf32, #tpu.memory_space<vmem>>, vector<1x1x16xf32>,
      %swap3A_467 = vector.shape_cast %swap3A_466 : vector<1x1x16xf32> to vector<16xf32>
      %swap3A_468 = vector.shape_cast %get3A_460 : vector<16xf32> to vector<1x1x16xf32>
      tpu.vector_store %arg7[%swap3A_463, %swap3A_464, %swap3A_465], %swap3A_468 {add = true, strides = array<i32>} : memref<3x16x2048xf32, #tpu.memory_space<vmem>>, vector<1x1x16xf32>,
      %get3A_469 = arith.constant 0 : i32
      %get3A_470 = arith.constant 15 : i32
      %get3A_471 = arith.index_cast %get3A_469 : i32 to index
      %get3A_472 = arith.index_cast %get3A_470 : i32 to index
      %get3A_473 = arith.index_cast %multiple_of3A_363 : i32 to index
      %get3A_474 = tpu.vector_load %arg7[%get3A_471, %get3A_472, %get3A_473] {strides = array<i32>} : memref<3x16x2048xf32, #tpu.memory_space<vmem>>, vector<1x1x16xf32>,
      %get3A_475 = vector.shape_cast %get3A_474 : vector<1x1x16xf32> to vector<16xf32>
      %swap3A_476 = arith.constant 0 : i32
      %swap3A_477 = arith.constant 7 : i32
      %swap3A_478 = arith.index_cast %swap3A_476 : i32 to index
      %swap3A_479 = arith.index_cast %swap3A_477 : i32 to index
      %swap3A_480 = arith.index_cast %multiple_of3A_363 : i32 to index
      %swap3A_481 = tpu.vector_load %arg7[%swap3A_478, %swap3A_479, %swap3A_480] {strides = array<i32>} : memref<3x16x2048xf32, #tpu.memory_space<vmem>>, vector<1x1x16xf32>,
      %swap3A_482 = vector.shape_cast %swap3A_481 : vector<1x1x16xf32> to vector<16xf32>
      %swap3A_483 = vector.shape_cast %get3A_475 : vector<16xf32> to vector<1x1x16xf32>
      tpu.vector_store %arg7[%swap3A_478, %swap3A_479, %swap3A_480], %swap3A_483 {add = true, strides = array<i32>} : memref<3x16x2048xf32, #tpu.memory_space<vmem>>, vector<1x1x16xf32>,
    }
    %scan3A_84 = arith.constant 128 : i32
    %add3A_85 = arith.constant 0 : i32
    %add3A_86 = arith.addi %mul3A_2, %add3A_85 : i32
    %mul3A_87 = arith.constant 8 : i32
    %mul3A_88 = arith.muli %add3A_86, %mul3A_87 : i32
    %multiple_of3A_89 = tpu.assume_multiple %mul3A_88, 8 : i32
    %dma_start3A_90 = arith.constant 0 : i32
    %dma_start3A_91 = arith.constant 0 : i32
    %dma_start3A_92 = arith.constant 0 : i32
    %dma_start3A_93 = tpu.memref_slice %arg7[%dma_start3A_90, %dma_start3A_91, %dma_start3A_92] : memref<3x16x2048xf32, #tpu.memory_space<vmem>> -> memref<1x8x2048xf32, #tpu.memory_space<vmem>>
    %dma_start3A_94 = tpu.memref_squeeze %dma_start3A_93 : memref<1x8x2048xf32, #tpu.memory_space<vmem>> -> memref<8x2048xf32, #tpu.memory_space<vmem>>
    %dma_start3A_95 = arith.constant 0 : i32
    %dma_start3A_96 = tpu.memref_slice %arg4[%multiple_of3A_89, %dma_start3A_95] : memref<8192x2048xf32, #tpu.memory_space<hbm>> -> memref<8x2048xf32, #tpu.memory_space<hbm>>
    %dma_start3A_97 = arith.constant 0 : i32
    %dma_start3A_98 = tpu.memref_slice %arg4[%multiple_of3A_89, %dma_start3A_97] : memref<8192x2048xf32, #tpu.memory_space<hbm>> -> memref<8x2048xf32, #tpu.memory_space<hbm>>
    %dma_start3A_99 = arith.constant 0 : i32
    %dma_start3A_100 = arith.constant 0 : i32
    %dma_start3A_101 = tpu.memref_slice %arg7[%dma_start3A_90, %dma_start3A_99, %dma_start3A_100] : memref<3x16x2048xf32, #tpu.memory_space<vmem>> -> memref<1x8x2048xf32, #tpu.memory_space<vmem>>
    %dma_start3A_102 = tpu.memref_squeeze %dma_start3A_101 : memref<1x8x2048xf32, #tpu.memory_space<vmem>> -> memref<8x2048xf32, #tpu.memory_space<vmem>>
    tpu.enqueue_dma source(%dma_start3A_102 : memref<8x2048xf32, #tpu.memory_space<vmem>>) target(%dma_start3A_98 : memref<8x2048xf32, #tpu.memory_space<hbm>>) target_semaphore(%arg11 : memref<!tpu.dma_semaphore, #tpu.memory_space<semaphore_mem>>)
    %dma_wait3A_103 = arith.constant 1 : i32
    %dma_wait3A_104 = arith.constant 0 : i32
    %dma_wait3A_105 = arith.constant 0 : i32
    %dma_wait3A_106 = tpu.memref_slice %arg7[%dma_wait3A_103, %dma_wait3A_104, %dma_wait3A_105] : memref<3x16x2048xf32, #tpu.memory_space<vmem>> -> memref<1x16x2048xf32, #tpu.memory_space<vmem>>
    %dma_wait3A_107 = tpu.memref_squeeze %dma_wait3A_106 : memref<1x16x2048xf32, #tpu.memory_space<vmem>> -> memref<16x2048xf32, #tpu.memory_space<vmem>>
    %dma_wait3A_108 = arith.constant 0 : i32
    %dma_wait3A_109 = arith.constant 0 : i32
    %dma_wait3A_110 = tpu.memref_slice %arg2[%dma_wait3A_108, %dma_wait3A_109] : memref<16384x2048xf32, #tpu.memory_space<hbm>> -> memref<16x2048xf32, #tpu.memory_space<hbm>>
    %dma_wait3A_111 = arith.constant 0 : i32
    %dma_wait3A_112 = arith.constant 0 : i32
    %dma_wait3A_113 = tpu.memref_slice %arg7[%dma_wait3A_103, %dma_wait3A_111, %dma_wait3A_112] : memref<3x16x2048xf32, #tpu.memory_space<vmem>> -> memref<1x16x2048xf32, #tpu.memory_space<vmem>>
    %dma_wait3A_114 = tpu.memref_squeeze %dma_wait3A_113 : memref<1x16x2048xf32, #tpu.memory_space<vmem>> -> memref<16x2048xf32, #tpu.memory_space<vmem>>
    %dma_wait3A_115 = arith.constant 0 : i32
    %dma_wait3A_116 = arith.constant 0 : i32
    %dma_wait3A_117 = tpu.memref_slice %arg2[%dma_wait3A_115, %dma_wait3A_116] : memref<16384x2048xf32, #tpu.memory_space<hbm>> -> memref<16x2048xf32, #tpu.memory_space<hbm>>
    tpu.wait_dma2 semaphore(%arg9 : memref<!tpu.dma_semaphore, #tpu.memory_space<semaphore_mem>>) src(%dma_wait3A_117 : memref<16x2048xf32, #tpu.memory_space<hbm>>) dst(%dma_wait3A_114 : memref<16x2048xf32, #tpu.memory_space<vmem>>)
    %dma_wait3A_118 = arith.constant 0 : i32
    %dma_wait3A_119 = arith.constant 0 : i32
    %dma_wait3A_120 = arith.constant 0 : i32
    %dma_wait3A_121 = tpu.memref_slice %arg7[%dma_wait3A_118, %dma_wait3A_119, %dma_wait3A_120] : memref<3x16x2048xf32, #tpu.memory_space<vmem>> -> memref<1x8x2048xf32, #tpu.memory_space<vmem>>
    %dma_wait3A_122 = tpu.memref_squeeze %dma_wait3A_121 : memref<1x8x2048xf32, #tpu.memory_space<vmem>> -> memref<8x2048xf32, #tpu.memory_space<vmem>>
    %dma_wait3A_123 = arith.constant 0 : i32
    %dma_wait3A_124 = arith.constant 0 : i32
    %dma_wait3A_125 = tpu.memref_slice %arg2[%dma_wait3A_123, %dma_wait3A_124] : memref<16384x2048xf32, #tpu.memory_space<hbm>> -> memref<8x2048xf32, #tpu.memory_space<hbm>>
    %dma_wait3A_126 = arith.constant 0 : i32
    %dma_wait3A_127 = arith.constant 0 : i32
    %dma_wait3A_128 = tpu.memref_slice %arg7[%dma_wait3A_118, %dma_wait3A_126, %dma_wait3A_127] : memref<3x16x2048xf32, #tpu.memory_space<vmem>> -> memref<1x8x2048xf32, #tpu.memory_space<vmem>>
    %dma_wait3A_129 = tpu.memref_squeeze %dma_wait3A_128 : memref<1x8x2048xf32, #tpu.memory_space<vmem>> -> memref<8x2048xf32, #tpu.memory_space<vmem>>
    %dma_wait3A_130 = arith.constant 0 : i32
    %dma_wait3A_131 = arith.constant 0 : i32
    %dma_wait3A_132 = tpu.memref_slice %arg2[%dma_wait3A_130, %dma_wait3A_131] : memref<16384x2048xf32, #tpu.memory_space<hbm>> -> memref<8x2048xf32, #tpu.memory_space<hbm>>
    tpu.wait_dma2 semaphore(%arg11 : memref<!tpu.dma_semaphore, #tpu.memory_space<semaphore_mem>>) src(%dma_wait3A_132 : memref<8x2048xf32, #tpu.memory_space<hbm>>) dst(%dma_wait3A_129 : memref<8x2048xf32, #tpu.memory_space<vmem>>)
    %dma_start3A_133 = arith.constant 0 : i32
    %dma_start3A_134 = arith.constant 0 : i32
    %dma_start3A_135 = arith.constant 0 : i32
    %dma_start3A_136 = tpu.memref_slice %arg7[%dma_start3A_133, %dma_start3A_134, %dma_start3A_135] : memref<3x16x2048xf32, #tpu.memory_space<vmem>> -> memref<1x16x2048xf32, #tpu.memory_space<vmem>>
    %dma_start3A_137 = tpu.memref_squeeze %dma_start3A_136 : memref<1x16x2048xf32, #tpu.memory_space<vmem>> -> memref<16x2048xf32, #tpu.memory_space<vmem>>
    %dma_start3A_138 = arith.constant 48 : i32
    %dma_start3A_139 = tpu.memref_slice %arg6[%dma_start3A_138] : memref<512xi32, #tpu.memory_space<vmem>> -> memref<16xi32, #tpu.memory_space<vmem>>
    %dma_start3A_140 = arith.constant 0 : i32
    %dma_start3A_141 = arith.constant 0 : i32
    %dma_start3A_142 = tpu.memref_slice %arg2[%dma_start3A_140, %dma_start3A_141] : memref<16384x2048xf32, #tpu.memory_space<hbm>> -> memref<16384x2048xf32, #tpu.memory_space<hbm>>
    tpu.enqueue_indirect_dma source(%dma_start3A_142 : memref<16384x2048xf32, #tpu.memory_space<hbm>>) target(%dma_start3A_137 : memref<16x2048xf32, #tpu.memory_space<vmem>>) offsets(%dma_start3A_139 : memref<16xi32, #tpu.memory_space<vmem>>) semaphore(%arg8 : memref<!tpu.dma_semaphore, #tpu.memory_space<semaphore_mem>>)
    %scan3A_143 = arith.constant 0 : i32
    %scan3A_144 = arith.constant 0 : i32
    %scan3A_145 = arith.constant 128 : i32
    %scan3A_146 = arith.addi %scan3A_144, %scan3A_145 : i32
    %scan3A_147 = arith.constant 1 : i32
    scf.for %scan3A_360 = %scan3A_144 to %scan3A_146 step %scan3A_147  : i32 {
      %mul3A_361 = arith.constant 16 : i32
      %mul3A_362 = arith.muli %scan3A_360, %mul3A_361 : i32
      %multiple_of3A_363 = tpu.assume_multiple %mul3A_362, 16 : i32
      %get3A_364 = arith.constant 1 : i32
      %get3A_365 = arith.constant 8 : i32
      %get3A_366 = arith.index_cast %get3A_364 : i32 to index
      %get3A_367 = arith.index_cast %get3A_365 : i32 to index
      %get3A_368 = arith.index_cast %multiple_of3A_363 : i32 to index
      %get3A_369 = tpu.vector_load %arg7[%get3A_366, %get3A_367, %get3A_368] {strides = array<i32>} : memref<3x16x2048xf32, #tpu.memory_space<vmem>>, vector<1x1x16xf32>,
      %get3A_370 = vector.shape_cast %get3A_369 : vector<1x1x16xf32> to vector<16xf32>
      %swap3A_371 = arith.constant 1 : i32
      %swap3A_372 = arith.constant 0 : i32
      %swap3A_373 = arith.index_cast %swap3A_371 : i32 to index
      %swap3A_374 = arith.index_cast %swap3A_372 : i32 to index
      %swap3A_375 = arith.index_cast %multiple_of3A_363 : i32 to index
      %swap3A_376 = tpu.vector_load %arg7[%swap3A_373, %swap3A_374, %swap3A_375] {strides = array<i32>} : memref<3x16x2048xf32, #tpu.memory_space<vmem>>, vector<1x1x16xf32>,
      %swap3A_377 = vector.shape_cast %swap3A_376 : vector<1x1x16xf32> to vector<16xf32>
      %swap3A_378 = vector.shape_cast %get3A_370 : vector<16xf32> to vector<1x1x16xf32>
      tpu.vector_store %arg7[%swap3A_373, %swap3A_374, %swap3A_375], %swap3A_378 {add = true, strides = array<i32>} : memref<3x16x2048xf32, #tpu.memory_space<vmem>>, vector<1x1x16xf32>,
      %get3A_379 = arith.constant 1 : i32
      %get3A_380 = arith.constant 9 : i32
      %get3A_381 = arith.index_cast %get3A_379 : i32 to index
      %get3A_382 = arith.index_cast %get3A_380 : i32 to index
      %get3A_383 = arith.index_cast %multiple_of3A_363 : i32 to index
      %get3A_384 = tpu.vector_load %arg7[%get3A_381, %get3A_382, %get3A_383] {strides = array<i32>} : memref<3x16x2048xf32, #tpu.memory_space<vmem>>, vector<1x1x16xf32>,
      %get3A_385 = vector.shape_cast %get3A_384 : vector<1x1x16xf32> to vector<16xf32>
      %swap3A_386 = arith.constant 1 : i32
      %swap3A_387 = arith.constant 1 : i32
      %swap3A_388 = arith.index_cast %swap3A_386 : i32 to index
      %swap3A_389 = arith.index_cast %swap3A_387 : i32 to index
      %swap3A_390 = arith.index_cast %multiple_of3A_363 : i32 to index
      %swap3A_391 = tpu.vector_load %arg7[%swap3A_388, %swap3A_389, %swap3A_390] {strides = array<i32>} : memref<3x16x2048xf32, #tpu.memory_space<vmem>>, vector<1x1x16xf32>,
      %swap3A_392 = vector.shape_cast %swap3A_391 : vector<1x1x16xf32> to vector<16xf32>
      %swap3A_393 = vector.shape_cast %get3A_385 : vector<16xf32> to vector<1x1x16xf32>
      tpu.vector_store %arg7[%swap3A_388, %swap3A_389, %swap3A_390], %swap3A_393 {add = true, strides = array<i32>} : memref<3x16x2048xf32, #tpu.memory_space<vmem>>, vector<1x1x16xf32>,
      %get3A_394 = arith.constant 1 : i32
      %get3A_395 = arith.constant 10 : i32
      %get3A_396 = arith.index_cast %get3A_394 : i32 to index
      %get3A_397 = arith.index_cast %get3A_395 : i32 to index
      %get3A_398 = arith.index_cast %multiple_of3A_363 : i32 to index
      %get3A_399 = tpu.vector_load %arg7[%get3A_396, %get3A_397, %get3A_398] {strides = array<i32>} : memref<3x16x2048xf32, #tpu.memory_space<vmem>>, vector<1x1x16xf32>,
      %get3A_400 = vector.shape_cast %get3A_399 : vector<1x1x16xf32> to vector<16xf32>
      %swap3A_401 = arith.constant 1 : i32
      %swap3A_402 = arith.constant 2 : i32
      %swap3A_403 = arith.index_cast %swap3A_401 : i32 to index
      %swap3A_404 = arith.index_cast %swap3A_402 : i32 to index
      %swap3A_405 = arith.index_cast %multiple_of3A_363 : i32 to index
      %swap3A_406 = tpu.vector_load %arg7[%swap3A_403, %swap3A_404, %swap3A_405] {strides = array<i32>} : memref<3x16x2048xf32, #tpu.memory_space<vmem>>, vector<1x1x16xf32>,
      %swap3A_407 = vector.shape_cast %swap3A_406 : vector<1x1x16xf32> to vector<16xf32>
      %swap3A_408 = vector.shape_cast %get3A_400 : vector<16xf32> to vector<1x1x16xf32>
      tpu.vector_store %arg7[%swap3A_403, %swap3A_404, %swap3A_405], %swap3A_408 {add = true, strides = array<i32>} : memref<3x16x2048xf32, #tpu.memory_space<vmem>>, vector<1x1x16xf32>,
      %get3A_409 = arith.constant 1 : i32
      %get3A_410 = arith.constant 11 : i32
      %get3A_411 = arith.index_cast %get3A_409 : i32 to index
      %get3A_412 = arith.index_cast %get3A_410 : i32 to index
      %get3A_413 = arith.index_cast %multiple_of3A_363 : i32 to index
      %get3A_414 = tpu.vector_load %arg7[%get3A_411, %get3A_412, %get3A_413] {strides = array<i32>} : memref<3x16x2048xf32, #tpu.memory_space<vmem>>, vector<1x1x16xf32>,
      %get3A_415 = vector.shape_cast %get3A_414 : vector<1x1x16xf32> to vector<16xf32>
      %swap3A_416 = arith.constant 1 : i32
      %swap3A_417 = arith.constant 3 : i32
      %swap3A_418 = arith.index_cast %swap3A_416 : i32 to index
      %swap3A_419 = arith.index_cast %swap3A_417 : i32 to index
      %swap3A_420 = arith.index_cast %multiple_of3A_363 : i32 to index
      %swap3A_421 = tpu.vector_load %arg7[%swap3A_418, %swap3A_419, %swap3A_420] {strides = array<i32>} : memref<3x16x2048xf32, #tpu.memory_space<vmem>>, vector<1x1x16xf32>,
      %swap3A_422 = vector.shape_cast %swap3A_421 : vector<1x1x16xf32> to vector<16xf32>
      %swap3A_423 = vector.shape_cast %get3A_415 : vector<16xf32> to vector<1x1x16xf32>
      tpu.vector_store %arg7[%swap3A_418, %swap3A_419, %swap3A_420], %swap3A_423 {add = true, strides = array<i32>} : memref<3x16x2048xf32, #tpu.memory_space<vmem>>, vector<1x1x16xf32>,
      %get3A_424 = arith.constant 1 : i32
      %get3A_425 = arith.constant 12 : i32
      %get3A_426 = arith.index_cast %get3A_424 : i32 to index
      %get3A_427 = arith.index_cast %get3A_425 : i32 to index
      %get3A_428 = arith.index_cast %multiple_of3A_363 : i32 to index
      %get3A_429 = tpu.vector_load %arg7[%get3A_426, %get3A_427, %get3A_428] {strides = array<i32>} : memref<3x16x2048xf32, #tpu.memory_space<vmem>>, vector<1x1x16xf32>,
      %get3A_430 = vector.shape_cast %get3A_429 : vector<1x1x16xf32> to vector<16xf32>
      %swap3A_431 = arith.constant 1 : i32
      %swap3A_432 = arith.constant 4 : i32
      %swap3A_433 = arith.index_cast %swap3A_431 : i32 to index
      %swap3A_434 = arith.index_cast %swap3A_432 : i32 to index
      %swap3A_435 = arith.index_cast %multiple_of3A_363 : i32 to index
      %swap3A_436 = tpu.vector_load %arg7[%swap3A_433, %swap3A_434, %swap3A_435] {strides = array<i32>} : memref<3x16x2048xf32, #tpu.memory_space<vmem>>, vector<1x1x16xf32>,
      %swap3A_437 = vector.shape_cast %swap3A_436 : vector<1x1x16xf32> to vector<16xf32>
      %swap3A_438 = vector.shape_cast %get3A_430 : vector<16xf32> to vector<1x1x16xf32>
      tpu.vector_store %arg7[%swap3A_433, %swap3A_434, %swap3A_435], %swap3A_438 {add = true, strides = array<i32>} : memref<3x16x2048xf32, #tpu.memory_space<vmem>>, vector<1x1x16xf32>,
      %get3A_439 = arith.constant 1 : i32
      %get3A_440 = arith.constant 13 : i32
      %get3A_441 = arith.index_cast %get3A_439 : i32 to index
      %get3A_442 = arith.index_cast %get3A_440 : i32 to index
      %get3A_443 = arith.index_cast %multiple_of3A_363 : i32 to index
      %get3A_444 = tpu.vector_load %arg7[%get3A_441, %get3A_442, %get3A_443] {strides = array<i32>} : memref<3x16x2048xf32, #tpu.memory_space<vmem>>, vector<1x1x16xf32>,
      %get3A_445 = vector.shape_cast %get3A_444 : vector<1x1x16xf32> to vector<16xf32>
      %swap3A_446 = arith.constant 1 : i32
      %swap3A_447 = arith.constant 5 : i32
      %swap3A_448 = arith.index_cast %swap3A_446 : i32 to index
      %swap3A_449 = arith.index_cast %swap3A_447 : i32 to index
      %swap3A_450 = arith.index_cast %multiple_of3A_363 : i32 to index
      %swap3A_451 = tpu.vector_load %arg7[%swap3A_448, %swap3A_449, %swap3A_450] {strides = array<i32>} : memref<3x16x2048xf32, #tpu.memory_space<vmem>>, vector<1x1x16xf32>,
      %swap3A_452 = vector.shape_cast %swap3A_451 : vector<1x1x16xf32> to vector<16xf32>
      %swap3A_453 = vector.shape_cast %get3A_445 : vector<16xf32> to vector<1x1x16xf32>
      tpu.vector_store %arg7[%swap3A_448, %swap3A_449, %swap3A_450], %swap3A_453 {add = true, strides = array<i32>} : memref<3x16x2048xf32, #tpu.memory_space<vmem>>, vector<1x1x16xf32>,
      %get3A_454 = arith.constant 1 : i32
      %get3A_455 = arith.constant 14 : i32
      %get3A_456 = arith.index_cast %get3A_454 : i32 to index
      %get3A_457 = arith.index_cast %get3A_455 : i32 to index
      %get3A_458 = arith.index_cast %multiple_of3A_363 : i32 to index
      %get3A_459 = tpu.vector_load %arg7[%get3A_456, %get3A_457, %get3A_458] {strides = array<i32>} : memref<3x16x2048xf32, #tpu.memory_space<vmem>>, vector<1x1x16xf32>,
      %get3A_460 = vector.shape_cast %get3A_459 : vector<1x1x16xf32> to vector<16xf32>
      %swap3A_461 = arith.constant 1 : i32
      %swap3A_462 = arith.constant 6 : i32
      %swap3A_463 = arith.index_cast %swap3A_461 : i32 to index
      %swap3A_464 = arith.index_cast %swap3A_462 : i32 to index
      %swap3A_465 = arith.index_cast %multiple_of3A_363 : i32 to index
      %swap3A_466 = tpu.vector_load %arg7[%swap3A_463, %swap3A_464, %swap3A_465] {strides = array<i32>} : memref<3x16x2048xf32, #tpu.memory_space<vmem>>, vector<1x1x16xf32>,
      %swap3A_467 = vector.shape_cast %swap3A_466 : vector<1x1x16xf32> to vector<16xf32>
      %swap3A_468 = vector.shape_cast %get3A_460 : vector<16xf32> to vector<1x1x16xf32>
      tpu.vector_store %arg7[%swap3A_463, %swap3A_464, %swap3A_465], %swap3A_468 {add = true, strides = array<i32>} : memref<3x16x2048xf32, #tpu.memory_space<vmem>>, vector<1x1x16xf32>,
      %get3A_469 = arith.constant 1 : i32
      %get3A_470 = arith.constant 15 : i32
      %get3A_471 = arith.index_cast %get3A_469 : i32 to index
      %get3A_472 = arith.index_cast %get3A_470 : i32 to index
      %get3A_473 = arith.index_cast %multiple_of3A_363 : i32 to index
      %get3A_474 = tpu.vector_load %arg7[%get3A_471, %get3A_472, %get3A_473] {strides = array<i32>} : memref<3x16x2048xf32, #tpu.memory_space<vmem>>, vector<1x1x16xf32>,
      %get3A_475 = vector.shape_cast %get3A_474 : vector<1x1x16xf32> to vector<16xf32>
      %swap3A_476 = arith.constant 1 : i32
      %swap3A_477 = arith.constant 7 : i32
      %swap3A_478 = arith.index_cast %swap3A_476 : i32 to index
      %swap3A_479 = arith.index_cast %swap3A_477 : i32 to index
      %swap3A_480 = arith.index_cast %multiple_of3A_363 : i32 to index
      %swap3A_481 = tpu.vector_load %arg7[%swap3A_478, %swap3A_479, %swap3A_480] {strides = array<i32>} : memref<3x16x2048xf32, #tpu.memory_space<vmem>>, vector<1x1x16xf32>,
      %swap3A_482 = vector.shape_cast %swap3A_481 : vector<1x1x16xf32> to vector<16xf32>
      %swap3A_483 = vector.shape_cast %get3A_475 : vector<16xf32> to vector<1x1x16xf32>
      tpu.vector_store %arg7[%swap3A_478, %swap3A_479, %swap3A_480], %swap3A_483 {add = true, strides = array<i32>} : memref<3x16x2048xf32, #tpu.memory_space<vmem>>, vector<1x1x16xf32>,
    }
    %scan3A_148 = arith.constant 128 : i32
    %add3A_149 = arith.constant 1 : i32
    %add3A_150 = arith.addi %mul3A_2, %add3A_149 : i32
    %mul3A_151 = arith.constant 8 : i32
    %mul3A_152 = arith.muli %add3A_150, %mul3A_151 : i32
    %multiple_of3A_153 = tpu.assume_multiple %mul3A_152, 8 : i32
    %dma_start3A_154 = arith.constant 1 : i32
    %dma_start3A_155 = arith.constant 0 : i32
    %dma_start3A_156 = arith.constant 0 : i32
    %dma_start3A_157 = tpu.memref_slice %arg7[%dma_start3A_154, %dma_start3A_155, %dma_start3A_156] : memref<3x16x2048xf32, #tpu.memory_space<vmem>> -> memref<1x8x2048xf32, #tpu.memory_space<vmem>>
    %dma_start3A_158 = tpu.memref_squeeze %dma_start3A_157 : memref<1x8x2048xf32, #tpu.memory_space<vmem>> -> memref<8x2048xf32, #tpu.memory_space<vmem>>
    %dma_start3A_159 = arith.constant 0 : i32
    %dma_start3A_160 = tpu.memref_slice %arg4[%multiple_of3A_153, %dma_start3A_159] : memref<8192x2048xf32, #tpu.memory_space<hbm>> -> memref<8x2048xf32, #tpu.memory_space<hbm>>
    %dma_start3A_161 = arith.constant 0 : i32
    %dma_start3A_162 = tpu.memref_slice %arg4[%multiple_of3A_153, %dma_start3A_161] : memref<8192x2048xf32, #tpu.memory_space<hbm>> -> memref<8x2048xf32, #tpu.memory_space<hbm>>
    %dma_start3A_163 = arith.constant 0 : i32
    %dma_start3A_164 = arith.constant 0 : i32
    %dma_start3A_165 = tpu.memref_slice %arg7[%dma_start3A_154, %dma_start3A_163, %dma_start3A_164] : memref<3x16x2048xf32, #tpu.memory_space<vmem>> -> memref<1x8x2048xf32, #tpu.memory_space<vmem>>
    %dma_start3A_166 = tpu.memref_squeeze %dma_start3A_165 : memref<1x8x2048xf32, #tpu.memory_space<vmem>> -> memref<8x2048xf32, #tpu.memory_space<vmem>>
    tpu.enqueue_dma source(%dma_start3A_166 : memref<8x2048xf32, #tpu.memory_space<vmem>>) target(%dma_start3A_162 : memref<8x2048xf32, #tpu.memory_space<hbm>>) target_semaphore(%arg12 : memref<!tpu.dma_semaphore, #tpu.memory_space<semaphore_mem>>)
    %scan3A_167 = arith.constant 0 : i32
    %scan3A_168 = arith.constant 0 : i32
    %scan3A_169 = arith.constant 9 : i32
    %scan3A_170 = arith.addi %scan3A_168, %scan3A_169 : i32
    %scan3A_171 = arith.constant 1 : i32
    scf.for %scan3A_360 = %scan3A_168 to %scan3A_170 step %scan3A_171  : i32 {
      %mul3A_361 = arith.constant 3 : i32
      %mul3A_362 = arith.muli %mul3A_361, %scan3A_360 : i32
      %add3A_363 = arith.constant 2 : i32
      %add3A_364 = arith.addi %mul3A_362, %add3A_363 : i32
      %dma_wait3A_365 = arith.constant 2 : i32
      %dma_wait3A_366 = arith.constant 0 : i32
      %dma_wait3A_367 = arith.constant 0 : i32
      %dma_wait3A_368 = tpu.memref_slice %arg7[%dma_wait3A_365, %dma_wait3A_366, %dma_wait3A_367] : memref<3x16x2048xf32, #tpu.memory_space<vmem>> -> memref<1x16x2048xf32, #tpu.memory_space<vmem>>
      %dma_wait3A_369 = tpu.memref_squeeze %dma_wait3A_368 : memref<1x16x2048xf32, #tpu.memory_space<vmem>> -> memref<16x2048xf32, #tpu.memory_space<vmem>>
      %dma_wait3A_370 = arith.constant 0 : i32
      %dma_wait3A_371 = arith.constant 0 : i32
      %dma_wait3A_372 = tpu.memref_slice %arg2[%dma_wait3A_370, %dma_wait3A_371] : memref<16384x2048xf32, #tpu.memory_space<hbm>> -> memref<16x2048xf32, #tpu.memory_space<hbm>>
      %dma_wait3A_373 = arith.constant 0 : i32
      %dma_wait3A_374 = arith.constant 0 : i32
      %dma_wait3A_375 = tpu.memref_slice %arg7[%dma_wait3A_365, %dma_wait3A_373, %dma_wait3A_374] : memref<3x16x2048xf32, #tpu.memory_space<vmem>> -> memref<1x16x2048xf32, #tpu.memory_space<vmem>>
      %dma_wait3A_376 = tpu.memref_squeeze %dma_wait3A_375 : memref<1x16x2048xf32, #tpu.memory_space<vmem>> -> memref<16x2048xf32, #tpu.memory_space<vmem>>
      %dma_wait3A_377 = arith.constant 0 : i32
      %dma_wait3A_378 = arith.constant 0 : i32
      %dma_wait3A_379 = tpu.memref_slice %arg2[%dma_wait3A_377, %dma_wait3A_378] : memref<16384x2048xf32, #tpu.memory_space<hbm>> -> memref<16x2048xf32, #tpu.memory_space<hbm>>
      tpu.wait_dma2 semaphore(%arg10 : memref<!tpu.dma_semaphore, #tpu.memory_space<semaphore_mem>>) src(%dma_wait3A_379 : memref<16x2048xf32, #tpu.memory_space<hbm>>) dst(%dma_wait3A_376 : memref<16x2048xf32, #tpu.memory_space<vmem>>)
      %dma_wait3A_380 = arith.constant 1 : i32
      %dma_wait3A_381 = arith.constant 0 : i32
      %dma_wait3A_382 = arith.constant 0 : i32
      %dma_wait3A_383 = tpu.memref_slice %arg7[%dma_wait3A_380, %dma_wait3A_381, %dma_wait3A_382] : memref<3x16x2048xf32, #tpu.memory_space<vmem>> -> memref<1x8x2048xf32, #tpu.memory_space<vmem>>
      %dma_wait3A_384 = tpu.memref_squeeze %dma_wait3A_383 : memref<1x8x2048xf32, #tpu.memory_space<vmem>> -> memref<8x2048xf32, #tpu.memory_space<vmem>>
      %dma_wait3A_385 = arith.constant 0 : i32
      %dma_wait3A_386 = arith.constant 0 : i32
      %dma_wait3A_387 = tpu.memref_slice %arg2[%dma_wait3A_385, %dma_wait3A_386] : memref<16384x2048xf32, #tpu.memory_space<hbm>> -> memref<8x2048xf32, #tpu.memory_space<hbm>>
      %dma_wait3A_388 = arith.constant 0 : i32
      %dma_wait3A_389 = arith.constant 0 : i32
      %dma_wait3A_390 = tpu.memref_slice %arg7[%dma_wait3A_380, %dma_wait3A_388, %dma_wait3A_389] : memref<3x16x2048xf32, #tpu.memory_space<vmem>> -> memref<1x8x2048xf32, #tpu.memory_space<vmem>>
      %dma_wait3A_391 = tpu.memref_squeeze %dma_wait3A_390 : memref<1x8x2048xf32, #tpu.memory_space<vmem>> -> memref<8x2048xf32, #tpu.memory_space<vmem>>
      %dma_wait3A_392 = arith.constant 0 : i32
      %dma_wait3A_393 = arith.constant 0 : i32
      %dma_wait3A_394 = tpu.memref_slice %arg2[%dma_wait3A_392, %dma_wait3A_393] : memref<16384x2048xf32, #tpu.memory_space<hbm>> -> memref<8x2048xf32, #tpu.memory_space<hbm>>
      tpu.wait_dma2 semaphore(%arg12 : memref<!tpu.dma_semaphore, #tpu.memory_space<semaphore_mem>>) src(%dma_wait3A_394 : memref<8x2048xf32, #tpu.memory_space<hbm>>) dst(%dma_wait3A_391 : memref<8x2048xf32, #tpu.memory_space<vmem>>)
      %add3A_395 = arith.constant 2 : i32
      %add3A_396 = arith.addi %add3A_364, %add3A_395 : i32
      %mul3A_397 = arith.constant 16 : i32
      %mul3A_398 = arith.muli %add3A_396, %mul3A_397 : i32
      %multiple_of3A_399 = tpu.assume_multiple %mul3A_398, 8 : i32
      %dma_start3A_400 = arith.constant 1 : i32
      %dma_start3A_401 = arith.constant 0 : i32
      %dma_start3A_402 = arith.constant 0 : i32
      %dma_start3A_403 = tpu.memref_slice %arg7[%dma_start3A_400, %dma_start3A_401, %dma_start3A_402] : memref<3x16x2048xf32, #tpu.memory_space<vmem>> -> memref<1x16x2048xf32, #tpu.memory_space<vmem>>
      %dma_start3A_404 = tpu.memref_squeeze %dma_start3A_403 : memref<1x16x2048xf32, #tpu.memory_space<vmem>> -> memref<16x2048xf32, #tpu.memory_space<vmem>>
      %dma_start3A_405 = tpu.memref_slice %arg6[%multiple_of3A_399] : memref<512xi32, #tpu.memory_space<vmem>> -> memref<16xi32, #tpu.memory_space<vmem>>
      %dma_start3A_406 = arith.constant 0 : i32
      %dma_start3A_407 = arith.constant 0 : i32
      %dma_start3A_408 = tpu.memref_slice %arg2[%dma_start3A_406, %dma_start3A_407] : memref<16384x2048xf32, #tpu.memory_space<hbm>> -> memref<16384x2048xf32, #tpu.memory_space<hbm>>
      tpu.enqueue_indirect_dma source(%dma_start3A_408 : memref<16384x2048xf32, #tpu.memory_space<hbm>>) target(%dma_start3A_404 : memref<16x2048xf32, #tpu.memory_space<vmem>>) offsets(%dma_start3A_405 : memref<16xi32, #tpu.memory_space<vmem>>) semaphore(%arg9 : memref<!tpu.dma_semaphore, #tpu.memory_space<semaphore_mem>>)
      %scan3A_409 = arith.constant 0 : i32
      %scan3A_410 = arith.constant 0 : i32
      %scan3A_411 = arith.constant 128 : i32
      %scan3A_412 = arith.addi %scan3A_410, %scan3A_411 : i32
      %scan3A_413 = arith.constant 1 : i32
      scf.for %scan3A_570 = %scan3A_410 to %scan3A_412 step %scan3A_413  : i32 {
        %mul3A_571 = arith.constant 16 : i32
        %mul3A_572 = arith.muli %scan3A_570, %mul3A_571 : i32
        %multiple_of3A_573 = tpu.assume_multiple %mul3A_572, 16 : i32
        %get3A_574 = arith.constant 2 : i32
        %get3A_575 = arith.constant 8 : i32
        %get3A_576 = arith.index_cast %get3A_574 : i32 to index
        %get3A_577 = arith.index_cast %get3A_575 : i32 to index
        %get3A_578 = arith.index_cast %multiple_of3A_573 : i32 to index
        %get3A_579 = tpu.vector_load %arg7[%get3A_576, %get3A_577, %get3A_578] {strides = array<i32>} : memref<3x16x2048xf32, #tpu.memory_space<vmem>>, vector<1x1x16xf32>,
        %get3A_580 = vector.shape_cast %get3A_579 : vector<1x1x16xf32> to vector<16xf32>
        %swap3A_581 = arith.constant 2 : i32
        %swap3A_582 = arith.constant 0 : i32
        %swap3A_583 = arith.index_cast %swap3A_581 : i32 to index
        %swap3A_584 = arith.index_cast %swap3A_582 : i32 to index
        %swap3A_585 = arith.index_cast %multiple_of3A_573 : i32 to index
        %swap3A_586 = tpu.vector_load %arg7[%swap3A_583, %swap3A_584, %swap3A_585] {strides = array<i32>} : memref<3x16x2048xf32, #tpu.memory_space<vmem>>, vector<1x1x16xf32>,
        %swap3A_587 = vector.shape_cast %swap3A_586 : vector<1x1x16xf32> to vector<16xf32>
        %swap3A_588 = vector.shape_cast %get3A_580 : vector<16xf32> to vector<1x1x16xf32>
        tpu.vector_store %arg7[%swap3A_583, %swap3A_584, %swap3A_585], %swap3A_588 {add = true, strides = array<i32>} : memref<3x16x2048xf32, #tpu.memory_space<vmem>>, vector<1x1x16xf32>,
        %get3A_589 = arith.constant 2 : i32
        %get3A_590 = arith.constant 9 : i32
        %get3A_591 = arith.index_cast %get3A_589 : i32 to index
        %get3A_592 = arith.index_cast %get3A_590 : i32 to index
        %get3A_593 = arith.index_cast %multiple_of3A_573 : i32 to index
        %get3A_594 = tpu.vector_load %arg7[%get3A_591, %get3A_592, %get3A_593] {strides = array<i32>} : memref<3x16x2048xf32, #tpu.memory_space<vmem>>, vector<1x1x16xf32>,
        %get3A_595 = vector.shape_cast %get3A_594 : vector<1x1x16xf32> to vector<16xf32>
        %swap3A_596 = arith.constant 2 : i32
        %swap3A_597 = arith.constant 1 : i32
        %swap3A_598 = arith.index_cast %swap3A_596 : i32 to index
        %swap3A_599 = arith.index_cast %swap3A_597 : i32 to index
        %swap3A_600 = arith.index_cast %multiple_of3A_573 : i32 to index
        %swap3A_601 = tpu.vector_load %arg7[%swap3A_598, %swap3A_599, %swap3A_600] {strides = array<i32>} : memref<3x16x2048xf32, #tpu.memory_space<vmem>>, vector<1x1x16xf32>,
        %swap3A_602 = vector.shape_cast %swap3A_601 : vector<1x1x16xf32> to vector<16xf32>
        %swap3A_603 = vector.shape_cast %get3A_595 : vector<16xf32> to vector<1x1x16xf32>
        tpu.vector_store %arg7[%swap3A_598, %swap3A_599, %swap3A_600], %swap3A_603 {add = true, strides = array<i32>} : memref<3x16x2048xf32, #tpu.memory_space<vmem>>, vector<1x1x16xf32>,
        %get3A_604 = arith.constant 2 : i32
        %get3A_605 = arith.constant 10 : i32
        %get3A_606 = arith.index_cast %get3A_604 : i32 to index
        %get3A_607 = arith.index_cast %get3A_605 : i32 to index
        %get3A_608 = arith.index_cast %multiple_of3A_573 : i32 to index
        %get3A_609 = tpu.vector_load %arg7[%get3A_606, %get3A_607, %get3A_608] {strides = array<i32>} : memref<3x16x2048xf32, #tpu.memory_space<vmem>>, vector<1x1x16xf32>,
        %get3A_610 = vector.shape_cast %get3A_609 : vector<1x1x16xf32> to vector<16xf32>
        %swap3A_611 = arith.constant 2 : i32
        %swap3A_612 = arith.constant 2 : i32
        %swap3A_613 = arith.index_cast %swap3A_611 : i32 to index
        %swap3A_614 = arith.index_cast %swap3A_612 : i32 to index
        %swap3A_615 = arith.index_cast %multiple_of3A_573 : i32 to index
        %swap3A_616 = tpu.vector_load %arg7[%swap3A_613, %swap3A_614, %swap3A_615] {strides = array<i32>} : memref<3x16x2048xf32, #tpu.memory_space<vmem>>, vector<1x1x16xf32>,
        %swap3A_617 = vector.shape_cast %swap3A_616 : vector<1x1x16xf32> to vector<16xf32>
        %swap3A_618 = vector.shape_cast %get3A_610 : vector<16xf32> to vector<1x1x16xf32>
        tpu.vector_store %arg7[%swap3A_613, %swap3A_614, %swap3A_615], %swap3A_618 {add = true, strides = array<i32>} : memref<3x16x2048xf32, #tpu.memory_space<vmem>>, vector<1x1x16xf32>,
        %get3A_619 = arith.constant 2 : i32
        %get3A_620 = arith.constant 11 : i32
        %get3A_621 = arith.index_cast %get3A_619 : i32 to index
        %get3A_622 = arith.index_cast %get3A_620 : i32 to index
        %get3A_623 = arith.index_cast %multiple_of3A_573 : i32 to index
        %get3A_624 = tpu.vector_load %arg7[%get3A_621, %get3A_622, %get3A_623] {strides = array<i32>} : memref<3x16x2048xf32, #tpu.memory_space<vmem>>, vector<1x1x16xf32>,
        %get3A_625 = vector.shape_cast %get3A_624 : vector<1x1x16xf32> to vector<16xf32>
        %swap3A_626 = arith.constant 2 : i32
        %swap3A_627 = arith.constant 3 : i32
        %swap3A_628 = arith.index_cast %swap3A_626 : i32 to index
        %swap3A_629 = arith.index_cast %swap3A_627 : i32 to index
        %swap3A_630 = arith.index_cast %multiple_of3A_573 : i32 to index
        %swap3A_631 = tpu.vector_load %arg7[%swap3A_628, %swap3A_629, %swap3A_630] {strides = array<i32>} : memref<3x16x2048xf32, #tpu.memory_space<vmem>>, vector<1x1x16xf32>,
        %swap3A_632 = vector.shape_cast %swap3A_631 : vector<1x1x16xf32> to vector<16xf32>
        %swap3A_633 = vector.shape_cast %get3A_625 : vector<16xf32> to vector<1x1x16xf32>
        tpu.vector_store %arg7[%swap3A_628, %swap3A_629, %swap3A_630], %swap3A_633 {add = true, strides = array<i32>} : memref<3x16x2048xf32, #tpu.memory_space<vmem>>, vector<1x1x16xf32>,
        %get3A_634 = arith.constant 2 : i32
        %get3A_635 = arith.constant 12 : i32
        %get3A_636 = arith.index_cast %get3A_634 : i32 to index
        %get3A_637 = arith.index_cast %get3A_635 : i32 to index
        %get3A_638 = arith.index_cast %multiple_of3A_573 : i32 to index
        %get3A_639 = tpu.vector_load %arg7[%get3A_636, %get3A_637, %get3A_638] {strides = array<i32>} : memref<3x16x2048xf32, #tpu.memory_space<vmem>>, vector<1x1x16xf32>,
        %get3A_640 = vector.shape_cast %get3A_639 : vector<1x1x16xf32> to vector<16xf32>
        %swap3A_641 = arith.constant 2 : i32
        %swap3A_642 = arith.constant 4 : i32
        %swap3A_643 = arith.index_cast %swap3A_641 : i32 to index
        %swap3A_644 = arith.index_cast %swap3A_642 : i32 to index
        %swap3A_645 = arith.index_cast %multiple_of3A_573 : i32 to index
        %swap3A_646 = tpu.vector_load %arg7[%swap3A_643, %swap3A_644, %swap3A_645] {strides = array<i32>} : memref<3x16x2048xf32, #tpu.memory_space<vmem>>, vector<1x1x16xf32>,
        %swap3A_647 = vector.shape_cast %swap3A_646 : vector<1x1x16xf32> to vector<16xf32>
        %swap3A_648 = vector.shape_cast %get3A_640 : vector<16xf32> to vector<1x1x16xf32>
        tpu.vector_store %arg7[%swap3A_643, %swap3A_644, %swap3A_645], %swap3A_648 {add = true, strides = array<i32>} : memref<3x16x2048xf32, #tpu.memory_space<vmem>>, vector<1x1x16xf32>,
        %get3A_649 = arith.constant 2 : i32
        %get3A_650 = arith.constant 13 : i32
        %get3A_651 = arith.index_cast %get3A_649 : i32 to index
        %get3A_652 = arith.index_cast %get3A_650 : i32 to index
        %get3A_653 = arith.index_cast %multiple_of3A_573 : i32 to index
        %get3A_654 = tpu.vector_load %arg7[%get3A_651, %get3A_652, %get3A_653] {strides = array<i32>} : memref<3x16x2048xf32, #tpu.memory_space<vmem>>, vector<1x1x16xf32>,
        %get3A_655 = vector.shape_cast %get3A_654 : vector<1x1x16xf32> to vector<16xf32>
        %swap3A_656 = arith.constant 2 : i32
        %swap3A_657 = arith.constant 5 : i32
        %swap3A_658 = arith.index_cast %swap3A_656 : i32 to index
        %swap3A_659 = arith.index_cast %swap3A_657 : i32 to index
        %swap3A_660 = arith.index_cast %multiple_of3A_573 : i32 to index
        %swap3A_661 = tpu.vector_load %arg7[%swap3A_658, %swap3A_659, %swap3A_660] {strides = array<i32>} : memref<3x16x2048xf32, #tpu.memory_space<vmem>>, vector<1x1x16xf32>,
        %swap3A_662 = vector.shape_cast %swap3A_661 : vector<1x1x16xf32> to vector<16xf32>
        %swap3A_663 = vector.shape_cast %get3A_655 : vector<16xf32> to vector<1x1x16xf32>
        tpu.vector_store %arg7[%swap3A_658, %swap3A_659, %swap3A_660], %swap3A_663 {add = true, strides = array<i32>} : memref<3x16x2048xf32, #tpu.memory_space<vmem>>, vector<1x1x16xf32>,
        %get3A_664 = arith.constant 2 : i32
        %get3A_665 = arith.constant 14 : i32
        %get3A_666 = arith.index_cast %get3A_664 : i32 to index
        %get3A_667 = arith.index_cast %get3A_665 : i32 to index
        %get3A_668 = arith.index_cast %multiple_of3A_573 : i32 to index
        %get3A_669 = tpu.vector_load %arg7[%get3A_666, %get3A_667, %get3A_668] {strides = array<i32>} : memref<3x16x2048xf32, #tpu.memory_space<vmem>>, vector<1x1x16xf32>,
        %get3A_670 = vector.shape_cast %get3A_669 : vector<1x1x16xf32> to vector<16xf32>
        %swap3A_671 = arith.constant 2 : i32
        %swap3A_672 = arith.constant 6 : i32
        %swap3A_673 = arith.index_cast %swap3A_671 : i32 to index
        %swap3A_674 = arith.index_cast %swap3A_672 : i32 to index
        %swap3A_675 = arith.index_cast %multiple_of3A_573 : i32 to index
        %swap3A_676 = tpu.vector_load %arg7[%swap3A_673, %swap3A_674, %swap3A_675] {strides = array<i32>} : memref<3x16x2048xf32, #tpu.memory_space<vmem>>, vector<1x1x16xf32>,
        %swap3A_677 = vector.shape_cast %swap3A_676 : vector<1x1x16xf32> to vector<16xf32>
        %swap3A_678 = vector.shape_cast %get3A_670 : vector<16xf32> to vector<1x1x16xf32>
        tpu.vector_store %arg7[%swap3A_673, %swap3A_674, %swap3A_675], %swap3A_678 {add = true, strides = array<i32>} : memref<3x16x2048xf32, #tpu.memory_space<vmem>>, vector<1x1x16xf32>,
        %get3A_679 = arith.constant 2 : i32
        %get3A_680 = arith.constant 15 : i32
        %get3A_681 = arith.index_cast %get3A_679 : i32 to index
        %get3A_682 = arith.index_cast %get3A_680 : i32 to index
        %get3A_683 = arith.index_cast %multiple_of3A_573 : i32 to index
        %get3A_684 = tpu.vector_load %arg7[%get3A_681, %get3A_682, %get3A_683] {strides = array<i32>} : memref<3x16x2048xf32, #tpu.memory_space<vmem>>, vector<1x1x16xf32>,
        %get3A_685 = vector.shape_cast %get3A_684 : vector<1x1x16xf32> to vector<16xf32>
        %swap3A_686 = arith.constant 2 : i32
        %swap3A_687 = arith.constant 7 : i32
        %swap3A_688 = arith.index_cast %swap3A_686 : i32 to index
        %swap3A_689 = arith.index_cast %swap3A_687 : i32 to index
        %swap3A_690 = arith.index_cast %multiple_of3A_573 : i32 to index
        %swap3A_691 = tpu.vector_load %arg7[%swap3A_688, %swap3A_689, %swap3A_690] {strides = array<i32>} : memref<3x16x2048xf32, #tpu.memory_space<vmem>>, vector<1x1x16xf32>,
        %swap3A_692 = vector.shape_cast %swap3A_691 : vector<1x1x16xf32> to vector<16xf32>
        %swap3A_693 = vector.shape_cast %get3A_685 : vector<16xf32> to vector<1x1x16xf32>
        tpu.vector_store %arg7[%swap3A_688, %swap3A_689, %swap3A_690], %swap3A_693 {add = true, strides = array<i32>} : memref<3x16x2048xf32, #tpu.memory_space<vmem>>, vector<1x1x16xf32>,
      }
      %scan3A_414 = arith.constant 128 : i32
      %add3A_415 = arith.addi %mul3A_2, %add3A_364 : i32
      %mul3A_416 = arith.constant 8 : i32
      %mul3A_417 = arith.muli %add3A_415, %mul3A_416 : i32
      %multiple_of3A_418 = tpu.assume_multiple %mul3A_417, 8 : i32
      %dma_start3A_419 = arith.constant 2 : i32
      %dma_start3A_420 = arith.constant 0 : i32
      %dma_start3A_421 = arith.constant 0 : i32
      %dma_start3A_422 = tpu.memref_slice %arg7[%dma_start3A_419, %dma_start3A_420, %dma_start3A_421] : memref<3x16x2048xf32, #tpu.memory_space<vmem>> -> memref<1x8x2048xf32, #tpu.memory_space<vmem>>
      %dma_start3A_423 = tpu.memref_squeeze %dma_start3A_422 : memref<1x8x2048xf32, #tpu.memory_space<vmem>> -> memref<8x2048xf32, #tpu.memory_space<vmem>>
      %dma_start3A_424 = arith.constant 0 : i32
      %dma_start3A_425 = tpu.memref_slice %arg4[%multiple_of3A_418, %dma_start3A_424] : memref<8192x2048xf32, #tpu.memory_space<hbm>> -> memref<8x2048xf32, #tpu.memory_space<hbm>>
      %dma_start3A_426 = arith.constant 0 : i32
      %dma_start3A_427 = tpu.memref_slice %arg4[%multiple_of3A_418, %dma_start3A_426] : memref<8192x2048xf32, #tpu.memory_space<hbm>> -> memref<8x2048xf32, #tpu.memory_space<hbm>>
      %dma_start3A_428 = arith.constant 0 : i32
      %dma_start3A_429 = arith.constant 0 : i32
      %dma_start3A_430 = tpu.memref_slice %arg7[%dma_start3A_419, %dma_start3A_428, %dma_start3A_429] : memref<3x16x2048xf32, #tpu.memory_space<vmem>> -> memref<1x8x2048xf32, #tpu.memory_space<vmem>>
      %dma_start3A_431 = tpu.memref_squeeze %dma_start3A_430 : memref<1x8x2048xf32, #tpu.memory_space<vmem>> -> memref<8x2048xf32, #tpu.memory_space<vmem>>
      tpu.enqueue_dma source(%dma_start3A_431 : memref<8x2048xf32, #tpu.memory_space<vmem>>) target(%dma_start3A_427 : memref<8x2048xf32, #tpu.memory_space<hbm>>) target_semaphore(%arg13 : memref<!tpu.dma_semaphore, #tpu.memory_space<semaphore_mem>>)
      %add3A_432 = arith.constant 1 : i32
      %add3A_433 = arith.addi %add3A_364, %add3A_432 : i32
      %dma_wait3A_434 = arith.constant 0 : i32
      %dma_wait3A_435 = arith.constant 0 : i32
      %dma_wait3A_436 = arith.constant 0 : i32
      %dma_wait3A_437 = tpu.memref_slice %arg7[%dma_wait3A_434, %dma_wait3A_435, %dma_wait3A_436] : memref<3x16x2048xf32, #tpu.memory_space<vmem>> -> memref<1x16x2048xf32, #tpu.memory_space<vmem>>
      %dma_wait3A_438 = tpu.memref_squeeze %dma_wait3A_437 : memref<1x16x2048xf32, #tpu.memory_space<vmem>> -> memref<16x2048xf32, #tpu.memory_space<vmem>>
      %dma_wait3A_439 = arith.constant 0 : i32
      %dma_wait3A_440 = arith.constant 0 : i32
      %dma_wait3A_441 = tpu.memref_slice %arg2[%dma_wait3A_439, %dma_wait3A_440] : memref<16384x2048xf32, #tpu.memory_space<hbm>> -> memref<16x2048xf32, #tpu.memory_space<hbm>>
      %dma_wait3A_442 = arith.constant 0 : i32
      %dma_wait3A_443 = arith.constant 0 : i32
      %dma_wait3A_444 = tpu.memref_slice %arg7[%dma_wait3A_434, %dma_wait3A_442, %dma_wait3A_443] : memref<3x16x2048xf32, #tpu.memory_space<vmem>> -> memref<1x16x2048xf32, #tpu.memory_space<vmem>>
      %dma_wait3A_445 = tpu.memref_squeeze %dma_wait3A_444 : memref<1x16x2048xf32, #tpu.memory_space<vmem>> -> memref<16x2048xf32, #tpu.memory_space<vmem>>
      %dma_wait3A_446 = arith.constant 0 : i32
      %dma_wait3A_447 = arith.constant 0 : i32
      %dma_wait3A_448 = tpu.memref_slice %arg2[%dma_wait3A_446, %dma_wait3A_447] : memref<16384x2048xf32, #tpu.memory_space<hbm>> -> memref<16x2048xf32, #tpu.memory_space<hbm>>
      tpu.wait_dma2 semaphore(%arg8 : memref<!tpu.dma_semaphore, #tpu.memory_space<semaphore_mem>>) src(%dma_wait3A_448 : memref<16x2048xf32, #tpu.memory_space<hbm>>) dst(%dma_wait3A_445 : memref<16x2048xf32, #tpu.memory_space<vmem>>)
      %dma_wait3A_449 = arith.constant 2 : i32
      %dma_wait3A_450 = arith.constant 0 : i32
      %dma_wait3A_451 = arith.constant 0 : i32
      %dma_wait3A_452 = tpu.memref_slice %arg7[%dma_wait3A_449, %dma_wait3A_450, %dma_wait3A_451] : memref<3x16x2048xf32, #tpu.memory_space<vmem>> -> memref<1x8x2048xf32, #tpu.memory_space<vmem>>
      %dma_wait3A_453 = tpu.memref_squeeze %dma_wait3A_452 : memref<1x8x2048xf32, #tpu.memory_space<vmem>> -> memref<8x2048xf32, #tpu.memory_space<vmem>>
      %dma_wait3A_454 = arith.constant 0 : i32
      %dma_wait3A_455 = arith.constant 0 : i32
      %dma_wait3A_456 = tpu.memref_slice %arg2[%dma_wait3A_454, %dma_wait3A_455] : memref<16384x2048xf32, #tpu.memory_space<hbm>> -> memref<8x2048xf32, #tpu.memory_space<hbm>>
      %dma_wait3A_457 = arith.constant 0 : i32
      %dma_wait3A_458 = arith.constant 0 : i32
      %dma_wait3A_459 = tpu.memref_slice %arg7[%dma_wait3A_449, %dma_wait3A_457, %dma_wait3A_458] : memref<3x16x2048xf32, #tpu.memory_space<vmem>> -> memref<1x8x2048xf32, #tpu.memory_space<vmem>>
      %dma_wait3A_460 = tpu.memref_squeeze %dma_wait3A_459 : memref<1x8x2048xf32, #tpu.memory_space<vmem>> -> memref<8x2048xf32, #tpu.memory_space<vmem>>
      %dma_wait3A_461 = arith.constant 0 : i32
      %dma_wait3A_462 = arith.constant 0 : i32
      %dma_wait3A_463 = tpu.memref_slice %arg2[%dma_wait3A_461, %dma_wait3A_462] : memref<16384x2048xf32, #tpu.memory_space<hbm>> -> memref<8x2048xf32, #tpu.memory_space<hbm>>
      tpu.wait_dma2 semaphore(%arg13 : memref<!tpu.dma_semaphore, #tpu.memory_space<semaphore_mem>>) src(%dma_wait3A_463 : memref<8x2048xf32, #tpu.memory_space<hbm>>) dst(%dma_wait3A_460 : memref<8x2048xf32, #tpu.memory_space<vmem>>)
      %add3A_464 = arith.constant 2 : i32
      %add3A_465 = arith.addi %add3A_433, %add3A_464 : i32
      %mul3A_466 = arith.constant 16 : i32
      %mul3A_467 = arith.muli %add3A_465, %mul3A_466 : i32
      %multiple_of3A_468 = tpu.assume_multiple %mul3A_467, 8 : i32
      %dma_start3A_469 = arith.constant 2 : i32
      %dma_start3A_470 = arith.constant 0 : i32
      %dma_start3A_471 = arith.constant 0 : i32
      %dma_start3A_472 = tpu.memref_slice %arg7[%dma_start3A_469, %dma_start3A_470, %dma_start3A_471] : memref<3x16x2048xf32, #tpu.memory_space<vmem>> -> memref<1x16x2048xf32, #tpu.memory_space<vmem>>
      %dma_start3A_473 = tpu.memref_squeeze %dma_start3A_472 : memref<1x16x2048xf32, #tpu.memory_space<vmem>> -> memref<16x2048xf32, #tpu.memory_space<vmem>>
      %dma_start3A_474 = tpu.memref_slice %arg6[%multiple_of3A_468] : memref<512xi32, #tpu.memory_space<vmem>> -> memref<16xi32, #tpu.memory_space<vmem>>
      %dma_start3A_475 = arith.constant 0 : i32
      %dma_start3A_476 = arith.constant 0 : i32
      %dma_start3A_477 = tpu.memref_slice %arg2[%dma_start3A_475, %dma_start3A_476] : memref<16384x2048xf32, #tpu.memory_space<hbm>> -> memref<16384x2048xf32, #tpu.memory_space<hbm>>
      tpu.enqueue_indirect_dma source(%dma_start3A_477 : memref<16384x2048xf32, #tpu.memory_space<hbm>>) target(%dma_start3A_473 : memref<16x2048xf32, #tpu.memory_space<vmem>>) offsets(%dma_start3A_474 : memref<16xi32, #tpu.memory_space<vmem>>) semaphore(%arg10 : memref<!tpu.dma_semaphore, #tpu.memory_space<semaphore_mem>>)
      %scan3A_478 = arith.constant 0 : i32
      %scan3A_479 = arith.constant 0 : i32
      %scan3A_480 = arith.constant 128 : i32
      %scan3A_481 = arith.addi %scan3A_479, %scan3A_480 : i32
      %scan3A_482 = arith.constant 1 : i32
      scf.for %scan3A_570 = %scan3A_479 to %scan3A_481 step %scan3A_482  : i32 {
        %mul3A_571 = arith.constant 16 : i32
        %mul3A_572 = arith.muli %scan3A_570, %mul3A_571 : i32
        %multiple_of3A_573 = tpu.assume_multiple %mul3A_572, 16 : i32
        %get3A_574 = arith.constant 0 : i32
        %get3A_575 = arith.constant 8 : i32
        %get3A_576 = arith.index_cast %get3A_574 : i32 to index
        %get3A_577 = arith.index_cast %get3A_575 : i32 to index
        %get3A_578 = arith.index_cast %multiple_of3A_573 : i32 to index
        %get3A_579 = tpu.vector_load %arg7[%get3A_576, %get3A_577, %get3A_578] {strides = array<i32>} : memref<3x16x2048xf32, #tpu.memory_space<vmem>>, vector<1x1x16xf32>,
        %get3A_580 = vector.shape_cast %get3A_579 : vector<1x1x16xf32> to vector<16xf32>
        %swap3A_581 = arith.constant 0 : i32
        %swap3A_582 = arith.constant 0 : i32
        %swap3A_583 = arith.index_cast %swap3A_581 : i32 to index
        %swap3A_584 = arith.index_cast %swap3A_582 : i32 to index
        %swap3A_585 = arith.index_cast %multiple_of3A_573 : i32 to index
        %swap3A_586 = tpu.vector_load %arg7[%swap3A_583, %swap3A_584, %swap3A_585] {strides = array<i32>} : memref<3x16x2048xf32, #tpu.memory_space<vmem>>, vector<1x1x16xf32>,
        %swap3A_587 = vector.shape_cast %swap3A_586 : vector<1x1x16xf32> to vector<16xf32>
        %swap3A_588 = vector.shape_cast %get3A_580 : vector<16xf32> to vector<1x1x16xf32>
        tpu.vector_store %arg7[%swap3A_583, %swap3A_584, %swap3A_585], %swap3A_588 {add = true, strides = array<i32>} : memref<3x16x2048xf32, #tpu.memory_space<vmem>>, vector<1x1x16xf32>,
        %get3A_589 = arith.constant 0 : i32
        %get3A_590 = arith.constant 9 : i32
        %get3A_591 = arith.index_cast %get3A_589 : i32 to index
        %get3A_592 = arith.index_cast %get3A_590 : i32 to index
        %get3A_593 = arith.index_cast %multiple_of3A_573 : i32 to index
        %get3A_594 = tpu.vector_load %arg7[%get3A_591, %get3A_592, %get3A_593] {strides = array<i32>} : memref<3x16x2048xf32, #tpu.memory_space<vmem>>, vector<1x1x16xf32>,
        %get3A_595 = vector.shape_cast %get3A_594 : vector<1x1x16xf32> to vector<16xf32>
        %swap3A_596 = arith.constant 0 : i32
        %swap3A_597 = arith.constant 1 : i32
        %swap3A_598 = arith.index_cast %swap3A_596 : i32 to index
        %swap3A_599 = arith.index_cast %swap3A_597 : i32 to index
        %swap3A_600 = arith.index_cast %multiple_of3A_573 : i32 to index
        %swap3A_601 = tpu.vector_load %arg7[%swap3A_598, %swap3A_599, %swap3A_600] {strides = array<i32>} : memref<3x16x2048xf32, #tpu.memory_space<vmem>>, vector<1x1x16xf32>,
        %swap3A_602 = vector.shape_cast %swap3A_601 : vector<1x1x16xf32> to vector<16xf32>
        %swap3A_603 = vector.shape_cast %get3A_595 : vector<16xf32> to vector<1x1x16xf32>
        tpu.vector_store %arg7[%swap3A_598, %swap3A_599, %swap3A_600], %swap3A_603 {add = true, strides = array<i32>} : memref<3x16x2048xf32, #tpu.memory_space<vmem>>, vector<1x1x16xf32>,
        %get3A_604 = arith.constant 0 : i32
        %get3A_605 = arith.constant 10 : i32
        %get3A_606 = arith.index_cast %get3A_604 : i32 to index
        %get3A_607 = arith.index_cast %get3A_605 : i32 to index
        %get3A_608 = arith.index_cast %multiple_of3A_573 : i32 to index
        %get3A_609 = tpu.vector_load %arg7[%get3A_606, %get3A_607, %get3A_608] {strides = array<i32>} : memref<3x16x2048xf32, #tpu.memory_space<vmem>>, vector<1x1x16xf32>,
        %get3A_610 = vector.shape_cast %get3A_609 : vector<1x1x16xf32> to vector<16xf32>
        %swap3A_611 = arith.constant 0 : i32
        %swap3A_612 = arith.constant 2 : i32
        %swap3A_613 = arith.index_cast %swap3A_611 : i32 to index
        %swap3A_614 = arith.index_cast %swap3A_612 : i32 to index
        %swap3A_615 = arith.index_cast %multiple_of3A_573 : i32 to index
        %swap3A_616 = tpu.vector_load %arg7[%swap3A_613, %swap3A_614, %swap3A_615] {strides = array<i32>} : memref<3x16x2048xf32, #tpu.memory_space<vmem>>, vector<1x1x16xf32>,
        %swap3A_617 = vector.shape_cast %swap3A_616 : vector<1x1x16xf32> to vector<16xf32>
        %swap3A_618 = vector.shape_cast %get3A_610 : vector<16xf32> to vector<1x1x16xf32>
        tpu.vector_store %arg7[%swap3A_613, %swap3A_614, %swap3A_615], %swap3A_618 {add = true, strides = array<i32>} : memref<3x16x2048xf32, #tpu.memory_space<vmem>>, vector<1x1x16xf32>,
        %get3A_619 = arith.constant 0 : i32
        %get3A_620 = arith.constant 11 : i32
        %get3A_621 = arith.index_cast %get3A_619 : i32 to index
        %get3A_622 = arith.index_cast %get3A_620 : i32 to index
        %get3A_623 = arith.index_cast %multiple_of3A_573 : i32 to index
        %get3A_624 = tpu.vector_load %arg7[%get3A_621, %get3A_622, %get3A_623] {strides = array<i32>} : memref<3x16x2048xf32, #tpu.memory_space<vmem>>, vector<1x1x16xf32>,
        %get3A_625 = vector.shape_cast %get3A_624 : vector<1x1x16xf32> to vector<16xf32>
        %swap3A_626 = arith.constant 0 : i32
        %swap3A_627 = arith.constant 3 : i32
        %swap3A_628 = arith.index_cast %swap3A_626 : i32 to index
        %swap3A_629 = arith.index_cast %swap3A_627 : i32 to index
        %swap3A_630 = arith.index_cast %multiple_of3A_573 : i32 to index
        %swap3A_631 = tpu.vector_load %arg7[%swap3A_628, %swap3A_629, %swap3A_630] {strides = array<i32>} : memref<3x16x2048xf32, #tpu.memory_space<vmem>>, vector<1x1x16xf32>,
        %swap3A_632 = vector.shape_cast %swap3A_631 : vector<1x1x16xf32> to vector<16xf32>
        %swap3A_633 = vector.shape_cast %get3A_625 : vector<16xf32> to vector<1x1x16xf32>
        tpu.vector_store %arg7[%swap3A_628, %swap3A_629, %swap3A_630], %swap3A_633 {add = true, strides = array<i32>} : memref<3x16x2048xf32, #tpu.memory_space<vmem>>, vector<1x1x16xf32>,
        %get3A_634 = arith.constant 0 : i32
        %get3A_635 = arith.constant 12 : i32
        %get3A_636 = arith.index_cast %get3A_634 : i32 to index
        %get3A_637 = arith.index_cast %get3A_635 : i32 to index
        %get3A_638 = arith.index_cast %multiple_of3A_573 : i32 to index
        %get3A_639 = tpu.vector_load %arg7[%get3A_636, %get3A_637, %get3A_638] {strides = array<i32>} : memref<3x16x2048xf32, #tpu.memory_space<vmem>>, vector<1x1x16xf32>,
        %get3A_640 = vector.shape_cast %get3A_639 : vector<1x1x16xf32> to vector<16xf32>
        %swap3A_641 = arith.constant 0 : i32
        %swap3A_642 = arith.constant 4 : i32
        %swap3A_643 = arith.index_cast %swap3A_641 : i32 to index
        %swap3A_644 = arith.index_cast %swap3A_642 : i32 to index
        %swap3A_645 = arith.index_cast %multiple_of3A_573 : i32 to index
        %swap3A_646 = tpu.vector_load %arg7[%swap3A_643, %swap3A_644, %swap3A_645] {strides = array<i32>} : memref<3x16x2048xf32, #tpu.memory_space<vmem>>, vector<1x1x16xf32>,
        %swap3A_647 = vector.shape_cast %swap3A_646 : vector<1x1x16xf32> to vector<16xf32>
        %swap3A_648 = vector.shape_cast %get3A_640 : vector<16xf32> to vector<1x1x16xf32>
        tpu.vector_store %arg7[%swap3A_643, %swap3A_644, %swap3A_645], %swap3A_648 {add = true, strides = array<i32>} : memref<3x16x2048xf32, #tpu.memory_space<vmem>>, vector<1x1x16xf32>,
        %get3A_649 = arith.constant 0 : i32
        %get3A_650 = arith.constant 13 : i32
        %get3A_651 = arith.index_cast %get3A_649 : i32 to index
        %get3A_652 = arith.index_cast %get3A_650 : i32 to index
        %get3A_653 = arith.index_cast %multiple_of3A_573 : i32 to index
        %get3A_654 = tpu.vector_load %arg7[%get3A_651, %get3A_652, %get3A_653] {strides = array<i32>} : memref<3x16x2048xf32, #tpu.memory_space<vmem>>, vector<1x1x16xf32>,
        %get3A_655 = vector.shape_cast %get3A_654 : vector<1x1x16xf32> to vector<16xf32>
        %swap3A_656 = arith.constant 0 : i32
        %swap3A_657 = arith.constant 5 : i32
        %swap3A_658 = arith.index_cast %swap3A_656 : i32 to index
        %swap3A_659 = arith.index_cast %swap3A_657 : i32 to index
        %swap3A_660 = arith.index_cast %multiple_of3A_573 : i32 to index
        %swap3A_661 = tpu.vector_load %arg7[%swap3A_658, %swap3A_659, %swap3A_660] {strides = array<i32>} : memref<3x16x2048xf32, #tpu.memory_space<vmem>>, vector<1x1x16xf32>,
        %swap3A_662 = vector.shape_cast %swap3A_661 : vector<1x1x16xf32> to vector<16xf32>
        %swap3A_663 = vector.shape_cast %get3A_655 : vector<16xf32> to vector<1x1x16xf32>
        tpu.vector_store %arg7[%swap3A_658, %swap3A_659, %swap3A_660], %swap3A_663 {add = true, strides = array<i32>} : memref<3x16x2048xf32, #tpu.memory_space<vmem>>, vector<1x1x16xf32>,
        %get3A_664 = arith.constant 0 : i32
        %get3A_665 = arith.constant 14 : i32
        %get3A_666 = arith.index_cast %get3A_664 : i32 to index
        %get3A_667 = arith.index_cast %get3A_665 : i32 to index
        %get3A_668 = arith.index_cast %multiple_of3A_573 : i32 to index
        %get3A_669 = tpu.vector_load %arg7[%get3A_666, %get3A_667, %get3A_668] {strides = array<i32>} : memref<3x16x2048xf32, #tpu.memory_space<vmem>>, vector<1x1x16xf32>,
        %get3A_670 = vector.shape_cast %get3A_669 : vector<1x1x16xf32> to vector<16xf32>
        %swap3A_671 = arith.constant 0 : i32
        %swap3A_672 = arith.constant 6 : i32
        %swap3A_673 = arith.index_cast %swap3A_671 : i32 to index
        %swap3A_674 = arith.index_cast %swap3A_672 : i32 to index
        %swap3A_675 = arith.index_cast %multiple_of3A_573 : i32 to index
        %swap3A_676 = tpu.vector_load %arg7[%swap3A_673, %swap3A_674, %swap3A_675] {strides = array<i32>} : memref<3x16x2048xf32, #tpu.memory_space<vmem>>, vector<1x1x16xf32>,
        %swap3A_677 = vector.shape_cast %swap3A_676 : vector<1x1x16xf32> to vector<16xf32>
        %swap3A_678 = vector.shape_cast %get3A_670 : vector<16xf32> to vector<1x1x16xf32>
        tpu.vector_store %arg7[%swap3A_673, %swap3A_674, %swap3A_675], %swap3A_678 {add = true, strides = array<i32>} : memref<3x16x2048xf32, #tpu.memory_space<vmem>>, vector<1x1x16xf32>,
        %get3A_679 = arith.constant 0 : i32
        %get3A_680 = arith.constant 15 : i32
        %get3A_681 = arith.index_cast %get3A_679 : i32 to index
        %get3A_682 = arith.index_cast %get3A_680 : i32 to index
        %get3A_683 = arith.index_cast %multiple_of3A_573 : i32 to index
        %get3A_684 = tpu.vector_load %arg7[%get3A_681, %get3A_682, %get3A_683] {strides = array<i32>} : memref<3x16x2048xf32, #tpu.memory_space<vmem>>, vector<1x1x16xf32>,
        %get3A_685 = vector.shape_cast %get3A_684 : vector<1x1x16xf32> to vector<16xf32>
        %swap3A_686 = arith.constant 0 : i32
        %swap3A_687 = arith.constant 7 : i32
        %swap3A_688 = arith.index_cast %swap3A_686 : i32 to index
        %swap3A_689 = arith.index_cast %swap3A_687 : i32 to index
        %swap3A_690 = arith.index_cast %multiple_of3A_573 : i32 to index
        %swap3A_691 = tpu.vector_load %arg7[%swap3A_688, %swap3A_689, %swap3A_690] {strides = array<i32>} : memref<3x16x2048xf32, #tpu.memory_space<vmem>>, vector<1x1x16xf32>,
        %swap3A_692 = vector.shape_cast %swap3A_691 : vector<1x1x16xf32> to vector<16xf32>
        %swap3A_693 = vector.shape_cast %get3A_685 : vector<16xf32> to vector<1x1x16xf32>
        tpu.vector_store %arg7[%swap3A_688, %swap3A_689, %swap3A_690], %swap3A_693 {add = true, strides = array<i32>} : memref<3x16x2048xf32, #tpu.memory_space<vmem>>, vector<1x1x16xf32>,
      }
      %scan3A_483 = arith.constant 128 : i32
      %add3A_484 = arith.addi %mul3A_2, %add3A_433 : i32
      %mul3A_485 = arith.constant 8 : i32
      %mul3A_486 = arith.muli %add3A_484, %mul3A_485 : i32
      %multiple_of3A_487 = tpu.assume_multiple %mul3A_486, 8 : i32
      %dma_start3A_488 = arith.constant 0 : i32
      %dma_start3A_489 = arith.constant 0 : i32
      %dma_start3A_490 = arith.constant 0 : i32
      %dma_start3A_491 = tpu.memref_slice %arg7[%dma_start3A_488, %dma_start3A_489, %dma_start3A_490] : memref<3x16x2048xf32, #tpu.memory_space<vmem>> -> memref<1x8x2048xf32, #tpu.memory_space<vmem>>
      %dma_start3A_492 = tpu.memref_squeeze %dma_start3A_491 : memref<1x8x2048xf32, #tpu.memory_space<vmem>> -> memref<8x2048xf32, #tpu.memory_space<vmem>>
      %dma_start3A_493 = arith.constant 0 : i32
      %dma_start3A_494 = tpu.memref_slice %arg4[%multiple_of3A_487, %dma_start3A_493] : memref<8192x2048xf32, #tpu.memory_space<hbm>> -> memref<8x2048xf32, #tpu.memory_space<hbm>>
      %dma_start3A_495 = arith.constant 0 : i32
      %dma_start3A_496 = tpu.memref_slice %arg4[%multiple_of3A_487, %dma_start3A_495] : memref<8192x2048xf32, #tpu.memory_space<hbm>> -> memref<8x2048xf32, #tpu.memory_space<hbm>>
      %dma_start3A_497 = arith.constant 0 : i32
      %dma_start3A_498 = arith.constant 0 : i32
      %dma_start3A_499 = tpu.memref_slice %arg7[%dma_start3A_488, %dma_start3A_497, %dma_start3A_498] : memref<3x16x2048xf32, #tpu.memory_space<vmem>> -> memref<1x8x2048xf32, #tpu.memory_space<vmem>>
      %dma_start3A_500 = tpu.memref_squeeze %dma_start3A_499 : memref<1x8x2048xf32, #tpu.memory_space<vmem>> -> memref<8x2048xf32, #tpu.memory_space<vmem>>
      tpu.enqueue_dma source(%dma_start3A_500 : memref<8x2048xf32, #tpu.memory_space<vmem>>) target(%dma_start3A_496 : memref<8x2048xf32, #tpu.memory_space<hbm>>) target_semaphore(%arg11 : memref<!tpu.dma_semaphore, #tpu.memory_space<semaphore_mem>>)
      %add3A_501 = arith.constant 2 : i32
      %add3A_502 = arith.addi %add3A_364, %add3A_501 : i32
      %dma_wait3A_503 = arith.constant 1 : i32
      %dma_wait3A_504 = arith.constant 0 : i32
      %dma_wait3A_505 = arith.constant 0 : i32
      %dma_wait3A_506 = tpu.memref_slice %arg7[%dma_wait3A_503, %dma_wait3A_504, %dma_wait3A_505] : memref<3x16x2048xf32, #tpu.memory_space<vmem>> -> memref<1x16x2048xf32, #tpu.memory_space<vmem>>
      %dma_wait3A_507 = tpu.memref_squeeze %dma_wait3A_506 : memref<1x16x2048xf32, #tpu.memory_space<vmem>> -> memref<16x2048xf32, #tpu.memory_space<vmem>>
      %dma_wait3A_508 = arith.constant 0 : i32
      %dma_wait3A_509 = arith.constant 0 : i32
      %dma_wait3A_510 = tpu.memref_slice %arg2[%dma_wait3A_508, %dma_wait3A_509] : memref<16384x2048xf32, #tpu.memory_space<hbm>> -> memref<16x2048xf32, #tpu.memory_space<hbm>>
      %dma_wait3A_511 = arith.constant 0 : i32
      %dma_wait3A_512 = arith.constant 0 : i32
      %dma_wait3A_513 = tpu.memref_slice %arg7[%dma_wait3A_503, %dma_wait3A_511, %dma_wait3A_512] : memref<3x16x2048xf32, #tpu.memory_space<vmem>> -> memref<1x16x2048xf32, #tpu.memory_space<vmem>>
      %dma_wait3A_514 = tpu.memref_squeeze %dma_wait3A_513 : memref<1x16x2048xf32, #tpu.memory_space<vmem>> -> memref<16x2048xf32, #tpu.memory_space<vmem>>
      %dma_wait3A_515 = arith.constant 0 : i32
      %dma_wait3A_516 = arith.constant 0 : i32
      %dma_wait3A_517 = tpu.memref_slice %arg2[%dma_wait3A_515, %dma_wait3A_516] : memref<16384x2048xf32, #tpu.memory_space<hbm>> -> memref<16x2048xf32, #tpu.memory_space<hbm>>
      tpu.wait_dma2 semaphore(%arg9 : memref<!tpu.dma_semaphore, #tpu.memory_space<semaphore_mem>>) src(%dma_wait3A_517 : memref<16x2048xf32, #tpu.memory_space<hbm>>) dst(%dma_wait3A_514 : memref<16x2048xf32, #tpu.memory_space<vmem>>)
      %dma_wait3A_518 = arith.constant 0 : i32
      %dma_wait3A_519 = arith.constant 0 : i32
      %dma_wait3A_520 = arith.constant 0 : i32
      %dma_wait3A_521 = tpu.memref_slice %arg7[%dma_wait3A_518, %dma_wait3A_519, %dma_wait3A_520] : memref<3x16x2048xf32, #tpu.memory_space<vmem>> -> memref<1x8x2048xf32, #tpu.memory_space<vmem>>
      %dma_wait3A_522 = tpu.memref_squeeze %dma_wait3A_521 : memref<1x8x2048xf32, #tpu.memory_space<vmem>> -> memref<8x2048xf32, #tpu.memory_space<vmem>>
      %dma_wait3A_523 = arith.constant 0 : i32
      %dma_wait3A_524 = arith.constant 0 : i32
      %dma_wait3A_525 = tpu.memref_slice %arg2[%dma_wait3A_523, %dma_wait3A_524] : memref<16384x2048xf32, #tpu.memory_space<hbm>> -> memref<8x2048xf32, #tpu.memory_space<hbm>>
      %dma_wait3A_526 = arith.constant 0 : i32
      %dma_wait3A_527 = arith.constant 0 : i32
      %dma_wait3A_528 = tpu.memref_slice %arg7[%dma_wait3A_518, %dma_wait3A_526, %dma_wait3A_527] : memref<3x16x2048xf32, #tpu.memory_space<vmem>> -> memref<1x8x2048xf32, #tpu.memory_space<vmem>>
      %dma_wait3A_529 = tpu.memref_squeeze %dma_wait3A_528 : memref<1x8x2048xf32, #tpu.memory_space<vmem>> -> memref<8x2048xf32, #tpu.memory_space<vmem>>
      %dma_wait3A_530 = arith.constant 0 : i32
      %dma_wait3A_531 = arith.constant 0 : i32
      %dma_wait3A_532 = tpu.memref_slice %arg2[%dma_wait3A_530, %dma_wait3A_531] : memref<16384x2048xf32, #tpu.memory_space<hbm>> -> memref<8x2048xf32, #tpu.memory_space<hbm>>
      tpu.wait_dma2 semaphore(%arg11 : memref<!tpu.dma_semaphore, #tpu.memory_space<semaphore_mem>>) src(%dma_wait3A_532 : memref<8x2048xf32, #tpu.memory_space<hbm>>) dst(%dma_wait3A_529 : memref<8x2048xf32, #tpu.memory_space<vmem>>)
      %add3A_533 = arith.constant 2 : i32
      %add3A_534 = arith.addi %add3A_502, %add3A_533 : i32
      %mul3A_535 = arith.constant 16 : i32
      %mul3A_536 = arith.muli %add3A_534, %mul3A_535 : i32
      %multiple_of3A_537 = tpu.assume_multiple %mul3A_536, 8 : i32
      %dma_start3A_538 = arith.constant 0 : i32
      %dma_start3A_539 = arith.constant 0 : i32
      %dma_start3A_540 = arith.constant 0 : i32
      %dma_start3A_541 = tpu.memref_slice %arg7[%dma_start3A_538, %dma_start3A_539, %dma_start3A_540] : memref<3x16x2048xf32, #tpu.memory_space<vmem>> -> memref<1x16x2048xf32, #tpu.memory_space<vmem>>
      %dma_start3A_542 = tpu.memref_squeeze %dma_start3A_541 : memref<1x16x2048xf32, #tpu.memory_space<vmem>> -> memref<16x2048xf32, #tpu.memory_space<vmem>>
      %dma_start3A_543 = tpu.memref_slice %arg6[%multiple_of3A_537] : memref<512xi32, #tpu.memory_space<vmem>> -> memref<16xi32, #tpu.memory_space<vmem>>
      %dma_start3A_544 = arith.constant 0 : i32
      %dma_start3A_545 = arith.constant 0 : i32
      %dma_start3A_546 = tpu.memref_slice %arg2[%dma_start3A_544, %dma_start3A_545] : memref<16384x2048xf32, #tpu.memory_space<hbm>> -> memref<16384x2048xf32, #tpu.memory_space<hbm>>
      tpu.enqueue_indirect_dma source(%dma_start3A_546 : memref<16384x2048xf32, #tpu.memory_space<hbm>>) target(%dma_start3A_542 : memref<16x2048xf32, #tpu.memory_space<vmem>>) offsets(%dma_start3A_543 : memref<16xi32, #tpu.memory_space<vmem>>) semaphore(%arg8 : memref<!tpu.dma_semaphore, #tpu.memory_space<semaphore_mem>>)
      %scan3A_547 = arith.constant 0 : i32
      %scan3A_548 = arith.constant 0 : i32
      %scan3A_549 = arith.constant 128 : i32
      %scan3A_550 = arith.addi %scan3A_548, %scan3A_549 : i32
      %scan3A_551 = arith.constant 1 : i32
      scf.for %scan3A_570 = %scan3A_548 to %scan3A_550 step %scan3A_551  : i32 {
        %mul3A_571 = arith.constant 16 : i32
        %mul3A_572 = arith.muli %scan3A_570, %mul3A_571 : i32
        %multiple_of3A_573 = tpu.assume_multiple %mul3A_572, 16 : i32
        %get3A_574 = arith.constant 1 : i32
        %get3A_575 = arith.constant 8 : i32
        %get3A_576 = arith.index_cast %get3A_574 : i32 to index
        %get3A_577 = arith.index_cast %get3A_575 : i32 to index
        %get3A_578 = arith.index_cast %multiple_of3A_573 : i32 to index
        %get3A_579 = tpu.vector_load %arg7[%get3A_576, %get3A_577, %get3A_578] {strides = array<i32>} : memref<3x16x2048xf32, #tpu.memory_space<vmem>>, vector<1x1x16xf32>,
        %get3A_580 = vector.shape_cast %get3A_579 : vector<1x1x16xf32> to vector<16xf32>
        %swap3A_581 = arith.constant 1 : i32
        %swap3A_582 = arith.constant 0 : i32
        %swap3A_583 = arith.index_cast %swap3A_581 : i32 to index
        %swap3A_584 = arith.index_cast %swap3A_582 : i32 to index
        %swap3A_585 = arith.index_cast %multiple_of3A_573 : i32 to index
        %swap3A_586 = tpu.vector_load %arg7[%swap3A_583, %swap3A_584, %swap3A_585] {strides = array<i32>} : memref<3x16x2048xf32, #tpu.memory_space<vmem>>, vector<1x1x16xf32>,
        %swap3A_587 = vector.shape_cast %swap3A_586 : vector<1x1x16xf32> to vector<16xf32>
        %swap3A_588 = vector.shape_cast %get3A_580 : vector<16xf32> to vector<1x1x16xf32>
        tpu.vector_store %arg7[%swap3A_583, %swap3A_584, %swap3A_585], %swap3A_588 {add = true, strides = array<i32>} : memref<3x16x2048xf32, #tpu.memory_space<vmem>>, vector<1x1x16xf32>,
        %get3A_589 = arith.constant 1 : i32
        %get3A_590 = arith.constant 9 : i32
        %get3A_591 = arith.index_cast %get3A_589 : i32 to index
        %get3A_592 = arith.index_cast %get3A_590 : i32 to index
        %get3A_593 = arith.index_cast %multiple_of3A_573 : i32 to index
        %get3A_594 = tpu.vector_load %arg7[%get3A_591, %get3A_592, %get3A_593] {strides = array<i32>} : memref<3x16x2048xf32, #tpu.memory_space<vmem>>, vector<1x1x16xf32>,
        %get3A_595 = vector.shape_cast %get3A_594 : vector<1x1x16xf32> to vector<16xf32>
        %swap3A_596 = arith.constant 1 : i32
        %swap3A_597 = arith.constant 1 : i32
        %swap3A_598 = arith.index_cast %swap3A_596 : i32 to index
        %swap3A_599 = arith.index_cast %swap3A_597 : i32 to index
        %swap3A_600 = arith.index_cast %multiple_of3A_573 : i32 to index
        %swap3A_601 = tpu.vector_load %arg7[%swap3A_598, %swap3A_599, %swap3A_600] {strides = array<i32>} : memref<3x16x2048xf32, #tpu.memory_space<vmem>>, vector<1x1x16xf32>,
        %swap3A_602 = vector.shape_cast %swap3A_601 : vector<1x1x16xf32> to vector<16xf32>
        %swap3A_603 = vector.shape_cast %get3A_595 : vector<16xf32> to vector<1x1x16xf32>
        tpu.vector_store %arg7[%swap3A_598, %swap3A_599, %swap3A_600], %swap3A_603 {add = true, strides = array<i32>} : memref<3x16x2048xf32, #tpu.memory_space<vmem>>, vector<1x1x16xf32>,
        %get3A_604 = arith.constant 1 : i32
        %get3A_605 = arith.constant 10 : i32
        %get3A_606 = arith.index_cast %get3A_604 : i32 to index
        %get3A_607 = arith.index_cast %get3A_605 : i32 to index
        %get3A_608 = arith.index_cast %multiple_of3A_573 : i32 to index
        %get3A_609 = tpu.vector_load %arg7[%get3A_606, %get3A_607, %get3A_608] {strides = array<i32>} : memref<3x16x2048xf32, #tpu.memory_space<vmem>>, vector<1x1x16xf32>,
        %get3A_610 = vector.shape_cast %get3A_609 : vector<1x1x16xf32> to vector<16xf32>
        %swap3A_611 = arith.constant 1 : i32
        %swap3A_612 = arith.constant 2 : i32
        %swap3A_613 = arith.index_cast %swap3A_611 : i32 to index
        %swap3A_614 = arith.index_cast %swap3A_612 : i32 to index
        %swap3A_615 = arith.index_cast %multiple_of3A_573 : i32 to index
        %swap3A_616 = tpu.vector_load %arg7[%swap3A_613, %swap3A_614, %swap3A_615] {strides = array<i32>} : memref<3x16x2048xf32, #tpu.memory_space<vmem>>, vector<1x1x16xf32>,
        %swap3A_617 = vector.shape_cast %swap3A_616 : vector<1x1x16xf32> to vector<16xf32>
        %swap3A_618 = vector.shape_cast %get3A_610 : vector<16xf32> to vector<1x1x16xf32>
        tpu.vector_store %arg7[%swap3A_613, %swap3A_614, %swap3A_615], %swap3A_618 {add = true, strides = array<i32>} : memref<3x16x2048xf32, #tpu.memory_space<vmem>>, vector<1x1x16xf32>,
        %get3A_619 = arith.constant 1 : i32
        %get3A_620 = arith.constant 11 : i32
        %get3A_621 = arith.index_cast %get3A_619 : i32 to index
        %get3A_622 = arith.index_cast %get3A_620 : i32 to index
        %get3A_623 = arith.index_cast %multiple_of3A_573 : i32 to index
        %get3A_624 = tpu.vector_load %arg7[%get3A_621, %get3A_622, %get3A_623] {strides = array<i32>} : memref<3x16x2048xf32, #tpu.memory_space<vmem>>, vector<1x1x16xf32>,
        %get3A_625 = vector.shape_cast %get3A_624 : vector<1x1x16xf32> to vector<16xf32>
        %swap3A_626 = arith.constant 1 : i32
        %swap3A_627 = arith.constant 3 : i32
        %swap3A_628 = arith.index_cast %swap3A_626 : i32 to index
        %swap3A_629 = arith.index_cast %swap3A_627 : i32 to index
        %swap3A_630 = arith.index_cast %multiple_of3A_573 : i32 to index
        %swap3A_631 = tpu.vector_load %arg7[%swap3A_628, %swap3A_629, %swap3A_630] {strides = array<i32>} : memref<3x16x2048xf32, #tpu.memory_space<vmem>>, vector<1x1x16xf32>,
        %swap3A_632 = vector.shape_cast %swap3A_631 : vector<1x1x16xf32> to vector<16xf32>
        %swap3A_633 = vector.shape_cast %get3A_625 : vector<16xf32> to vector<1x1x16xf32>
        tpu.vector_store %arg7[%swap3A_628, %swap3A_629, %swap3A_630], %swap3A_633 {add = true, strides = array<i32>} : memref<3x16x2048xf32, #tpu.memory_space<vmem>>, vector<1x1x16xf32>,
        %get3A_634 = arith.constant 1 : i32
        %get3A_635 = arith.constant 12 : i32
        %get3A_636 = arith.index_cast %get3A_634 : i32 to index
        %get3A_637 = arith.index_cast %get3A_635 : i32 to index
        %get3A_638 = arith.index_cast %multiple_of3A_573 : i32 to index
        %get3A_639 = tpu.vector_load %arg7[%get3A_636, %get3A_637, %get3A_638] {strides = array<i32>} : memref<3x16x2048xf32, #tpu.memory_space<vmem>>, vector<1x1x16xf32>,
        %get3A_640 = vector.shape_cast %get3A_639 : vector<1x1x16xf32> to vector<16xf32>
        %swap3A_641 = arith.constant 1 : i32
        %swap3A_642 = arith.constant 4 : i32
        %swap3A_643 = arith.index_cast %swap3A_641 : i32 to index
        %swap3A_644 = arith.index_cast %swap3A_642 : i32 to index
        %swap3A_645 = arith.index_cast %multiple_of3A_573 : i32 to index
        %swap3A_646 = tpu.vector_load %arg7[%swap3A_643, %swap3A_644, %swap3A_645] {strides = array<i32>} : memref<3x16x2048xf32, #tpu.memory_space<vmem>>, vector<1x1x16xf32>,
        %swap3A_647 = vector.shape_cast %swap3A_646 : vector<1x1x16xf32> to vector<16xf32>
        %swap3A_648 = vector.shape_cast %get3A_640 : vector<16xf32> to vector<1x1x16xf32>
        tpu.vector_store %arg7[%swap3A_643, %swap3A_644, %swap3A_645], %swap3A_648 {add = true, strides = array<i32>} : memref<3x16x2048xf32, #tpu.memory_space<vmem>>, vector<1x1x16xf32>,
        %get3A_649 = arith.constant 1 : i32
        %get3A_650 = arith.constant 13 : i32
        %get3A_651 = arith.index_cast %get3A_649 : i32 to index
        %get3A_652 = arith.index_cast %get3A_650 : i32 to index
        %get3A_653 = arith.index_cast %multiple_of3A_573 : i32 to index
        %get3A_654 = tpu.vector_load %arg7[%get3A_651, %get3A_652, %get3A_653] {strides = array<i32>} : memref<3x16x2048xf32, #tpu.memory_space<vmem>>, vector<1x1x16xf32>,
        %get3A_655 = vector.shape_cast %get3A_654 : vector<1x1x16xf32> to vector<16xf32>
        %swap3A_656 = arith.constant 1 : i32
        %swap3A_657 = arith.constant 5 : i32
        %swap3A_658 = arith.index_cast %swap3A_656 : i32 to index
        %swap3A_659 = arith.index_cast %swap3A_657 : i32 to index
        %swap3A_660 = arith.index_cast %multiple_of3A_573 : i32 to index
        %swap3A_661 = tpu.vector_load %arg7[%swap3A_658, %swap3A_659, %swap3A_660] {strides = array<i32>} : memref<3x16x2048xf32, #tpu.memory_space<vmem>>, vector<1x1x16xf32>,
        %swap3A_662 = vector.shape_cast %swap3A_661 : vector<1x1x16xf32> to vector<16xf32>
        %swap3A_663 = vector.shape_cast %get3A_655 : vector<16xf32> to vector<1x1x16xf32>
        tpu.vector_store %arg7[%swap3A_658, %swap3A_659, %swap3A_660], %swap3A_663 {add = true, strides = array<i32>} : memref<3x16x2048xf32, #tpu.memory_space<vmem>>, vector<1x1x16xf32>,
        %get3A_664 = arith.constant 1 : i32
        %get3A_665 = arith.constant 14 : i32
        %get3A_666 = arith.index_cast %get3A_664 : i32 to index
        %get3A_667 = arith.index_cast %get3A_665 : i32 to index
        %get3A_668 = arith.index_cast %multiple_of3A_573 : i32 to index
        %get3A_669 = tpu.vector_load %arg7[%get3A_666, %get3A_667, %get3A_668] {strides = array<i32>} : memref<3x16x2048xf32, #tpu.memory_space<vmem>>, vector<1x1x16xf32>,
        %get3A_670 = vector.shape_cast %get3A_669 : vector<1x1x16xf32> to vector<16xf32>
        %swap3A_671 = arith.constant 1 : i32
        %swap3A_672 = arith.constant 6 : i32
        %swap3A_673 = arith.index_cast %swap3A_671 : i32 to index
        %swap3A_674 = arith.index_cast %swap3A_672 : i32 to index
        %swap3A_675 = arith.index_cast %multiple_of3A_573 : i32 to index
        %swap3A_676 = tpu.vector_load %arg7[%swap3A_673, %swap3A_674, %swap3A_675] {strides = array<i32>} : memref<3x16x2048xf32, #tpu.memory_space<vmem>>, vector<1x1x16xf32>,
        %swap3A_677 = vector.shape_cast %swap3A_676 : vector<1x1x16xf32> to vector<16xf32>
        %swap3A_678 = vector.shape_cast %get3A_670 : vector<16xf32> to vector<1x1x16xf32>
        tpu.vector_store %arg7[%swap3A_673, %swap3A_674, %swap3A_675], %swap3A_678 {add = true, strides = array<i32>} : memref<3x16x2048xf32, #tpu.memory_space<vmem>>, vector<1x1x16xf32>,
        %get3A_679 = arith.constant 1 : i32
        %get3A_680 = arith.constant 15 : i32
        %get3A_681 = arith.index_cast %get3A_679 : i32 to index
        %get3A_682 = arith.index_cast %get3A_680 : i32 to index
        %get3A_683 = arith.index_cast %multiple_of3A_573 : i32 to index
        %get3A_684 = tpu.vector_load %arg7[%get3A_681, %get3A_682, %get3A_683] {strides = array<i32>} : memref<3x16x2048xf32, #tpu.memory_space<vmem>>, vector<1x1x16xf32>,
        %get3A_685 = vector.shape_cast %get3A_684 : vector<1x1x16xf32> to vector<16xf32>
        %swap3A_686 = arith.constant 1 : i32
        %swap3A_687 = arith.constant 7 : i32
        %swap3A_688 = arith.index_cast %swap3A_686 : i32 to index
        %swap3A_689 = arith.index_cast %swap3A_687 : i32 to index
        %swap3A_690 = arith.index_cast %multiple_of3A_573 : i32 to index
        %swap3A_691 = tpu.vector_load %arg7[%swap3A_688, %swap3A_689, %swap3A_690] {strides = array<i32>} : memref<3x16x2048xf32, #tpu.memory_space<vmem>>, vector<1x1x16xf32>,
        %swap3A_692 = vector.shape_cast %swap3A_691 : vector<1x1x16xf32> to vector<16xf32>
        %swap3A_693 = vector.shape_cast %get3A_685 : vector<16xf32> to vector<1x1x16xf32>
        tpu.vector_store %arg7[%swap3A_688, %swap3A_689, %swap3A_690], %swap3A_693 {add = true, strides = array<i32>} : memref<3x16x2048xf32, #tpu.memory_space<vmem>>, vector<1x1x16xf32>,
      }
      %scan3A_552 = arith.constant 128 : i32
      %add3A_553 = arith.addi %mul3A_2, %add3A_502 : i32
      %mul3A_554 = arith.constant 8 : i32
      %mul3A_555 = arith.muli %add3A_553, %mul3A_554 : i32
      %multiple_of3A_556 = tpu.assume_multiple %mul3A_555, 8 : i32
      %dma_start3A_557 = arith.constant 1 : i32
      %dma_start3A_558 = arith.constant 0 : i32
      %dma_start3A_559 = arith.constant 0 : i32
      %dma_start3A_560 = tpu.memref_slice %arg7[%dma_start3A_557, %dma_start3A_558, %dma_start3A_559] : memref<3x16x2048xf32, #tpu.memory_space<vmem>> -> memref<1x8x2048xf32, #tpu.memory_space<vmem>>
      %dma_start3A_561 = tpu.memref_squeeze %dma_start3A_560 : memref<1x8x2048xf32, #tpu.memory_space<vmem>> -> memref<8x2048xf32, #tpu.memory_space<vmem>>
      %dma_start3A_562 = arith.constant 0 : i32
      %dma_start3A_563 = tpu.memref_slice %arg4[%multiple_of3A_556, %dma_start3A_562] : memref<8192x2048xf32, #tpu.memory_space<hbm>> -> memref<8x2048xf32, #tpu.memory_space<hbm>>
      %dma_start3A_564 = arith.constant 0 : i32
      %dma_start3A_565 = tpu.memref_slice %arg4[%multiple_of3A_556, %dma_start3A_564] : memref<8192x2048xf32, #tpu.memory_space<hbm>> -> memref<8x2048xf32, #tpu.memory_space<hbm>>
      %dma_start3A_566 = arith.constant 0 : i32
      %dma_start3A_567 = arith.constant 0 : i32
      %dma_start3A_568 = tpu.memref_slice %arg7[%dma_start3A_557, %dma_start3A_566, %dma_start3A_567] : memref<3x16x2048xf32, #tpu.memory_space<vmem>> -> memref<1x8x2048xf32, #tpu.memory_space<vmem>>
      %dma_start3A_569 = tpu.memref_squeeze %dma_start3A_568 : memref<1x8x2048xf32, #tpu.memory_space<vmem>> -> memref<8x2048xf32, #tpu.memory_space<vmem>>
      tpu.enqueue_dma source(%dma_start3A_569 : memref<8x2048xf32, #tpu.memory_space<vmem>>) target(%dma_start3A_565 : memref<8x2048xf32, #tpu.memory_space<hbm>>) target_semaphore(%arg12 : memref<!tpu.dma_semaphore, #tpu.memory_space<semaphore_mem>>)
    }
    %scan3A_172 = arith.constant 9 : i32
    %dma_wait3A_173 = arith.constant 2 : i32
    %dma_wait3A_174 = arith.constant 0 : i32
    %dma_wait3A_175 = arith.constant 0 : i32
    %dma_wait3A_176 = tpu.memref_slice %arg7[%dma_wait3A_173, %dma_wait3A_174, %dma_wait3A_175] : memref<3x16x2048xf32, #tpu.memory_space<vmem>> -> memref<1x16x2048xf32, #tpu.memory_space<vmem>>
    %dma_wait3A_177 = tpu.memref_squeeze %dma_wait3A_176 : memref<1x16x2048xf32, #tpu.memory_space<vmem>> -> memref<16x2048xf32, #tpu.memory_space<vmem>>
    %dma_wait3A_178 = arith.constant 0 : i32
    %dma_wait3A_179 = arith.constant 0 : i32
    %dma_wait3A_180 = tpu.memref_slice %arg2[%dma_wait3A_178, %dma_wait3A_179] : memref<16384x2048xf32, #tpu.memory_space<hbm>> -> memref<16x2048xf32, #tpu.memory_space<hbm>>
    %dma_wait3A_181 = arith.constant 0 : i32
    %dma_wait3A_182 = arith.constant 0 : i32
    %dma_wait3A_183 = tpu.memref_slice %arg7[%dma_wait3A_173, %dma_wait3A_181, %dma_wait3A_182] : memref<3x16x2048xf32, #tpu.memory_space<vmem>> -> memref<1x16x2048xf32, #tpu.memory_space<vmem>>
    %dma_wait3A_184 = tpu.memref_squeeze %dma_wait3A_183 : memref<1x16x2048xf32, #tpu.memory_space<vmem>> -> memref<16x2048xf32, #tpu.memory_space<vmem>>
    %dma_wait3A_185 = arith.constant 0 : i32
    %dma_wait3A_186 = arith.constant 0 : i32
    %dma_wait3A_187 = tpu.memref_slice %arg2[%dma_wait3A_185, %dma_wait3A_186] : memref<16384x2048xf32, #tpu.memory_space<hbm>> -> memref<16x2048xf32, #tpu.memory_space<hbm>>
    tpu.wait_dma2 semaphore(%arg10 : memref<!tpu.dma_semaphore, #tpu.memory_space<semaphore_mem>>) src(%dma_wait3A_187 : memref<16x2048xf32, #tpu.memory_space<hbm>>) dst(%dma_wait3A_184 : memref<16x2048xf32, #tpu.memory_space<vmem>>)
    %dma_wait3A_188 = arith.constant 1 : i32
    %dma_wait3A_189 = arith.constant 0 : i32
    %dma_wait3A_190 = arith.constant 0 : i32
    %dma_wait3A_191 = tpu.memref_slice %arg7[%dma_wait3A_188, %dma_wait3A_189, %dma_wait3A_190] : memref<3x16x2048xf32, #tpu.memory_space<vmem>> -> memref<1x8x2048xf32, #tpu.memory_space<vmem>>
    %dma_wait3A_192 = tpu.memref_squeeze %dma_wait3A_191 : memref<1x8x2048xf32, #tpu.memory_space<vmem>> -> memref<8x2048xf32, #tpu.memory_space<vmem>>
    %dma_wait3A_193 = arith.constant 0 : i32
    %dma_wait3A_194 = arith.constant 0 : i32
    %dma_wait3A_195 = tpu.memref_slice %arg2[%dma_wait3A_193, %dma_wait3A_194] : memref<16384x2048xf32, #tpu.memory_space<hbm>> -> memref<8x2048xf32, #tpu.memory_space<hbm>>
    %dma_wait3A_196 = arith.constant 0 : i32
    %dma_wait3A_197 = arith.constant 0 : i32
    %dma_wait3A_198 = tpu.memref_slice %arg7[%dma_wait3A_188, %dma_wait3A_196, %dma_wait3A_197] : memref<3x16x2048xf32, #tpu.memory_space<vmem>> -> memref<1x8x2048xf32, #tpu.memory_space<vmem>>
    %dma_wait3A_199 = tpu.memref_squeeze %dma_wait3A_198 : memref<1x8x2048xf32, #tpu.memory_space<vmem>> -> memref<8x2048xf32, #tpu.memory_space<vmem>>
    %dma_wait3A_200 = arith.constant 0 : i32
    %dma_wait3A_201 = arith.constant 0 : i32
    %dma_wait3A_202 = tpu.memref_slice %arg2[%dma_wait3A_200, %dma_wait3A_201] : memref<16384x2048xf32, #tpu.memory_space<hbm>> -> memref<8x2048xf32, #tpu.memory_space<hbm>>
    tpu.wait_dma2 semaphore(%arg12 : memref<!tpu.dma_semaphore, #tpu.memory_space<semaphore_mem>>) src(%dma_wait3A_202 : memref<8x2048xf32, #tpu.memory_space<hbm>>) dst(%dma_wait3A_199 : memref<8x2048xf32, #tpu.memory_space<vmem>>)
    %dma_start3A_203 = arith.constant 1 : i32
    %dma_start3A_204 = arith.constant 0 : i32
    %dma_start3A_205 = arith.constant 0 : i32
    %dma_start3A_206 = tpu.memref_slice %arg7[%dma_start3A_203, %dma_start3A_204, %dma_start3A_205] : memref<3x16x2048xf32, #tpu.memory_space<vmem>> -> memref<1x16x2048xf32, #tpu.memory_space<vmem>>
    %dma_start3A_207 = tpu.memref_squeeze %dma_start3A_206 : memref<1x16x2048xf32, #tpu.memory_space<vmem>> -> memref<16x2048xf32, #tpu.memory_space<vmem>>
    %dma_start3A_208 = arith.constant 496 : i32
    %dma_start3A_209 = tpu.memref_slice %arg6[%dma_start3A_208] : memref<512xi32, #tpu.memory_space<vmem>> -> memref<16xi32, #tpu.memory_space<vmem>>
    %dma_start3A_210 = arith.constant 0 : i32
    %dma_start3A_211 = arith.constant 0 : i32
    %dma_start3A_212 = tpu.memref_slice %arg2[%dma_start3A_210, %dma_start3A_211] : memref<16384x2048xf32, #tpu.memory_space<hbm>> -> memref<16384x2048xf32, #tpu.memory_space<hbm>>
    tpu.enqueue_indirect_dma source(%dma_start3A_212 : memref<16384x2048xf32, #tpu.memory_space<hbm>>) target(%dma_start3A_207 : memref<16x2048xf32, #tpu.memory_space<vmem>>) offsets(%dma_start3A_209 : memref<16xi32, #tpu.memory_space<vmem>>) semaphore(%arg9 : memref<!tpu.dma_semaphore, #tpu.memory_space<semaphore_mem>>)
    %scan3A_213 = arith.constant 0 : i32
    %scan3A_214 = arith.constant 0 : i32
    %scan3A_215 = arith.constant 128 : i32
    %scan3A_216 = arith.addi %scan3A_214, %scan3A_215 : i32
    %scan3A_217 = arith.constant 1 : i32
    scf.for %scan3A_360 = %scan3A_214 to %scan3A_216 step %scan3A_217  : i32 {
      %mul3A_361 = arith.constant 16 : i32
      %mul3A_362 = arith.muli %scan3A_360, %mul3A_361 : i32
      %multiple_of3A_363 = tpu.assume_multiple %mul3A_362, 16 : i32
      %get3A_364 = arith.constant 2 : i32
      %get3A_365 = arith.constant 8 : i32
      %get3A_366 = arith.index_cast %get3A_364 : i32 to index
      %get3A_367 = arith.index_cast %get3A_365 : i32 to index
      %get3A_368 = arith.index_cast %multiple_of3A_363 : i32 to index
      %get3A_369 = tpu.vector_load %arg7[%get3A_366, %get3A_367, %get3A_368] {strides = array<i32>} : memref<3x16x2048xf32, #tpu.memory_space<vmem>>, vector<1x1x16xf32>,
      %get3A_370 = vector.shape_cast %get3A_369 : vector<1x1x16xf32> to vector<16xf32>
      %swap3A_371 = arith.constant 2 : i32
      %swap3A_372 = arith.constant 0 : i32
      %swap3A_373 = arith.index_cast %swap3A_371 : i32 to index
      %swap3A_374 = arith.index_cast %swap3A_372 : i32 to index
      %swap3A_375 = arith.index_cast %multiple_of3A_363 : i32 to index
      %swap3A_376 = tpu.vector_load %arg7[%swap3A_373, %swap3A_374, %swap3A_375] {strides = array<i32>} : memref<3x16x2048xf32, #tpu.memory_space<vmem>>, vector<1x1x16xf32>,
      %swap3A_377 = vector.shape_cast %swap3A_376 : vector<1x1x16xf32> to vector<16xf32>
      %swap3A_378 = vector.shape_cast %get3A_370 : vector<16xf32> to vector<1x1x16xf32>
      tpu.vector_store %arg7[%swap3A_373, %swap3A_374, %swap3A_375], %swap3A_378 {add = true, strides = array<i32>} : memref<3x16x2048xf32, #tpu.memory_space<vmem>>, vector<1x1x16xf32>,
      %get3A_379 = arith.constant 2 : i32
      %get3A_380 = arith.constant 9 : i32
      %get3A_381 = arith.index_cast %get3A_379 : i32 to index
      %get3A_382 = arith.index_cast %get3A_380 : i32 to index
      %get3A_383 = arith.index_cast %multiple_of3A_363 : i32 to index
      %get3A_384 = tpu.vector_load %arg7[%get3A_381, %get3A_382, %get3A_383] {strides = array<i32>} : memref<3x16x2048xf32, #tpu.memory_space<vmem>>, vector<1x1x16xf32>,
      %get3A_385 = vector.shape_cast %get3A_384 : vector<1x1x16xf32> to vector<16xf32>
      %swap3A_386 = arith.constant 2 : i32
      %swap3A_387 = arith.constant 1 : i32
      %swap3A_388 = arith.index_cast %swap3A_386 : i32 to index
      %swap3A_389 = arith.index_cast %swap3A_387 : i32 to index
      %swap3A_390 = arith.index_cast %multiple_of3A_363 : i32 to index
      %swap3A_391 = tpu.vector_load %arg7[%swap3A_388, %swap3A_389, %swap3A_390] {strides = array<i32>} : memref<3x16x2048xf32, #tpu.memory_space<vmem>>, vector<1x1x16xf32>,
      %swap3A_392 = vector.shape_cast %swap3A_391 : vector<1x1x16xf32> to vector<16xf32>
      %swap3A_393 = vector.shape_cast %get3A_385 : vector<16xf32> to vector<1x1x16xf32>
      tpu.vector_store %arg7[%swap3A_388, %swap3A_389, %swap3A_390], %swap3A_393 {add = true, strides = array<i32>} : memref<3x16x2048xf32, #tpu.memory_space<vmem>>, vector<1x1x16xf32>,
      %get3A_394 = arith.constant 2 : i32
      %get3A_395 = arith.constant 10 : i32
      %get3A_396 = arith.index_cast %get3A_394 : i32 to index
      %get3A_397 = arith.index_cast %get3A_395 : i32 to index
      %get3A_398 = arith.index_cast %multiple_of3A_363 : i32 to index
      %get3A_399 = tpu.vector_load %arg7[%get3A_396, %get3A_397, %get3A_398] {strides = array<i32>} : memref<3x16x2048xf32, #tpu.memory_space<vmem>>, vector<1x1x16xf32>,
      %get3A_400 = vector.shape_cast %get3A_399 : vector<1x1x16xf32> to vector<16xf32>
      %swap3A_401 = arith.constant 2 : i32
      %swap3A_402 = arith.constant 2 : i32
      %swap3A_403 = arith.index_cast %swap3A_401 : i32 to index
      %swap3A_404 = arith.index_cast %swap3A_402 : i32 to index
      %swap3A_405 = arith.index_cast %multiple_of3A_363 : i32 to index
      %swap3A_406 = tpu.vector_load %arg7[%swap3A_403, %swap3A_404, %swap3A_405] {strides = array<i32>} : memref<3x16x2048xf32, #tpu.memory_space<vmem>>, vector<1x1x16xf32>,
      %swap3A_407 = vector.shape_cast %swap3A_406 : vector<1x1x16xf32> to vector<16xf32>
      %swap3A_408 = vector.shape_cast %get3A_400 : vector<16xf32> to vector<1x1x16xf32>
      tpu.vector_store %arg7[%swap3A_403, %swap3A_404, %swap3A_405], %swap3A_408 {add = true, strides = array<i32>} : memref<3x16x2048xf32, #tpu.memory_space<vmem>>, vector<1x1x16xf32>,
      %get3A_409 = arith.constant 2 : i32
      %get3A_410 = arith.constant 11 : i32
      %get3A_411 = arith.index_cast %get3A_409 : i32 to index
      %get3A_412 = arith.index_cast %get3A_410 : i32 to index
      %get3A_413 = arith.index_cast %multiple_of3A_363 : i32 to index
      %get3A_414 = tpu.vector_load %arg7[%get3A_411, %get3A_412, %get3A_413] {strides = array<i32>} : memref<3x16x2048xf32, #tpu.memory_space<vmem>>, vector<1x1x16xf32>,
      %get3A_415 = vector.shape_cast %get3A_414 : vector<1x1x16xf32> to vector<16xf32>
      %swap3A_416 = arith.constant 2 : i32
      %swap3A_417 = arith.constant 3 : i32
      %swap3A_418 = arith.index_cast %swap3A_416 : i32 to index
      %swap3A_419 = arith.index_cast %swap3A_417 : i32 to index
      %swap3A_420 = arith.index_cast %multiple_of3A_363 : i32 to index
      %swap3A_421 = tpu.vector_load %arg7[%swap3A_418, %swap3A_419, %swap3A_420] {strides = array<i32>} : memref<3x16x2048xf32, #tpu.memory_space<vmem>>, vector<1x1x16xf32>,
      %swap3A_422 = vector.shape_cast %swap3A_421 : vector<1x1x16xf32> to vector<16xf32>
      %swap3A_423 = vector.shape_cast %get3A_415 : vector<16xf32> to vector<1x1x16xf32>
      tpu.vector_store %arg7[%swap3A_418, %swap3A_419, %swap3A_420], %swap3A_423 {add = true, strides = array<i32>} : memref<3x16x2048xf32, #tpu.memory_space<vmem>>, vector<1x1x16xf32>,
      %get3A_424 = arith.constant 2 : i32
      %get3A_425 = arith.constant 12 : i32
      %get3A_426 = arith.index_cast %get3A_424 : i32 to index
      %get3A_427 = arith.index_cast %get3A_425 : i32 to index
      %get3A_428 = arith.index_cast %multiple_of3A_363 : i32 to index
      %get3A_429 = tpu.vector_load %arg7[%get3A_426, %get3A_427, %get3A_428] {strides = array<i32>} : memref<3x16x2048xf32, #tpu.memory_space<vmem>>, vector<1x1x16xf32>,
      %get3A_430 = vector.shape_cast %get3A_429 : vector<1x1x16xf32> to vector<16xf32>
      %swap3A_431 = arith.constant 2 : i32
      %swap3A_432 = arith.constant 4 : i32
      %swap3A_433 = arith.index_cast %swap3A_431 : i32 to index
      %swap3A_434 = arith.index_cast %swap3A_432 : i32 to index
      %swap3A_435 = arith.index_cast %multiple_of3A_363 : i32 to index
      %swap3A_436 = tpu.vector_load %arg7[%swap3A_433, %swap3A_434, %swap3A_435] {strides = array<i32>} : memref<3x16x2048xf32, #tpu.memory_space<vmem>>, vector<1x1x16xf32>,
      %swap3A_437 = vector.shape_cast %swap3A_436 : vector<1x1x16xf32> to vector<16xf32>
      %swap3A_438 = vector.shape_cast %get3A_430 : vector<16xf32> to vector<1x1x16xf32>
      tpu.vector_store %arg7[%swap3A_433, %swap3A_434, %swap3A_435], %swap3A_438 {add = true, strides = array<i32>} : memref<3x16x2048xf32, #tpu.memory_space<vmem>>, vector<1x1x16xf32>,
      %get3A_439 = arith.constant 2 : i32
      %get3A_440 = arith.constant 13 : i32
      %get3A_441 = arith.index_cast %get3A_439 : i32 to index
      %get3A_442 = arith.index_cast %get3A_440 : i32 to index
      %get3A_443 = arith.index_cast %multiple_of3A_363 : i32 to index
      %get3A_444 = tpu.vector_load %arg7[%get3A_441, %get3A_442, %get3A_443] {strides = array<i32>} : memref<3x16x2048xf32, #tpu.memory_space<vmem>>, vector<1x1x16xf32>,
      %get3A_445 = vector.shape_cast %get3A_444 : vector<1x1x16xf32> to vector<16xf32>
      %swap3A_446 = arith.constant 2 : i32
      %swap3A_447 = arith.constant 5 : i32
      %swap3A_448 = arith.index_cast %swap3A_446 : i32 to index
      %swap3A_449 = arith.index_cast %swap3A_447 : i32 to index
      %swap3A_450 = arith.index_cast %multiple_of3A_363 : i32 to index
      %swap3A_451 = tpu.vector_load %arg7[%swap3A_448, %swap3A_449, %swap3A_450] {strides = array<i32>} : memref<3x16x2048xf32, #tpu.memory_space<vmem>>, vector<1x1x16xf32>,
      %swap3A_452 = vector.shape_cast %swap3A_451 : vector<1x1x16xf32> to vector<16xf32>
      %swap3A_453 = vector.shape_cast %get3A_445 : vector<16xf32> to vector<1x1x16xf32>
      tpu.vector_store %arg7[%swap3A_448, %swap3A_449, %swap3A_450], %swap3A_453 {add = true, strides = array<i32>} : memref<3x16x2048xf32, #tpu.memory_space<vmem>>, vector<1x1x16xf32>,
      %get3A_454 = arith.constant 2 : i32
      %get3A_455 = arith.constant 14 : i32
      %get3A_456 = arith.index_cast %get3A_454 : i32 to index
      %get3A_457 = arith.index_cast %get3A_455 : i32 to index
      %get3A_458 = arith.index_cast %multiple_of3A_363 : i32 to index
      %get3A_459 = tpu.vector_load %arg7[%get3A_456, %get3A_457, %get3A_458] {strides = array<i32>} : memref<3x16x2048xf32, #tpu.memory_space<vmem>>, vector<1x1x16xf32>,
      %get3A_460 = vector.shape_cast %get3A_459 : vector<1x1x16xf32> to vector<16xf32>
      %swap3A_461 = arith.constant 2 : i32
      %swap3A_462 = arith.constant 6 : i32
      %swap3A_463 = arith.index_cast %swap3A_461 : i32 to index
      %swap3A_464 = arith.index_cast %swap3A_462 : i32 to index
      %swap3A_465 = arith.index_cast %multiple_of3A_363 : i32 to index
      %swap3A_466 = tpu.vector_load %arg7[%swap3A_463, %swap3A_464, %swap3A_465] {strides = array<i32>} : memref<3x16x2048xf32, #tpu.memory_space<vmem>>, vector<1x1x16xf32>,
      %swap3A_467 = vector.shape_cast %swap3A_466 : vector<1x1x16xf32> to vector<16xf32>
      %swap3A_468 = vector.shape_cast %get3A_460 : vector<16xf32> to vector<1x1x16xf32>
      tpu.vector_store %arg7[%swap3A_463, %swap3A_464, %swap3A_465], %swap3A_468 {add = true, strides = array<i32>} : memref<3x16x2048xf32, #tpu.memory_space<vmem>>, vector<1x1x16xf32>,
      %get3A_469 = arith.constant 2 : i32
      %get3A_470 = arith.constant 15 : i32
      %get3A_471 = arith.index_cast %get3A_469 : i32 to index
      %get3A_472 = arith.index_cast %get3A_470 : i32 to index
      %get3A_473 = arith.index_cast %multiple_of3A_363 : i32 to index
      %get3A_474 = tpu.vector_load %arg7[%get3A_471, %get3A_472, %get3A_473] {strides = array<i32>} : memref<3x16x2048xf32, #tpu.memory_space<vmem>>, vector<1x1x16xf32>,
      %get3A_475 = vector.shape_cast %get3A_474 : vector<1x1x16xf32> to vector<16xf32>
      %swap3A_476 = arith.constant 2 : i32
      %swap3A_477 = arith.constant 7 : i32
      %swap3A_478 = arith.index_cast %swap3A_476 : i32 to index
      %swap3A_479 = arith.index_cast %swap3A_477 : i32 to index
      %swap3A_480 = arith.index_cast %multiple_of3A_363 : i32 to index
      %swap3A_481 = tpu.vector_load %arg7[%swap3A_478, %swap3A_479, %swap3A_480] {strides = array<i32>} : memref<3x16x2048xf32, #tpu.memory_space<vmem>>, vector<1x1x16xf32>,
      %swap3A_482 = vector.shape_cast %swap3A_481 : vector<1x1x16xf32> to vector<16xf32>
      %swap3A_483 = vector.shape_cast %get3A_475 : vector<16xf32> to vector<1x1x16xf32>
      tpu.vector_store %arg7[%swap3A_478, %swap3A_479, %swap3A_480], %swap3A_483 {add = true, strides = array<i32>} : memref<3x16x2048xf32, #tpu.memory_space<vmem>>, vector<1x1x16xf32>,
    }
    %scan3A_218 = arith.constant 128 : i32
    %add3A_219 = arith.constant 29 : i32
    %add3A_220 = arith.addi %mul3A_2, %add3A_219 : i32
    %mul3A_221 = arith.constant 8 : i32
    %mul3A_222 = arith.muli %add3A_220, %mul3A_221 : i32
    %multiple_of3A_223 = tpu.assume_multiple %mul3A_222, 8 : i32
    %dma_start3A_224 = arith.constant 2 : i32
    %dma_start3A_225 = arith.constant 0 : i32
    %dma_start3A_226 = arith.constant 0 : i32
    %dma_start3A_227 = tpu.memref_slice %arg7[%dma_start3A_224, %dma_start3A_225, %dma_start3A_226] : memref<3x16x2048xf32, #tpu.memory_space<vmem>> -> memref<1x8x2048xf32, #tpu.memory_space<vmem>>
    %dma_start3A_228 = tpu.memref_squeeze %dma_start3A_227 : memref<1x8x2048xf32, #tpu.memory_space<vmem>> -> memref<8x2048xf32, #tpu.memory_space<vmem>>
    %dma_start3A_229 = arith.constant 0 : i32
    %dma_start3A_230 = tpu.memref_slice %arg4[%multiple_of3A_223, %dma_start3A_229] : memref<8192x2048xf32, #tpu.memory_space<hbm>> -> memref<8x2048xf32, #tpu.memory_space<hbm>>
    %dma_start3A_231 = arith.constant 0 : i32
    %dma_start3A_232 = tpu.memref_slice %arg4[%multiple_of3A_223, %dma_start3A_231] : memref<8192x2048xf32, #tpu.memory_space<hbm>> -> memref<8x2048xf32, #tpu.memory_space<hbm>>
    %dma_start3A_233 = arith.constant 0 : i32
    %dma_start3A_234 = arith.constant 0 : i32
    %dma_start3A_235 = tpu.memref_slice %arg7[%dma_start3A_224, %dma_start3A_233, %dma_start3A_234] : memref<3x16x2048xf32, #tpu.memory_space<vmem>> -> memref<1x8x2048xf32, #tpu.memory_space<vmem>>
    %dma_start3A_236 = tpu.memref_squeeze %dma_start3A_235 : memref<1x8x2048xf32, #tpu.memory_space<vmem>> -> memref<8x2048xf32, #tpu.memory_space<vmem>>
    tpu.enqueue_dma source(%dma_start3A_236 : memref<8x2048xf32, #tpu.memory_space<vmem>>) target(%dma_start3A_232 : memref<8x2048xf32, #tpu.memory_space<hbm>>) target_semaphore(%arg13 : memref<!tpu.dma_semaphore, #tpu.memory_space<semaphore_mem>>)
    %dma_wait3A_237 = arith.constant 0 : i32
    %dma_wait3A_238 = arith.constant 0 : i32
    %dma_wait3A_239 = arith.constant 0 : i32
    %dma_wait3A_240 = tpu.memref_slice %arg7[%dma_wait3A_237, %dma_wait3A_238, %dma_wait3A_239] : memref<3x16x2048xf32, #tpu.memory_space<vmem>> -> memref<1x16x2048xf32, #tpu.memory_space<vmem>>
    %dma_wait3A_241 = tpu.memref_squeeze %dma_wait3A_240 : memref<1x16x2048xf32, #tpu.memory_space<vmem>> -> memref<16x2048xf32, #tpu.memory_space<vmem>>
    %dma_wait3A_242 = arith.constant 0 : i32
    %dma_wait3A_243 = arith.constant 0 : i32
    %dma_wait3A_244 = tpu.memref_slice %arg2[%dma_wait3A_242, %dma_wait3A_243] : memref<16384x2048xf32, #tpu.memory_space<hbm>> -> memref<16x2048xf32, #tpu.memory_space<hbm>>
    %dma_wait3A_245 = arith.constant 0 : i32
    %dma_wait3A_246 = arith.constant 0 : i32
    %dma_wait3A_247 = tpu.memref_slice %arg7[%dma_wait3A_237, %dma_wait3A_245, %dma_wait3A_246] : memref<3x16x2048xf32, #tpu.memory_space<vmem>> -> memref<1x16x2048xf32, #tpu.memory_space<vmem>>
    %dma_wait3A_248 = tpu.memref_squeeze %dma_wait3A_247 : memref<1x16x2048xf32, #tpu.memory_space<vmem>> -> memref<16x2048xf32, #tpu.memory_space<vmem>>
    %dma_wait3A_249 = arith.constant 0 : i32
    %dma_wait3A_250 = arith.constant 0 : i32
    %dma_wait3A_251 = tpu.memref_slice %arg2[%dma_wait3A_249, %dma_wait3A_250] : memref<16384x2048xf32, #tpu.memory_space<hbm>> -> memref<16x2048xf32, #tpu.memory_space<hbm>>
    tpu.wait_dma2 semaphore(%arg8 : memref<!tpu.dma_semaphore, #tpu.memory_space<semaphore_mem>>) src(%dma_wait3A_251 : memref<16x2048xf32, #tpu.memory_space<hbm>>) dst(%dma_wait3A_248 : memref<16x2048xf32, #tpu.memory_space<vmem>>)
    %scan3A_252 = arith.constant 0 : i32
    %scan3A_253 = arith.constant 0 : i32
    %scan3A_254 = arith.constant 128 : i32
    %scan3A_255 = arith.addi %scan3A_253, %scan3A_254 : i32
    %scan3A_256 = arith.constant 1 : i32
    scf.for %scan3A_360 = %scan3A_253 to %scan3A_255 step %scan3A_256  : i32 {
      %mul3A_361 = arith.constant 16 : i32
      %mul3A_362 = arith.muli %scan3A_360, %mul3A_361 : i32
      %multiple_of3A_363 = tpu.assume_multiple %mul3A_362, 16 : i32
      %get3A_364 = arith.constant 0 : i32
      %get3A_365 = arith.constant 8 : i32
      %get3A_366 = arith.index_cast %get3A_364 : i32 to index
      %get3A_367 = arith.index_cast %get3A_365 : i32 to index
      %get3A_368 = arith.index_cast %multiple_of3A_363 : i32 to index
      %get3A_369 = tpu.vector_load %arg7[%get3A_366, %get3A_367, %get3A_368] {strides = array<i32>} : memref<3x16x2048xf32, #tpu.memory_space<vmem>>, vector<1x1x16xf32>,
      %get3A_370 = vector.shape_cast %get3A_369 : vector<1x1x16xf32> to vector<16xf32>
      %swap3A_371 = arith.constant 0 : i32
      %swap3A_372 = arith.constant 0 : i32
      %swap3A_373 = arith.index_cast %swap3A_371 : i32 to index
      %swap3A_374 = arith.index_cast %swap3A_372 : i32 to index
      %swap3A_375 = arith.index_cast %multiple_of3A_363 : i32 to index
      %swap3A_376 = tpu.vector_load %arg7[%swap3A_373, %swap3A_374, %swap3A_375] {strides = array<i32>} : memref<3x16x2048xf32, #tpu.memory_space<vmem>>, vector<1x1x16xf32>,
      %swap3A_377 = vector.shape_cast %swap3A_376 : vector<1x1x16xf32> to vector<16xf32>
      %swap3A_378 = vector.shape_cast %get3A_370 : vector<16xf32> to vector<1x1x16xf32>
      tpu.vector_store %arg7[%swap3A_373, %swap3A_374, %swap3A_375], %swap3A_378 {add = true, strides = array<i32>} : memref<3x16x2048xf32, #tpu.memory_space<vmem>>, vector<1x1x16xf32>,
      %get3A_379 = arith.constant 0 : i32
      %get3A_380 = arith.constant 9 : i32
      %get3A_381 = arith.index_cast %get3A_379 : i32 to index
      %get3A_382 = arith.index_cast %get3A_380 : i32 to index
      %get3A_383 = arith.index_cast %multiple_of3A_363 : i32 to index
      %get3A_384 = tpu.vector_load %arg7[%get3A_381, %get3A_382, %get3A_383] {strides = array<i32>} : memref<3x16x2048xf32, #tpu.memory_space<vmem>>, vector<1x1x16xf32>,
      %get3A_385 = vector.shape_cast %get3A_384 : vector<1x1x16xf32> to vector<16xf32>
      %swap3A_386 = arith.constant 0 : i32
      %swap3A_387 = arith.constant 1 : i32
      %swap3A_388 = arith.index_cast %swap3A_386 : i32 to index
      %swap3A_389 = arith.index_cast %swap3A_387 : i32 to index
      %swap3A_390 = arith.index_cast %multiple_of3A_363 : i32 to index
      %swap3A_391 = tpu.vector_load %arg7[%swap3A_388, %swap3A_389, %swap3A_390] {strides = array<i32>} : memref<3x16x2048xf32, #tpu.memory_space<vmem>>, vector<1x1x16xf32>,
      %swap3A_392 = vector.shape_cast %swap3A_391 : vector<1x1x16xf32> to vector<16xf32>
      %swap3A_393 = vector.shape_cast %get3A_385 : vector<16xf32> to vector<1x1x16xf32>
      tpu.vector_store %arg7[%swap3A_388, %swap3A_389, %swap3A_390], %swap3A_393 {add = true, strides = array<i32>} : memref<3x16x2048xf32, #tpu.memory_space<vmem>>, vector<1x1x16xf32>,
      %get3A_394 = arith.constant 0 : i32
      %get3A_395 = arith.constant 10 : i32
      %get3A_396 = arith.index_cast %get3A_394 : i32 to index
      %get3A_397 = arith.index_cast %get3A_395 : i32 to index
      %get3A_398 = arith.index_cast %multiple_of3A_363 : i32 to index
      %get3A_399 = tpu.vector_load %arg7[%get3A_396, %get3A_397, %get3A_398] {strides = array<i32>} : memref<3x16x2048xf32, #tpu.memory_space<vmem>>, vector<1x1x16xf32>,
      %get3A_400 = vector.shape_cast %get3A_399 : vector<1x1x16xf32> to vector<16xf32>
      %swap3A_401 = arith.constant 0 : i32
      %swap3A_402 = arith.constant 2 : i32
      %swap3A_403 = arith.index_cast %swap3A_401 : i32 to index
      %swap3A_404 = arith.index_cast %swap3A_402 : i32 to index
      %swap3A_405 = arith.index_cast %multiple_of3A_363 : i32 to index
      %swap3A_406 = tpu.vector_load %arg7[%swap3A_403, %swap3A_404, %swap3A_405] {strides = array<i32>} : memref<3x16x2048xf32, #tpu.memory_space<vmem>>, vector<1x1x16xf32>,
      %swap3A_407 = vector.shape_cast %swap3A_406 : vector<1x1x16xf32> to vector<16xf32>
      %swap3A_408 = vector.shape_cast %get3A_400 : vector<16xf32> to vector<1x1x16xf32>
      tpu.vector_store %arg7[%swap3A_403, %swap3A_404, %swap3A_405], %swap3A_408 {add = true, strides = array<i32>} : memref<3x16x2048xf32, #tpu.memory_space<vmem>>, vector<1x1x16xf32>,
      %get3A_409 = arith.constant 0 : i32
      %get3A_410 = arith.constant 11 : i32
      %get3A_411 = arith.index_cast %get3A_409 : i32 to index
      %get3A_412 = arith.index_cast %get3A_410 : i32 to index
      %get3A_413 = arith.index_cast %multiple_of3A_363 : i32 to index
      %get3A_414 = tpu.vector_load %arg7[%get3A_411, %get3A_412, %get3A_413] {strides = array<i32>} : memref<3x16x2048xf32, #tpu.memory_space<vmem>>, vector<1x1x16xf32>,
      %get3A_415 = vector.shape_cast %get3A_414 : vector<1x1x16xf32> to vector<16xf32>
      %swap3A_416 = arith.constant 0 : i32
      %swap3A_417 = arith.constant 3 : i32
      %swap3A_418 = arith.index_cast %swap3A_416 : i32 to index
      %swap3A_419 = arith.index_cast %swap3A_417 : i32 to index
      %swap3A_420 = arith.index_cast %multiple_of3A_363 : i32 to index
      %swap3A_421 = tpu.vector_load %arg7[%swap3A_418, %swap3A_419, %swap3A_420] {strides = array<i32>} : memref<3x16x2048xf32, #tpu.memory_space<vmem>>, vector<1x1x16xf32>,
      %swap3A_422 = vector.shape_cast %swap3A_421 : vector<1x1x16xf32> to vector<16xf32>
      %swap3A_423 = vector.shape_cast %get3A_415 : vector<16xf32> to vector<1x1x16xf32>
      tpu.vector_store %arg7[%swap3A_418, %swap3A_419, %swap3A_420], %swap3A_423 {add = true, strides = array<i32>} : memref<3x16x2048xf32, #tpu.memory_space<vmem>>, vector<1x1x16xf32>,
      %get3A_424 = arith.constant 0 : i32
      %get3A_425 = arith.constant 12 : i32
      %get3A_426 = arith.index_cast %get3A_424 : i32 to index
      %get3A_427 = arith.index_cast %get3A_425 : i32 to index
      %get3A_428 = arith.index_cast %multiple_of3A_363 : i32 to index
      %get3A_429 = tpu.vector_load %arg7[%get3A_426, %get3A_427, %get3A_428] {strides = array<i32>} : memref<3x16x2048xf32, #tpu.memory_space<vmem>>, vector<1x1x16xf32>,
      %get3A_430 = vector.shape_cast %get3A_429 : vector<1x1x16xf32> to vector<16xf32>
      %swap3A_431 = arith.constant 0 : i32
      %swap3A_432 = arith.constant 4 : i32
      %swap3A_433 = arith.index_cast %swap3A_431 : i32 to index
      %swap3A_434 = arith.index_cast %swap3A_432 : i32 to index
      %swap3A_435 = arith.index_cast %multiple_of3A_363 : i32 to index
      %swap3A_436 = tpu.vector_load %arg7[%swap3A_433, %swap3A_434, %swap3A_435] {strides = array<i32>} : memref<3x16x2048xf32, #tpu.memory_space<vmem>>, vector<1x1x16xf32>,
      %swap3A_437 = vector.shape_cast %swap3A_436 : vector<1x1x16xf32> to vector<16xf32>
      %swap3A_438 = vector.shape_cast %get3A_430 : vector<16xf32> to vector<1x1x16xf32>
      tpu.vector_store %arg7[%swap3A_433, %swap3A_434, %swap3A_435], %swap3A_438 {add = true, strides = array<i32>} : memref<3x16x2048xf32, #tpu.memory_space<vmem>>, vector<1x1x16xf32>,
      %get3A_439 = arith.constant 0 : i32
      %get3A_440 = arith.constant 13 : i32
      %get3A_441 = arith.index_cast %get3A_439 : i32 to index
      %get3A_442 = arith.index_cast %get3A_440 : i32 to index
      %get3A_443 = arith.index_cast %multiple_of3A_363 : i32 to index
      %get3A_444 = tpu.vector_load %arg7[%get3A_441, %get3A_442, %get3A_443] {strides = array<i32>} : memref<3x16x2048xf32, #tpu.memory_space<vmem>>, vector<1x1x16xf32>,
      %get3A_445 = vector.shape_cast %get3A_444 : vector<1x1x16xf32> to vector<16xf32>
      %swap3A_446 = arith.constant 0 : i32
      %swap3A_447 = arith.constant 5 : i32
      %swap3A_448 = arith.index_cast %swap3A_446 : i32 to index
      %swap3A_449 = arith.index_cast %swap3A_447 : i32 to index
      %swap3A_450 = arith.index_cast %multiple_of3A_363 : i32 to index
      %swap3A_451 = tpu.vector_load %arg7[%swap3A_448, %swap3A_449, %swap3A_450] {strides = array<i32>} : memref<3x16x2048xf32, #tpu.memory_space<vmem>>, vector<1x1x16xf32>,
      %swap3A_452 = vector.shape_cast %swap3A_451 : vector<1x1x16xf32> to vector<16xf32>
      %swap3A_453 = vector.shape_cast %get3A_445 : vector<16xf32> to vector<1x1x16xf32>
      tpu.vector_store %arg7[%swap3A_448, %swap3A_449, %swap3A_450], %swap3A_453 {add = true, strides = array<i32>} : memref<3x16x2048xf32, #tpu.memory_space<vmem>>, vector<1x1x16xf32>,
      %get3A_454 = arith.constant 0 : i32
      %get3A_455 = arith.constant 14 : i32
      %get3A_456 = arith.index_cast %get3A_454 : i32 to index
      %get3A_457 = arith.index_cast %get3A_455 : i32 to index
      %get3A_458 = arith.index_cast %multiple_of3A_363 : i32 to index
      %get3A_459 = tpu.vector_load %arg7[%get3A_456, %get3A_457, %get3A_458] {strides = array<i32>} : memref<3x16x2048xf32, #tpu.memory_space<vmem>>, vector<1x1x16xf32>,
      %get3A_460 = vector.shape_cast %get3A_459 : vector<1x1x16xf32> to vector<16xf32>
      %swap3A_461 = arith.constant 0 : i32
      %swap3A_462 = arith.constant 6 : i32
      %swap3A_463 = arith.index_cast %swap3A_461 : i32 to index
      %swap3A_464 = arith.index_cast %swap3A_462 : i32 to index
      %swap3A_465 = arith.index_cast %multiple_of3A_363 : i32 to index
      %swap3A_466 = tpu.vector_load %arg7[%swap3A_463, %swap3A_464, %swap3A_465] {strides = array<i32>} : memref<3x16x2048xf32, #tpu.memory_space<vmem>>, vector<1x1x16xf32>,
      %swap3A_467 = vector.shape_cast %swap3A_466 : vector<1x1x16xf32> to vector<16xf32>
      %swap3A_468 = vector.shape_cast %get3A_460 : vector<16xf32> to vector<1x1x16xf32>
      tpu.vector_store %arg7[%swap3A_463, %swap3A_464, %swap3A_465], %swap3A_468 {add = true, strides = array<i32>} : memref<3x16x2048xf32, #tpu.memory_space<vmem>>, vector<1x1x16xf32>,
      %get3A_469 = arith.constant 0 : i32
      %get3A_470 = arith.constant 15 : i32
      %get3A_471 = arith.index_cast %get3A_469 : i32 to index
      %get3A_472 = arith.index_cast %get3A_470 : i32 to index
      %get3A_473 = arith.index_cast %multiple_of3A_363 : i32 to index
      %get3A_474 = tpu.vector_load %arg7[%get3A_471, %get3A_472, %get3A_473] {strides = array<i32>} : memref<3x16x2048xf32, #tpu.memory_space<vmem>>, vector<1x1x16xf32>,
      %get3A_475 = vector.shape_cast %get3A_474 : vector<1x1x16xf32> to vector<16xf32>
      %swap3A_476 = arith.constant 0 : i32
      %swap3A_477 = arith.constant 7 : i32
      %swap3A_478 = arith.index_cast %swap3A_476 : i32 to index
      %swap3A_479 = arith.index_cast %swap3A_477 : i32 to index
      %swap3A_480 = arith.index_cast %multiple_of3A_363 : i32 to index
      %swap3A_481 = tpu.vector_load %arg7[%swap3A_478, %swap3A_479, %swap3A_480] {strides = array<i32>} : memref<3x16x2048xf32, #tpu.memory_space<vmem>>, vector<1x1x16xf32>,
      %swap3A_482 = vector.shape_cast %swap3A_481 : vector<1x1x16xf32> to vector<16xf32>
      %swap3A_483 = vector.shape_cast %get3A_475 : vector<16xf32> to vector<1x1x16xf32>
      tpu.vector_store %arg7[%swap3A_478, %swap3A_479, %swap3A_480], %swap3A_483 {add = true, strides = array<i32>} : memref<3x16x2048xf32, #tpu.memory_space<vmem>>, vector<1x1x16xf32>,
    }
    %scan3A_257 = arith.constant 128 : i32
    %add3A_258 = arith.constant 30 : i32
    %add3A_259 = arith.addi %mul3A_2, %add3A_258 : i32
    %mul3A_260 = arith.constant 8 : i32
    %mul3A_261 = arith.muli %add3A_259, %mul3A_260 : i32
    %multiple_of3A_262 = tpu.assume_multiple %mul3A_261, 8 : i32
    %dma_start3A_263 = arith.constant 0 : i32
    %dma_start3A_264 = arith.constant 0 : i32
    %dma_start3A_265 = arith.constant 0 : i32
    %dma_start3A_266 = tpu.memref_slice %arg7[%dma_start3A_263, %dma_start3A_264, %dma_start3A_265] : memref<3x16x2048xf32, #tpu.memory_space<vmem>> -> memref<1x8x2048xf32, #tpu.memory_space<vmem>>
    %dma_start3A_267 = tpu.memref_squeeze %dma_start3A_266 : memref<1x8x2048xf32, #tpu.memory_space<vmem>> -> memref<8x2048xf32, #tpu.memory_space<vmem>>
    %dma_start3A_268 = arith.constant 0 : i32
    %dma_start3A_269 = tpu.memref_slice %arg4[%multiple_of3A_262, %dma_start3A_268] : memref<8192x2048xf32, #tpu.memory_space<hbm>> -> memref<8x2048xf32, #tpu.memory_space<hbm>>
    %dma_start3A_270 = arith.constant 0 : i32
    %dma_start3A_271 = tpu.memref_slice %arg4[%multiple_of3A_262, %dma_start3A_270] : memref<8192x2048xf32, #tpu.memory_space<hbm>> -> memref<8x2048xf32, #tpu.memory_space<hbm>>
    %dma_start3A_272 = arith.constant 0 : i32
    %dma_start3A_273 = arith.constant 0 : i32
    %dma_start3A_274 = tpu.memref_slice %arg7[%dma_start3A_263, %dma_start3A_272, %dma_start3A_273] : memref<3x16x2048xf32, #tpu.memory_space<vmem>> -> memref<1x8x2048xf32, #tpu.memory_space<vmem>>
    %dma_start3A_275 = tpu.memref_squeeze %dma_start3A_274 : memref<1x8x2048xf32, #tpu.memory_space<vmem>> -> memref<8x2048xf32, #tpu.memory_space<vmem>>
    tpu.enqueue_dma source(%dma_start3A_275 : memref<8x2048xf32, #tpu.memory_space<vmem>>) target(%dma_start3A_271 : memref<8x2048xf32, #tpu.memory_space<hbm>>) target_semaphore(%arg11 : memref<!tpu.dma_semaphore, #tpu.memory_space<semaphore_mem>>)
    %dma_wait3A_276 = arith.constant 1 : i32
    %dma_wait3A_277 = arith.constant 0 : i32
    %dma_wait3A_278 = arith.constant 0 : i32
    %dma_wait3A_279 = tpu.memref_slice %arg7[%dma_wait3A_276, %dma_wait3A_277, %dma_wait3A_278] : memref<3x16x2048xf32, #tpu.memory_space<vmem>> -> memref<1x16x2048xf32, #tpu.memory_space<vmem>>
    %dma_wait3A_280 = tpu.memref_squeeze %dma_wait3A_279 : memref<1x16x2048xf32, #tpu.memory_space<vmem>> -> memref<16x2048xf32, #tpu.memory_space<vmem>>
    %dma_wait3A_281 = arith.constant 0 : i32
    %dma_wait3A_282 = arith.constant 0 : i32
    %dma_wait3A_283 = tpu.memref_slice %arg2[%dma_wait3A_281, %dma_wait3A_282] : memref<16384x2048xf32, #tpu.memory_space<hbm>> -> memref<16x2048xf32, #tpu.memory_space<hbm>>
    %dma_wait3A_284 = arith.constant 0 : i32
    %dma_wait3A_285 = arith.constant 0 : i32
    %dma_wait3A_286 = tpu.memref_slice %arg7[%dma_wait3A_276, %dma_wait3A_284, %dma_wait3A_285] : memref<3x16x2048xf32, #tpu.memory_space<vmem>> -> memref<1x16x2048xf32, #tpu.memory_space<vmem>>
    %dma_wait3A_287 = tpu.memref_squeeze %dma_wait3A_286 : memref<1x16x2048xf32, #tpu.memory_space<vmem>> -> memref<16x2048xf32, #tpu.memory_space<vmem>>
    %dma_wait3A_288 = arith.constant 0 : i32
    %dma_wait3A_289 = arith.constant 0 : i32
    %dma_wait3A_290 = tpu.memref_slice %arg2[%dma_wait3A_288, %dma_wait3A_289] : memref<16384x2048xf32, #tpu.memory_space<hbm>> -> memref<16x2048xf32, #tpu.memory_space<hbm>>
    tpu.wait_dma2 semaphore(%arg9 : memref<!tpu.dma_semaphore, #tpu.memory_space<semaphore_mem>>) src(%dma_wait3A_290 : memref<16x2048xf32, #tpu.memory_space<hbm>>) dst(%dma_wait3A_287 : memref<16x2048xf32, #tpu.memory_space<vmem>>)
    %scan3A_291 = arith.constant 0 : i32
    %scan3A_292 = arith.constant 0 : i32
    %scan3A_293 = arith.constant 128 : i32
    %scan3A_294 = arith.addi %scan3A_292, %scan3A_293 : i32
    %scan3A_295 = arith.constant 1 : i32
    scf.for %scan3A_360 = %scan3A_292 to %scan3A_294 step %scan3A_295  : i32 {
      %mul3A_361 = arith.constant 16 : i32
      %mul3A_362 = arith.muli %scan3A_360, %mul3A_361 : i32
      %multiple_of3A_363 = tpu.assume_multiple %mul3A_362, 16 : i32
      %get3A_364 = arith.constant 1 : i32
      %get3A_365 = arith.constant 8 : i32
      %get3A_366 = arith.index_cast %get3A_364 : i32 to index
      %get3A_367 = arith.index_cast %get3A_365 : i32 to index
      %get3A_368 = arith.index_cast %multiple_of3A_363 : i32 to index
      %get3A_369 = tpu.vector_load %arg7[%get3A_366, %get3A_367, %get3A_368] {strides = array<i32>} : memref<3x16x2048xf32, #tpu.memory_space<vmem>>, vector<1x1x16xf32>,
      %get3A_370 = vector.shape_cast %get3A_369 : vector<1x1x16xf32> to vector<16xf32>
      %swap3A_371 = arith.constant 1 : i32
      %swap3A_372 = arith.constant 0 : i32
      %swap3A_373 = arith.index_cast %swap3A_371 : i32 to index
      %swap3A_374 = arith.index_cast %swap3A_372 : i32 to index
      %swap3A_375 = arith.index_cast %multiple_of3A_363 : i32 to index
      %swap3A_376 = tpu.vector_load %arg7[%swap3A_373, %swap3A_374, %swap3A_375] {strides = array<i32>} : memref<3x16x2048xf32, #tpu.memory_space<vmem>>, vector<1x1x16xf32>,
      %swap3A_377 = vector.shape_cast %swap3A_376 : vector<1x1x16xf32> to vector<16xf32>
      %swap3A_378 = vector.shape_cast %get3A_370 : vector<16xf32> to vector<1x1x16xf32>
      tpu.vector_store %arg7[%swap3A_373, %swap3A_374, %swap3A_375], %swap3A_378 {add = true, strides = array<i32>} : memref<3x16x2048xf32, #tpu.memory_space<vmem>>, vector<1x1x16xf32>,
      %get3A_379 = arith.constant 1 : i32
      %get3A_380 = arith.constant 9 : i32
      %get3A_381 = arith.index_cast %get3A_379 : i32 to index
      %get3A_382 = arith.index_cast %get3A_380 : i32 to index
      %get3A_383 = arith.index_cast %multiple_of3A_363 : i32 to index
      %get3A_384 = tpu.vector_load %arg7[%get3A_381, %get3A_382, %get3A_383] {strides = array<i32>} : memref<3x16x2048xf32, #tpu.memory_space<vmem>>, vector<1x1x16xf32>,
      %get3A_385 = vector.shape_cast %get3A_384 : vector<1x1x16xf32> to vector<16xf32>
      %swap3A_386 = arith.constant 1 : i32
      %swap3A_387 = arith.constant 1 : i32
      %swap3A_388 = arith.index_cast %swap3A_386 : i32 to index
      %swap3A_389 = arith.index_cast %swap3A_387 : i32 to index
      %swap3A_390 = arith.index_cast %multiple_of3A_363 : i32 to index
      %swap3A_391 = tpu.vector_load %arg7[%swap3A_388, %swap3A_389, %swap3A_390] {strides = array<i32>} : memref<3x16x2048xf32, #tpu.memory_space<vmem>>, vector<1x1x16xf32>,
      %swap3A_392 = vector.shape_cast %swap3A_391 : vector<1x1x16xf32> to vector<16xf32>
      %swap3A_393 = vector.shape_cast %get3A_385 : vector<16xf32> to vector<1x1x16xf32>
      tpu.vector_store %arg7[%swap3A_388, %swap3A_389, %swap3A_390], %swap3A_393 {add = true, strides = array<i32>} : memref<3x16x2048xf32, #tpu.memory_space<vmem>>, vector<1x1x16xf32>,
      %get3A_394 = arith.constant 1 : i32
      %get3A_395 = arith.constant 10 : i32
      %get3A_396 = arith.index_cast %get3A_394 : i32 to index
      %get3A_397 = arith.index_cast %get3A_395 : i32 to index
      %get3A_398 = arith.index_cast %multiple_of3A_363 : i32 to index
      %get3A_399 = tpu.vector_load %arg7[%get3A_396, %get3A_397, %get3A_398] {strides = array<i32>} : memref<3x16x2048xf32, #tpu.memory_space<vmem>>, vector<1x1x16xf32>,
      %get3A_400 = vector.shape_cast %get3A_399 : vector<1x1x16xf32> to vector<16xf32>
      %swap3A_401 = arith.constant 1 : i32
      %swap3A_402 = arith.constant 2 : i32
      %swap3A_403 = arith.index_cast %swap3A_401 : i32 to index
      %swap3A_404 = arith.index_cast %swap3A_402 : i32 to index
      %swap3A_405 = arith.index_cast %multiple_of3A_363 : i32 to index
      %swap3A_406 = tpu.vector_load %arg7[%swap3A_403, %swap3A_404, %swap3A_405] {strides = array<i32>} : memref<3x16x2048xf32, #tpu.memory_space<vmem>>, vector<1x1x16xf32>,
      %swap3A_407 = vector.shape_cast %swap3A_406 : vector<1x1x16xf32> to vector<16xf32>
      %swap3A_408 = vector.shape_cast %get3A_400 : vector<16xf32> to vector<1x1x16xf32>
      tpu.vector_store %arg7[%swap3A_403, %swap3A_404, %swap3A_405], %swap3A_408 {add = true, strides = array<i32>} : memref<3x16x2048xf32, #tpu.memory_space<vmem>>, vector<1x1x16xf32>,
      %get3A_409 = arith.constant 1 : i32
      %get3A_410 = arith.constant 11 : i32
      %get3A_411 = arith.index_cast %get3A_409 : i32 to index
      %get3A_412 = arith.index_cast %get3A_410 : i32 to index
      %get3A_413 = arith.index_cast %multiple_of3A_363 : i32 to index
      %get3A_414 = tpu.vector_load %arg7[%get3A_411, %get3A_412, %get3A_413] {strides = array<i32>} : memref<3x16x2048xf32, #tpu.memory_space<vmem>>, vector<1x1x16xf32>,
      %get3A_415 = vector.shape_cast %get3A_414 : vector<1x1x16xf32> to vector<16xf32>
      %swap3A_416 = arith.constant 1 : i32
      %swap3A_417 = arith.constant 3 : i32
      %swap3A_418 = arith.index_cast %swap3A_416 : i32 to index
      %swap3A_419 = arith.index_cast %swap3A_417 : i32 to index
      %swap3A_420 = arith.index_cast %multiple_of3A_363 : i32 to index
      %swap3A_421 = tpu.vector_load %arg7[%swap3A_418, %swap3A_419, %swap3A_420] {strides = array<i32>} : memref<3x16x2048xf32, #tpu.memory_space<vmem>>, vector<1x1x16xf32>,
      %swap3A_422 = vector.shape_cast %swap3A_421 : vector<1x1x16xf32> to vector<16xf32>
      %swap3A_423 = vector.shape_cast %get3A_415 : vector<16xf32> to vector<1x1x16xf32>
      tpu.vector_store %arg7[%swap3A_418, %swap3A_419, %swap3A_420], %swap3A_423 {add = true, strides = array<i32>} : memref<3x16x2048xf32, #tpu.memory_space<vmem>>, vector<1x1x16xf32>,
      %get3A_424 = arith.constant 1 : i32
      %get3A_425 = arith.constant 12 : i32
      %get3A_426 = arith.index_cast %get3A_424 : i32 to index
      %get3A_427 = arith.index_cast %get3A_425 : i32 to index
      %get3A_428 = arith.index_cast %multiple_of3A_363 : i32 to index
      %get3A_429 = tpu.vector_load %arg7[%get3A_426, %get3A_427, %get3A_428] {strides = array<i32>} : memref<3x16x2048xf32, #tpu.memory_space<vmem>>, vector<1x1x16xf32>,
      %get3A_430 = vector.shape_cast %get3A_429 : vector<1x1x16xf32> to vector<16xf32>
      %swap3A_431 = arith.constant 1 : i32
      %swap3A_432 = arith.constant 4 : i32
      %swap3A_433 = arith.index_cast %swap3A_431 : i32 to index
      %swap3A_434 = arith.index_cast %swap3A_432 : i32 to index
      %swap3A_435 = arith.index_cast %multiple_of3A_363 : i32 to index
      %swap3A_436 = tpu.vector_load %arg7[%swap3A_433, %swap3A_434, %swap3A_435] {strides = array<i32>} : memref<3x16x2048xf32, #tpu.memory_space<vmem>>, vector<1x1x16xf32>,
      %swap3A_437 = vector.shape_cast %swap3A_436 : vector<1x1x16xf32> to vector<16xf32>
      %swap3A_438 = vector.shape_cast %get3A_430 : vector<16xf32> to vector<1x1x16xf32>
      tpu.vector_store %arg7[%swap3A_433, %swap3A_434, %swap3A_435], %swap3A_438 {add = true, strides = array<i32>} : memref<3x16x2048xf32, #tpu.memory_space<vmem>>, vector<1x1x16xf32>,
      %get3A_439 = arith.constant 1 : i32
      %get3A_440 = arith.constant 13 : i32
      %get3A_441 = arith.index_cast %get3A_439 : i32 to index
      %get3A_442 = arith.index_cast %get3A_440 : i32 to index
      %get3A_443 = arith.index_cast %multiple_of3A_363 : i32 to index
      %get3A_444 = tpu.vector_load %arg7[%get3A_441, %get3A_442, %get3A_443] {strides = array<i32>} : memref<3x16x2048xf32, #tpu.memory_space<vmem>>, vector<1x1x16xf32>,
      %get3A_445 = vector.shape_cast %get3A_444 : vector<1x1x16xf32> to vector<16xf32>
      %swap3A_446 = arith.constant 1 : i32
      %swap3A_447 = arith.constant 5 : i32
      %swap3A_448 = arith.index_cast %swap3A_446 : i32 to index
      %swap3A_449 = arith.index_cast %swap3A_447 : i32 to index
      %swap3A_450 = arith.index_cast %multiple_of3A_363 : i32 to index
      %swap3A_451 = tpu.vector_load %arg7[%swap3A_448, %swap3A_449, %swap3A_450] {strides = array<i32>} : memref<3x16x2048xf32, #tpu.memory_space<vmem>>, vector<1x1x16xf32>,
      %swap3A_452 = vector.shape_cast %swap3A_451 : vector<1x1x16xf32> to vector<16xf32>
      %swap3A_453 = vector.shape_cast %get3A_445 : vector<16xf32> to vector<1x1x16xf32>
      tpu.vector_store %arg7[%swap3A_448, %swap3A_449, %swap3A_450], %swap3A_453 {add = true, strides = array<i32>} : memref<3x16x2048xf32, #tpu.memory_space<vmem>>, vector<1x1x16xf32>,
      %get3A_454 = arith.constant 1 : i32
      %get3A_455 = arith.constant 14 : i32
      %get3A_456 = arith.index_cast %get3A_454 : i32 to index
      %get3A_457 = arith.index_cast %get3A_455 : i32 to index
      %get3A_458 = arith.index_cast %multiple_of3A_363 : i32 to index
      %get3A_459 = tpu.vector_load %arg7[%get3A_456, %get3A_457, %get3A_458] {strides = array<i32>} : memref<3x16x2048xf32, #tpu.memory_space<vmem>>, vector<1x1x16xf32>,
      %get3A_460 = vector.shape_cast %get3A_459 : vector<1x1x16xf32> to vector<16xf32>
      %swap3A_461 = arith.constant 1 : i32
      %swap3A_462 = arith.constant 6 : i32
      %swap3A_463 = arith.index_cast %swap3A_461 : i32 to index
      %swap3A_464 = arith.index_cast %swap3A_462 : i32 to index
      %swap3A_465 = arith.index_cast %multiple_of3A_363 : i32 to index
      %swap3A_466 = tpu.vector_load %arg7[%swap3A_463, %swap3A_464, %swap3A_465] {strides = array<i32>} : memref<3x16x2048xf32, #tpu.memory_space<vmem>>, vector<1x1x16xf32>,
      %swap3A_467 = vector.shape_cast %swap3A_466 : vector<1x1x16xf32> to vector<16xf32>
      %swap3A_468 = vector.shape_cast %get3A_460 : vector<16xf32> to vector<1x1x16xf32>
      tpu.vector_store %arg7[%swap3A_463, %swap3A_464, %swap3A_465], %swap3A_468 {add = true, strides = array<i32>} : memref<3x16x2048xf32, #tpu.memory_space<vmem>>, vector<1x1x16xf32>,
      %get3A_469 = arith.constant 1 : i32
      %get3A_470 = arith.constant 15 : i32
      %get3A_471 = arith.index_cast %get3A_469 : i32 to index
      %get3A_472 = arith.index_cast %get3A_470 : i32 to index
      %get3A_473 = arith.index_cast %multiple_of3A_363 : i32 to index
      %get3A_474 = tpu.vector_load %arg7[%get3A_471, %get3A_472, %get3A_473] {strides = array<i32>} : memref<3x16x2048xf32, #tpu.memory_space<vmem>>, vector<1x1x16xf32>,
      %get3A_475 = vector.shape_cast %get3A_474 : vector<1x1x16xf32> to vector<16xf32>
      %swap3A_476 = arith.constant 1 : i32
      %swap3A_477 = arith.constant 7 : i32
      %swap3A_478 = arith.index_cast %swap3A_476 : i32 to index
      %swap3A_479 = arith.index_cast %swap3A_477 : i32 to index
      %swap3A_480 = arith.index_cast %multiple_of3A_363 : i32 to index
      %swap3A_481 = tpu.vector_load %arg7[%swap3A_478, %swap3A_479, %swap3A_480] {strides = array<i32>} : memref<3x16x2048xf32, #tpu.memory_space<vmem>>, vector<1x1x16xf32>,
      %swap3A_482 = vector.shape_cast %swap3A_481 : vector<1x1x16xf32> to vector<16xf32>
      %swap3A_483 = vector.shape_cast %get3A_475 : vector<16xf32> to vector<1x1x16xf32>
      tpu.vector_store %arg7[%swap3A_478, %swap3A_479, %swap3A_480], %swap3A_483 {add = true, strides = array<i32>} : memref<3x16x2048xf32, #tpu.memory_space<vmem>>, vector<1x1x16xf32>,
    }
    %scan3A_296 = arith.constant 128 : i32
    %add3A_297 = arith.constant 31 : i32
    %add3A_298 = arith.addi %mul3A_2, %add3A_297 : i32
    %mul3A_299 = arith.constant 8 : i32
    %mul3A_300 = arith.muli %add3A_298, %mul3A_299 : i32
    %multiple_of3A_301 = tpu.assume_multiple %mul3A_300, 8 : i32
    %dma_start3A_302 = arith.constant 1 : i32
    %dma_start3A_303 = arith.constant 0 : i32
    %dma_start3A_304 = arith.constant 0 : i32
    %dma_start3A_305 = tpu.memref_slice %arg7[%dma_start3A_302, %dma_start3A_303, %dma_start3A_304] : memref<3x16x2048xf32, #tpu.memory_space<vmem>> -> memref<1x8x2048xf32, #tpu.memory_space<vmem>>
    %dma_start3A_306 = tpu.memref_squeeze %dma_start3A_305 : memref<1x8x2048xf32, #tpu.memory_space<vmem>> -> memref<8x2048xf32, #tpu.memory_space<vmem>>
    %dma_start3A_307 = arith.constant 0 : i32
    %dma_start3A_308 = tpu.memref_slice %arg4[%multiple_of3A_301, %dma_start3A_307] : memref<8192x2048xf32, #tpu.memory_space<hbm>> -> memref<8x2048xf32, #tpu.memory_space<hbm>>
    %dma_start3A_309 = arith.constant 0 : i32
    %dma_start3A_310 = tpu.memref_slice %arg4[%multiple_of3A_301, %dma_start3A_309] : memref<8192x2048xf32, #tpu.memory_space<hbm>> -> memref<8x2048xf32, #tpu.memory_space<hbm>>
    %dma_start3A_311 = arith.constant 0 : i32
    %dma_start3A_312 = arith.constant 0 : i32
    %dma_start3A_313 = tpu.memref_slice %arg7[%dma_start3A_302, %dma_start3A_311, %dma_start3A_312] : memref<3x16x2048xf32, #tpu.memory_space<vmem>> -> memref<1x8x2048xf32, #tpu.memory_space<vmem>>
    %dma_start3A_314 = tpu.memref_squeeze %dma_start3A_313 : memref<1x8x2048xf32, #tpu.memory_space<vmem>> -> memref<8x2048xf32, #tpu.memory_space<vmem>>
    tpu.enqueue_dma source(%dma_start3A_314 : memref<8x2048xf32, #tpu.memory_space<vmem>>) target(%dma_start3A_310 : memref<8x2048xf32, #tpu.memory_space<hbm>>) target_semaphore(%arg12 : memref<!tpu.dma_semaphore, #tpu.memory_space<semaphore_mem>>)
    %dma_wait3A_315 = arith.constant 0 : i32
    %dma_wait3A_316 = arith.constant 0 : i32
    %dma_wait3A_317 = arith.constant 0 : i32
    %dma_wait3A_318 = tpu.memref_slice %arg7[%dma_wait3A_315, %dma_wait3A_316, %dma_wait3A_317] : memref<3x16x2048xf32, #tpu.memory_space<vmem>> -> memref<1x8x2048xf32, #tpu.memory_space<vmem>>
    %dma_wait3A_319 = tpu.memref_squeeze %dma_wait3A_318 : memref<1x8x2048xf32, #tpu.memory_space<vmem>> -> memref<8x2048xf32, #tpu.memory_space<vmem>>
    %dma_wait3A_320 = arith.constant 0 : i32
    %dma_wait3A_321 = arith.constant 0 : i32
    %dma_wait3A_322 = tpu.memref_slice %arg2[%dma_wait3A_320, %dma_wait3A_321] : memref<16384x2048xf32, #tpu.memory_space<hbm>> -> memref<8x2048xf32, #tpu.memory_space<hbm>>
    %dma_wait3A_323 = arith.constant 0 : i32
    %dma_wait3A_324 = arith.constant 0 : i32
    %dma_wait3A_325 = tpu.memref_slice %arg7[%dma_wait3A_315, %dma_wait3A_323, %dma_wait3A_324] : memref<3x16x2048xf32, #tpu.memory_space<vmem>> -> memref<1x8x2048xf32, #tpu.memory_space<vmem>>
    %dma_wait3A_326 = tpu.memref_squeeze %dma_wait3A_325 : memref<1x8x2048xf32, #tpu.memory_space<vmem>> -> memref<8x2048xf32, #tpu.memory_space<vmem>>
    %dma_wait3A_327 = arith.constant 0 : i32
    %dma_wait3A_328 = arith.constant 0 : i32
    %dma_wait3A_329 = tpu.memref_slice %arg2[%dma_wait3A_327, %dma_wait3A_328] : memref<16384x2048xf32, #tpu.memory_space<hbm>> -> memref<8x2048xf32, #tpu.memory_space<hbm>>
    tpu.wait_dma2 semaphore(%arg11 : memref<!tpu.dma_semaphore, #tpu.memory_space<semaphore_mem>>) src(%dma_wait3A_329 : memref<8x2048xf32, #tpu.memory_space<hbm>>) dst(%dma_wait3A_326 : memref<8x2048xf32, #tpu.memory_space<vmem>>)
    %dma_wait3A_330 = arith.constant 1 : i32
    %dma_wait3A_331 = arith.constant 0 : i32
    %dma_wait3A_332 = arith.constant 0 : i32
    %dma_wait3A_333 = tpu.memref_slice %arg7[%dma_wait3A_330, %dma_wait3A_331, %dma_wait3A_332] : memref<3x16x2048xf32, #tpu.memory_space<vmem>> -> memref<1x8x2048xf32, #tpu.memory_space<vmem>>
    %dma_wait3A_334 = tpu.memref_squeeze %dma_wait3A_333 : memref<1x8x2048xf32, #tpu.memory_space<vmem>> -> memref<8x2048xf32, #tpu.memory_space<vmem>>
    %dma_wait3A_335 = arith.constant 0 : i32
    %dma_wait3A_336 = arith.constant 0 : i32
    %dma_wait3A_337 = tpu.memref_slice %arg2[%dma_wait3A_335, %dma_wait3A_336] : memref<16384x2048xf32, #tpu.memory_space<hbm>> -> memref<8x2048xf32, #tpu.memory_space<hbm>>
    %dma_wait3A_338 = arith.constant 0 : i32
    %dma_wait3A_339 = arith.constant 0 : i32
    %dma_wait3A_340 = tpu.memref_slice %arg7[%dma_wait3A_330, %dma_wait3A_338, %dma_wait3A_339] : memref<3x16x2048xf32, #tpu.memory_space<vmem>> -> memref<1x8x2048xf32, #tpu.memory_space<vmem>>
    %dma_wait3A_341 = tpu.memref_squeeze %dma_wait3A_340 : memref<1x8x2048xf32, #tpu.memory_space<vmem>> -> memref<8x2048xf32, #tpu.memory_space<vmem>>
    %dma_wait3A_342 = arith.constant 0 : i32
    %dma_wait3A_343 = arith.constant 0 : i32
    %dma_wait3A_344 = tpu.memref_slice %arg2[%dma_wait3A_342, %dma_wait3A_343] : memref<16384x2048xf32, #tpu.memory_space<hbm>> -> memref<8x2048xf32, #tpu.memory_space<hbm>>
    tpu.wait_dma2 semaphore(%arg12 : memref<!tpu.dma_semaphore, #tpu.memory_space<semaphore_mem>>) src(%dma_wait3A_344 : memref<8x2048xf32, #tpu.memory_space<hbm>>) dst(%dma_wait3A_341 : memref<8x2048xf32, #tpu.memory_space<vmem>>)
    %dma_wait3A_345 = arith.constant 2 : i32
    %dma_wait3A_346 = arith.constant 0 : i32
    %dma_wait3A_347 = arith.constant 0 : i32
    %dma_wait3A_348 = tpu.memref_slice %arg7[%dma_wait3A_345, %dma_wait3A_346, %dma_wait3A_347] : memref<3x16x2048xf32, #tpu.memory_space<vmem>> -> memref<1x8x2048xf32, #tpu.memory_space<vmem>>
    %dma_wait3A_349 = tpu.memref_squeeze %dma_wait3A_348 : memref<1x8x2048xf32, #tpu.memory_space<vmem>> -> memref<8x2048xf32, #tpu.memory_space<vmem>>
    %dma_wait3A_350 = arith.constant 0 : i32
    %dma_wait3A_351 = arith.constant 0 : i32
    %dma_wait3A_352 = tpu.memref_slice %arg2[%dma_wait3A_350, %dma_wait3A_351] : memref<16384x2048xf32, #tpu.memory_space<hbm>> -> memref<8x2048xf32, #tpu.memory_space<hbm>>
    %dma_wait3A_353 = arith.constant 0 : i32
    %dma_wait3A_354 = arith.constant 0 : i32
    %dma_wait3A_355 = tpu.memref_slice %arg7[%dma_wait3A_345, %dma_wait3A_353, %dma_wait3A_354] : memref<3x16x2048xf32, #tpu.memory_space<vmem>> -> memref<1x8x2048xf32, #tpu.memory_space<vmem>>
    %dma_wait3A_356 = tpu.memref_squeeze %dma_wait3A_355 : memref<1x8x2048xf32, #tpu.memory_space<vmem>> -> memref<8x2048xf32, #tpu.memory_space<vmem>>
    %dma_wait3A_357 = arith.constant 0 : i32
    %dma_wait3A_358 = arith.constant 0 : i32
    %dma_wait3A_359 = tpu.memref_slice %arg2[%dma_wait3A_357, %dma_wait3A_358] : memref<16384x2048xf32, #tpu.memory_space<hbm>> -> memref<8x2048xf32, #tpu.memory_space<hbm>>
    tpu.wait_dma2 semaphore(%arg13 : memref<!tpu.dma_semaphore, #tpu.memory_space<semaphore_mem>>) src(%dma_wait3A_359 : memref<8x2048xf32, #tpu.memory_space<hbm>>) dst(%dma_wait3A_356 : memref<8x2048xf32, #tpu.memory_space<vmem>>)
    return
  }
}

</mosaic_0001>

<sc_bundles>
// kernel: kernel.3.cloned.1.call-start
scs
__scs_entry_jumppad:
0x0: {  	(pc) =	sbr.rel $0x88, $3  }
0x1: {  	(tag) =	ssettag $0x0;
	lr =	simm.s32 $0x1  }
0x2: {  	[smem:$0x3F9F] =	sst lr;
	_ =	strace $0xD0000000  }
0x3: {  	_ = 	snop  }
0x4: {  	_ = 	snop  }
0x5: {  	_ = 	snop  }
0x6: {  	_ = 	snop  }
0x7: {  	_ = 	snop  }
__scs_overlays_trampoline_lowered:
0x8: {  	[smem:$0x3FAE] =	sst s0  }
0x9: {  	[smem:$0x3FAF] =	sst s1  }
0xa: {  	[smem:$0x3FB0] =	sst s2  }
0xb: {  	[smem:$0x3FB1] =	sst s3  }
0xc: {  	[smem:$0x3FB2] =	sst s4  }
0xd: {  	[smem:$0x3FB3] =	sst s5  }
0xe: {  	[smem:$0x3FB4] =	sst s6  }
0xf: {  	[smem:$0x3FB5] =	sst s7  }
0x10: {  	[smem:$0x3FB6] =	sst s8  }
0x11: {  	[smem:$0x3FB7] =	sst s9;
	s0 =	simm.s32 @!p0 $0x0  }
0x12: {  	s1 =	sld [smem:$0x3F9D];
	s0 =	simm.s32 @p0 $0x1  }
0x13: {  	[smem:$0x3FB8] =	sst s0;
	s0 =	simm.s32 @!p1 $0x0  }
0x14: {  	s2 =	sld [smem:$0x3F9C];
	s0 =	simm.s32 @p1 $0x1  }
0x15: {  	[smem:$0x3FB9] =	sst s0;
	s0 =	simm.s32 @!p2 $0x0  }
0x16: {  	s3 =	sld [smem:$0x3FDB];
	s0 =	simm.s32 @p2 $0x1  }
0x17: {  	s4 =	simm.s32 $0x1BF5;
	[smem:$0x3FBB] =	sst s0  }
0x18: {  	s0 =	sld [smem:$0x3F9E];
	_ =	swait.ge [sflag:s4], $0x0  }
0x19: {  	s7 =	sld [smem:$0x3F9F]  }
0x1a: {  	s8 =	sadd.s32 $0xFFFFE003, lr  }
0x1b: {  	s9 =	sadd.s32 $0xFFFFFEF7, lr;
	s5 =	simm.s32 $0xFFFFFFFF;
	p2 =	slt.u32 s8, $0xFFFFF086  }
0x1c: {  	p1 =	slt.u32 s9, $0xF7A;
	s5 =	simm.s32 @!p2 $0x0  }
0x1d: {  	s5 =	simm.s32 @p1 $0x1;
	p0 =	seq.s32 s7, s2  }
0x1e: {  	s7 =	smul.u32 @!p0 $0xF7A, s2;
	p2 =	seq.s32 @!p0 s5, $0x0  }
0x1f: {  	s9 =	smul.u32 $0xF7A, s1;
	s8 =	simm.s32 @!p0 $0x1BF5;
	p2 =	por !p2, p0  }
0x20: {  	[sflag:s8] =	ssyncset.s32 @!p0 $0xFFFFF086;
	s6 =	sadd.s32 @!p0 s3, s7;
	s7 =	simm.s32 @!p0 $0x108  }
0x21: {  	s3 =	sadd.s32 s3, s9;
	s6 =	sadd.s32 @!p0 $0x88, s6;
	s7 =	simm.s32 @p2 $0x1082  }
0x22: {  	[simem:s7], [sflag:s8] =	dma.local @!p0 [hbm:s6], $0xF7A  }
0x23: {  	s9 =	sor.u32 $0xD0000000, s2;
	s6 =	simm.s32 $0x108;
	_ =	swait.ge @!p0 [sflag:s8], $0x0  }
0x24: {  	s3 =	sadd.s32 $0x88, s3;
	s6 =	simm.s32 @!p1 $0x1082;
	[sflag:s4] =	ssyncset.s32 $0xFFFFF086  }
0x25: {  	[simem:s6], [sflag:s4] =	dma.local [hbm:s3], $0xF7A  }
0x26: {  	[smem:$0x3F9F] =	sst s1;
	(tag) =	ssettag s2;
	_ =	strace s9  }
0x27: {  	s1 =	sld [smem:$0x3FAF]  }
0x28: {  	s2 =	sld [smem:$0x3FB0]  }
0x29: {  	s4 =	sld [smem:$0x3FB2]  }
0x2a: {  	p0 =	seq.s32 s5, $0x0;
	s5 =	sld [smem:$0x3FB3]  }
0x2b: {  	s6 =	sld [smem:$0x3FB4]  }
0x2c: {  	s7 =	sld [smem:$0x3FB5]  }
0x2d: {  	s3 =	simm.s32 $0x108;
	s8 =	sld [smem:$0x3FB6]  }
0x2e: {  	s3 =	simm.s32 @!p0 $0x1082;
	s9 =	sld [smem:$0x3FB7]  }
0x2f: {  	lr =	sadd.s32 s0, s3;
	s0 =	sld [smem:$0x3FAE]  }
0x30: {  	s3 =	sld [smem:$0x3FB1]  }
0x31: {  	[smem:$0x3FBA] =	sst s10  }
0x32: {  	s10 =	sld [smem:$0x3FB8];
	_ =	sdelay $0x3  }
0x33: {  	p0 =	seq.s32 s10, $0x1;
	s10 =	sld [smem:$0x3FBA];
	_ =	sdelay $0x3  }
0x34: {  	[smem:$0x3FBA] =	sst s10  }
0x35: {  	s10 =	sld [smem:$0x3FB9];
	_ =	sdelay $0x3  }
0x36: {  	p1 =	seq.s32 s10, $0x1;
	s10 =	sld [smem:$0x3FBA];
	_ =	sdelay $0x3  }
0x37: {  	[smem:$0x3FBA] =	sst s10  }
0x38: {  	s10 =	sld [smem:$0x3FBB]  }
0x39: {  	_ = 	snop;
	(pc) =	sbr.ind lr, $3  }
0x3a: {  	_ = 	snop  }
0x3b: {  	_ = 	snop  }
0x3c: {  	p2 =	seq.s32 s10, $0x1;
	s10 =	sld [smem:$0x3FBA]  }
0x3d: {  	_ =	shalt  }
0x3e: {  	_ =	shalt  }
0x3f: {  	_ =	shalt  }
0x40: {  	_ =	shalt  }
0x41: {  	_ =	shalt  }
0x42: {  	_ =	shalt  }
0x43: {  	_ =	shalt  }
0x44: {  	_ =	shalt  }
0x45: {  	_ =	shalt  }
0x46: {  	_ =	shalt  }
0x47: {  	_ =	shalt  }
0x48: {  	_ =	shalt  }
0x49: {  	_ =	shalt  }
0x4a: {  	_ =	shalt  }
0x4b: {  	_ =	shalt  }
0x4c: {  	_ =	shalt  }
0x4d: {  	_ =	shalt  }
0x4e: {  	_ =	shalt  }
0x4f: {  	_ =	shalt  }
0x50: {  	_ =	shalt  }
0x51: {  	_ =	shalt  }
0x52: {  	_ =	shalt  }
0x53: {  	_ =	shalt  }
0x54: {  	_ =	shalt  }
0x55: {  	_ =	shalt  }
0x56: {  	_ =	shalt  }
0x57: {  	_ =	shalt  }
0x58: {  	_ =	shalt  }
0x59: {  	_ =	shalt  }
0x5a: {  	_ =	shalt  }
0x5b: {  	_ =	shalt  }
0x5c: {  	_ =	shalt  }
0x5d: {  	_ =	shalt  }
0x5e: {  	_ =	shalt  }
0x5f: {  	_ =	shalt  }
0x60: {  	_ =	shalt  }
0x61: {  	_ =	shalt  }
0x62: {  	_ =	shalt  }
0x63: {  	_ =	shalt  }
0x64: {  	_ =	shalt  }
0x65: {  	_ =	shalt  }
0x66: {  	_ =	shalt  }
0x67: {  	_ =	shalt  }
0x68: {  	_ =	shalt  }
0x69: {  	_ =	shalt  }
0x6a: {  	_ =	shalt  }
0x6b: {  	_ =	shalt  }
0x6c: {  	_ =	shalt  }
0x6d: {  	_ =	shalt  }
0x6e: {  	_ =	shalt  }
0x6f: {  	_ =	shalt  }
0x70: {  	_ =	shalt  }
0x71: {  	_ =	shalt  }
0x72: {  	_ =	shalt  }
0x73: {  	_ =	shalt  }
0x74: {  	_ =	shalt  }
0x75: {  	_ =	shalt  }
0x76: {  	_ =	shalt  }
0x77: {  	_ =	shalt  }
0x78: {  	_ =	shalt  }
0x79: {  	_ =	shalt  }
0x7a: {  	_ =	shalt  }
0x7b: {  	_ =	shalt  }
0x7c: {  	_ =	shalt  }
0x7d: {  	_ =	shalt  }
0x7e: {  	_ =	shalt  }
0x7f: {  	_ =	shalt  }
0x80: {  	_ =	shalt  }
0x81: {  	_ =	shalt  }
0x82: {  	_ =	shalt  }
0x83: {  	_ =	shalt  }
0x84: {  	_ =	shalt  }
0x85: {  	_ =	shalt  }
0x86: {  	_ =	shalt  }
0x87: {  	_ =	shalt  }
.Lfunc_end0:
.L_simem_size_0:
called_computation_lowered:
.L_overlay_start_0:
0x88: {  	s2 =	sld [smem:$0x3FD9]  }
0x89: {  	s3 =	sld [smem:$0x3FFE];
	_ =	sdelay $0x1  }
0x8a: {  	s1 =	srdreg.scid  }
0x8b: {  	s0 =	sand.u32 $0x1, s1  }
0x8c: {  	s18 =	sshll.u32 s0, $0xA;
	s2 =	sadd.s32 s3, s2  }
0x8d: {  	s2 =	sadd.s32 s2, s18  }
0x8e: {  	[smem:$0x3FC6] =	sst s2  }
0x8f: {  	_ = 	snop  }
0x90: {  	s2 =	sld [smem:$0x3FC9]  }
0x91: {  	s19 =	sld [smem:$0x3FC8]  }
0x92: {  	s4 =	sld [smem:$0x3FD0];
	(tm) =	ssettm $0x1  }
0x93: {  	s5 =	sld [smem:$0x3FFB];
	_ =	sdelay $0x3  }
0x94: {  	_ =	strace s5  }
0x95: {  	s5 =	sld [smem:$0x3FFC];
	_ =	sdelay $0x3  }
0x96: {  	_ =	strace s5  }
0x97: {  	s5 =	sld [smem:$0x3FFD];
	_ =	sdelay $0x3  }
0x98: {  	_ =	strace s5  }
0x99: {  	_ =	strace $0x8FFFFFFF  }
0x9a: {  	s20 =	sld [smem:$0x3FDB];
	_ =	sdelay $0x1  }
0x9b: {  	s6 =	simm.s32 $_scs_section_size  }
0x9c: {  	s7 =	simm.s32 $_size__tile_overlayer_lowered;
	s8 =	simm.s32 $_tile_overlayer_lowered  }
0x9d: {  	s23 =	simm.s32 $0x1BFF;
	s22 =	sshll.u32 s8, $0x1;
	s5 =	sadd.s32 s6, s20  }
0x9e: {  	s9 =	simm.s32 $0x0;
	s21 =	sshll.u32 s7, $0x1;
	s7 =	sadd.s32 s22, s5  }
0x9f: {  	[timem:s9], [sflag:s23] =	dma.local [hbm:s7], s21  }
0xa0: {  	_ =	swait.ge [sflag:s23], s21  }
0xa1: {  	s6 =	ssub.s32 $0x0, s21;
	[sflag:s23] =	ssyncset.done $0x0  }
0xa2: {  	[sflag:s23] =	ssyncadd.s32 s6;
	_ =	sdelay $0x1  }
0xa3: {  	s24 =	simm.s32 $0x1B8B  }
0xa4: {  	_ =	swait.ge [sflag:s24], $0x1  }
0xa5: {  	[sflag:s24] =	ssyncset.done $0x0  }
0xa6: {  	s25 =	simm.s32 $0x1B8E;
	[sflag:s24] =	ssyncadd.s32 $0xFFFFFFFF  }
0xa7: {  	s26 =	simm.s32 $execute0_lowered;
	[smem:$0x3FD2] =	sst s25  }
0xa8: {  	s6 =	sshll.u32 s26, $0x1;
	_ =	strace $0x80000046;
	[dreg:$0x1] =	wrdreg $0xFFFFFFFF  }
0xa9: {  	s28 =	simm.s32 $_size_execute0_lowered;
	s5 =	sadd.s32 s5, s6;
	[dreg:$0x0] =	wrdreg $0x0  }
0xaa: {  	s6 =	sshll.u32 s28, $0x1;
	[dreg:$0x2] =	wrdreg s5  }
0xab: {  	[dreg:$0x3] =	wrdreg s6  }
0xac: {  	[dreg:$0x4] =	wrdreg $0xC0  }
0xad: {  	_ =	task [dreg:s9], $0x5FFFF  }
0xae: {  	[dreg:$0x1] =	wrdreg $0xFFFFFFFF  }
0xaf: {  	[dreg:$0x0] =	wrdreg $0x60  }
0xb0: {  	[dreg:$0x2] =	wrdreg s2  }
0xb1: {  	[dreg:$0x3] =	wrdreg s19  }
0xb2: {  	[dreg:$0x4] =	wrdreg s4  }
0xb3: {  	[dreg:$0x5] =	wrdreg $0x9  }
0xb4: {  	_ =	task.clear_ibuf [dreg:s9], $0x6FFFF;
	_ =	strace $0x90000046  }
0xb5: {  	s29 =	simm.s32 $0x9;
	_ =	strace $0x80000048  }
0xb6: {  	_ =	swait.ge [sflag:s29], $0x1  }
0xb7: {  	[sflag:s29] =	ssyncadd.s32 $0xFFFFFFFF  }
0xb8: {  	_ =	strace $0x90000048  }
0xb9: {  	_ =	sfence  }
0xba: {  	s30 =	sld [smem:$0x0];
	_ =	sdelay $0x2  }
0xbb: {  	s31 =	sshll.u32 s1, $0xD;
	s1 =	sshrl.u32 s1, $0x2  }
0xbc: {  	s3 =	sand.u32 $0x4000, s31;
	s1 =	sadd.s32 s1, s30  }
0xbd: {  	s0 =	sor.u32 s3, s0;
	s1 =	sshll.u32 s1, $0x11  }
0xbe: {  	s0 =	sor.u32 s1, s0  }
0xbf: {  	s0 =	sadd.s32 $0x8F2B, s0  }
0xc0: {  	[sflag:s0] =	ssyncadd.remote.s32 $0x1  }
0xc1: {  	_ =	sfence.sel $0xFFFF  }
0xc2: {  	[dreg:$0x0] =	wrdreg $0xFFFFFFFF;
	(pc) =	sbr.abs _section_cstart, $3  }
0xc3: {  	[dreg:$0x1] =	wrdreg $0xFFFFFFFF  }
0xc4: {  	_ =	task.clear_ibuf [dreg:s9], $0x2FFFF;
	_ =	strace $0x9FFFFFFF  }
0xc5: {  	(tm) =	ssettm $0x7FFFFFFF  }
tec
execute0_lowered:
.L_overlay_start_1:
0x0: {  	(tag) =	ssettag $0x1  }
0x1: {  	s1 =	rddreg [dreg:$0x0]  }
0x2: {  	s0 =	rddreg [dreg:$0x1]  }
0x3: {  	s3 =	rddreg [dreg:$0x2]  }
0x4: {  	s2 =	srdreg.scid;
	s4 =	stileid.u32;
	s15 =	simm.s32 $0x0  }
0x5: {  	s14 =	simm.s32 $0x8400;
	s29 =	simm.s32 $0x4;
	s30 =	simm.s32 $0x3  }
0x6: {  	s31 =	simm.s32 $0x6;
	s2 =	sand.u32 $0x1, s2;
	s5 =	sshll.u32 s4, $0x1  }
0x7: {  	[smem:$0x7FF] =	sst s15;
	s8 =	sadd.s32 $0x200, s1;
	s9 =	sadd.s32 $0x300, s1  }
0x8: {  	s10 =	sadd.s32 $0x400, s1;
	s6 =	ssub.s32 $0x2, s2;
	s2 =	sor.u32 s2, s5  }
0x9: {  	s11 =	sadd.s32 $0x500, s1;
	s7 =	sshll.u32 s2, $0x6;
	s20 =	sshll.u32 s2, $0x5  }
0xa: {  	_ =	strace $0x80000047;
	s0 =	sadd.s32 s0, s7;
	[dreg:$0x4] =	wrdreg s20  }
0xb: {  	s19 =	sshrl.u32 s6, $0x1;
	s23 =	sor.u32 $0x2, s20;
	[dreg:$0x5] =	wrdreg s0  }
0xc: {  	s21 =	sshll.u32 s2, $0x10;
	s24 =	sor.u32 $0x3, s20;
	[dreg:$0x8] =	wrdreg s23  }
0xd: {  	v0 =	vimm.s32 $0xFDB97531;
	v1 =	vimm.s32 $0xECA86420;
	s5 =	ssub.s32 s6, s19;
	s0 =	sadd.s32 s3, s21;
	[dreg:$0x9] =	wrdreg s24  }
0xe: {  	s12 =	sadd.s32 $0x600, s1;
	v0 =	vunpack.c.l.s4.s8 v0;
	v1 =	vunpack.c.l.s4.s8 v1;
	s28 =	smax.u32 s5, $0x1;
	[dreg:$0x6] =	wrdreg s0  }
0xf: {  	s13 =	sadd.s32 $0x700, s1;
	s22 =	sadd.s32 $0x800, s0;
	[dreg:$0xd] =	wrdreg s28  }
0x10: {  	v0 =	vunpack.c.0.s8.s32 v0;
	v1 =	vunpack.c.0.s8.s32 v1;
	s2 =	simm.s32 $0x0;
	s25 =	sadd.s32 $0xE800, s0;
	[dreg:$0x7] =	wrdreg s22  }
0x11: {  	s7 =	sadd.s32 $0x100, s1;
	s26 =	sadd.s32 $0xF000, s0;
	[dreg:$0xa] =	wrdreg s25  }
0x12: {  	v4 =	vlaneseq.u32;
	s23 =	simm.s32 $0x400;
	v0 =	vcombine.low v1, v0;
	s0 =	sadd.s32 $0xF800, s0;
	[dreg:$0xb] =	wrdreg s26  }
0x13: {  	vm0 =	vmmov $0xffff;
	v2 =	vand.u32 $0x7, v4;
	v3 =	vshrl.u32 v4, $0x3;
	s21 =	simm.s32 $0x1;
	s24 =	simm.s32 $0x2;
	[dreg:$0xc] =	wrdreg s0  }
0x14: {  	v4 =	vor.u32 $0x8, v4;
	v3 =	vmul.u32 $0x8, v3;
	s22 =	simm.s32 $0x10400;
	v1 =	vand.u32 $0xF, v0;
	s26 =	simm.s32 $0x5;
	s25 =	simm.s32 $0x0  }
.LBB2_1:
0x15: {  	[dreg:$0xe] =	wrdreg s2  }
0x16: {  	s0 =	rddreg [dreg:$0x5];
	s28 =	simm.s32 $0x7  }
0x17: {  	[tilespmem:s15], [sflag:$0x7] =	stream.linear.gather [hbm4b:s0+s15], $0x200, $0x38;
	[tilespmem:$0x18400] =	vst v63  }
0x18: {  	_ =	swait.ge [sflag:s28], $0x200  }
0x19: {  	[sflag:s28] =	ssyncset.done $0x0  }
0x1a: {  	[sflag:s28] =	ssyncadd.s32 $0xFFFFFE00  }
0x1b: {  	v5 =	vld [tilespmem:$0x0];
	_ =	sdelay $0x4  }
0x1c: {  	v5 =	vperm.xlane v5, v1;
	_ =	sdelay $0x1  }
0x1d: {  	v6 =	vshll.u32 v5, $0x4  }
0x1e: {  	v7 =	vand.u32 $0x7, v5;
	v6 =	vand.u32 $0xFFFFFF80, v6  }
0x1f: {  	v8 =	vld [tilespmem:$0x10];
	v6 =	vor.u32 v7, v6  }
0x20: {  	v7 =	vperm.xlane v6, v2;
	_ =	sdelay $0x1  }
0x21: {  	v7 =	vadd.s32 v3, v7;
	_ =	sdelay $0x1  }
0x22: {  	v8 =	vperm.xlane v8, v1  }
0x23: {  	[tilespmem:$0x200] =	vst v5  }
0x24: {  	[tilespmem:$0x210] =	vst v8  }
0x25: {  	[tilespmem:s23], [sflag:$0x1] =	stream.indirect_vreg.gather [hbm4b:s1+s15], $0x80, v7, vm0, $0xb8;
	[tilespmem:$0x18400] =	vst v63  }
0x26: {  	s2 =	simm.s32 $0xC00  }
0x27: {  	[tilespmem:s2], [sflag:$0x1] =	stream.indirect_vreg.gather [hbm4b:s7+s15], $0x80, v7, vm0, $0xb8;
	[tilespmem:$0x18400] =	vst v63  }
0x28: {  	s4 =	simm.s32 $0x1400  }
0x29: {  	[tilespmem:s4], [sflag:$0x1] =	stream.indirect_vreg.gather [hbm4b:s8+s15], $0x80, v7, vm0, $0xb8;
	[tilespmem:$0x18400] =	vst v63  }
0x2a: {  	s5 =	simm.s32 $0x1C00  }
0x2b: {  	[tilespmem:s5], [sflag:$0x1] =	stream.indirect_vreg.gather [hbm4b:s9+s15], $0x80, v7, vm0, $0xb8;
	[tilespmem:$0x18400] =	vst v63  }
0x2c: {  	s6 =	simm.s32 $0x2400  }
0x2d: {  	[tilespmem:s6], [sflag:$0x1] =	stream.indirect_vreg.gather [hbm4b:s10+s15], $0x80, v7, vm0, $0xb8;
	[tilespmem:$0x18400] =	vst v63  }
0x2e: {  	s16 =	simm.s32 $0x2C00;
	v5 =	vperm.xlane v6, v4  }
0x2f: {  	[tilespmem:s16], [sflag:$0x1] =	stream.indirect_vreg.gather [hbm4b:s11+s15], $0x80, v7, vm0, $0xb8;
	[tilespmem:$0x18400] =	vst v63  }
0x30: {  	s17 =	simm.s32 $0x3400;
	v5 =	vadd.s32 v3, v5  }
0x31: {  	[tilespmem:s17], [sflag:$0x1] =	stream.indirect_vreg.gather [hbm4b:s12+s15], $0x80, v7, vm0, $0xb8;
	[tilespmem:$0x18400] =	vst v63  }
0x32: {  	s18 =	simm.s32 $0x3C00  }
0x33: {  	[tilespmem:s18], [sflag:$0x1] =	stream.indirect_vreg.gather [hbm4b:s13+s15], $0x80, v7, vm0, $0xb8;
	[tilespmem:$0x18400] =	vst v63  }
0x34: {  	s19 =	simm.s32 $0x4400  }
0x35: {  	[tilespmem:s19], [sflag:$0x1] =	stream.indirect_vreg.gather [hbm4b:s1+s15], $0x80, v5, vm0, $0xb8;
	[tilespmem:$0x18400] =	vst v63  }
0x36: {  	s20 =	simm.s32 $0x4C00  }
0x37: {  	[tilespmem:s20], [sflag:$0x1] =	stream.indirect_vreg.gather [hbm4b:s7+s15], $0x80, v5, vm0, $0xb8;
	[tilespmem:$0x18400] =	vst v63  }
0x38: {  	s28 =	simm.s32 $0x5400  }
0x39: {  	[tilespmem:s28], [sflag:$0x1] =	stream.indirect_vreg.gather [hbm4b:s8+s15], $0x80, v5, vm0, $0xb8;
	[tilespmem:$0x18400] =	vst v63  }
0x3a: {  	s2 =	simm.s32 $0x5C00  }
0x3b: {  	[tilespmem:s2], [sflag:$0x1] =	stream.indirect_vreg.gather [hbm4b:s9+s15], $0x80, v5, vm0, $0xb8;
	[tilespmem:$0x18400] =	vst v63  }
0x3c: {  	s4 =	simm.s32 $0x6400  }
0x3d: {  	[tilespmem:s4], [sflag:$0x1] =	stream.indirect_vreg.gather [hbm4b:s10+s15], $0x80, v5, vm0, $0xb8;
	[tilespmem:$0x18400] =	vst v63  }
0x3e: {  	s5 =	simm.s32 $0x6C00  }
0x3f: {  	[tilespmem:s5], [sflag:$0x1] =	stream.indirect_vreg.gather [hbm4b:s11+s15], $0x80, v5, vm0, $0xb8;
	[tilespmem:$0x18400] =	vst v63  }
0x40: {  	s6 =	simm.s32 $0x7400  }
0x41: {  	[tilespmem:s6], [sflag:$0x1] =	stream.indirect_vreg.gather [hbm4b:s12+s15], $0x80, v5, vm0, $0xb8;
	[tilespmem:$0x18400] =	vst v63  }
0x42: {  	s16 =	simm.s32 $0x7C00  }
0x43: {  	[tilespmem:s16], [sflag:$0x1] =	stream.indirect_vreg.gather [hbm4b:s13+s15], $0x80, v5, vm0, $0xb8;
	[tilespmem:$0x18400] =	vst v63  }
0x44: {  	v5 =	vld [tilespmem:$0x210];
	_ =	sdelay $0x4  }
0x45: {  	v6 =	vshll.u32 v5, $0x4  }
0x46: {  	v5 =	vand.u32 $0x7, v5;
	v6 =	vand.u32 $0xFFFFFF80, v6  }
0x47: {  	v5 =	vor.u32 v5, v6  }
0x48: {  	v6 =	vperm.xlane v5, v2;
	_ =	sdelay $0x1  }
0x49: {  	v6 =	vadd.s32 v3, v6;
	_ =	sdelay $0x4  }
0x4a: {  	[tilespmem:s14], [sflag:$0x2] =	stream.indirect_vreg.gather [hbm4b:s1+s15], $0x80, v6, vm0, $0xb8;
	[tilespmem:$0x18400] =	vst v63  }
0x4b: {  	s17 =	simm.s32 $0x8C00  }
0x4c: {  	[tilespmem:s17], [sflag:$0x2] =	stream.indirect_vreg.gather [hbm4b:s7+s15], $0x80, v6, vm0, $0xb8;
	[tilespmem:$0x18400] =	vst v63  }
0x4d: {  	s18 =	simm.s32 $0x9400  }
0x4e: {  	[tilespmem:s18], [sflag:$0x2] =	stream.indirect_vreg.gather [hbm4b:s8+s15], $0x80, v6, vm0, $0xb8;
	[tilespmem:$0x18400] =	vst v63  }
0x4f: {  	s19 =	simm.s32 $0x9C00  }
0x50: {  	[tilespmem:s19], [sflag:$0x2] =	stream.indirect_vreg.gather [hbm4b:s9+s15], $0x80, v6, vm0, $0xb8;
	[tilespmem:$0x18400] =	vst v63  }
0x51: {  	s20 =	simm.s32 $0xA400  }
0x52: {  	[tilespmem:s20], [sflag:$0x2] =	stream.indirect_vreg.gather [hbm4b:s10+s15], $0x80, v6, vm0, $0xb8;
	[tilespmem:$0x18400] =	vst v63  }
0x53: {  	s28 =	simm.s32 $0xAC00;
	v5 =	vperm.xlane v5, v4  }
0x54: {  	[tilespmem:s28], [sflag:$0x2] =	stream.indirect_vreg.gather [hbm4b:s11+s15], $0x80, v6, vm0, $0xb8;
	[tilespmem:$0x18400] =	vst v63  }
0x55: {  	s2 =	simm.s32 $0xB400;
	v5 =	vadd.s32 v3, v5  }
0x56: {  	[tilespmem:s2], [sflag:$0x2] =	stream.indirect_vreg.gather [hbm4b:s12+s15], $0x80, v6, vm0, $0xb8;
	[tilespmem:$0x18400] =	vst v63  }
0x57: {  	s4 =	simm.s32 $0xBC00  }
0x58: {  	[tilespmem:s4], [sflag:$0x2] =	stream.indirect_vreg.gather [hbm4b:s13+s15], $0x80, v6, vm0, $0xb8;
	[tilespmem:$0x18400] =	vst v63  }
0x59: {  	s5 =	simm.s32 $0xC400  }
0x5a: {  	[tilespmem:s5], [sflag:$0x2] =	stream.indirect_vreg.gather [hbm4b:s1+s15], $0x80, v5, vm0, $0xb8;
	[tilespmem:$0x18400] =	vst v63  }
0x5b: {  	s6 =	simm.s32 $0xCC00  }
0x5c: {  	[tilespmem:s6], [sflag:$0x2] =	stream.indirect_vreg.gather [hbm4b:s7+s15], $0x80, v5, vm0, $0xb8;
	[tilespmem:$0x18400] =	vst v63  }
0x5d: {  	s16 =	simm.s32 $0xD400  }
0x5e: {  	[tilespmem:s16], [sflag:$0x2] =	stream.indirect_vreg.gather [hbm4b:s8+s15], $0x80, v5, vm0, $0xb8;
	[tilespmem:$0x18400] =	vst v63  }
0x5f: {  	s17 =	simm.s32 $0xDC00  }
0x60: {  	[tilespmem:s17], [sflag:$0x2] =	stream.indirect_vreg.gather [hbm4b:s9+s15], $0x80, v5, vm0, $0xb8;
	[tilespmem:$0x18400] =	vst v63  }
0x61: {  	s18 =	simm.s32 $0xE400  }
0x62: {  	[tilespmem:s18], [sflag:$0x2] =	stream.indirect_vreg.gather [hbm4b:s10+s15], $0x80, v5, vm0, $0xb8;
	[tilespmem:$0x18400] =	vst v63  }
0x63: {  	s19 =	simm.s32 $0xEC00  }
0x64: {  	[tilespmem:s19], [sflag:$0x2] =	stream.indirect_vreg.gather [hbm4b:s11+s15], $0x80, v5, vm0, $0xb8;
	[tilespmem:$0x18400] =	vst v63  }
0x65: {  	s20 =	simm.s32 $0xF400  }
0x66: {  	[tilespmem:s20], [sflag:$0x2] =	stream.indirect_vreg.gather [hbm4b:s12+s15], $0x80, v5, vm0, $0xb8;
	[tilespmem:$0x18400] =	vst v63  }
0x67: {  	s0 =	simm.s32 $0x20;
	s28 =	simm.s32 $0xFC00  }
0x68: {  	[tilespmem:s28], [sflag:$0x2] =	stream.indirect_vreg.gather [hbm4b:s13+s15], $0x80, v5, vm0, $0xb8;
	[tilespmem:$0x18400] =	vst v63  }
0x69: {  	v5 =	vld [tilespmem:s0+$0x0]  }
0x6a: {  	s2 =	simm.s32 $0xC0  }
.LBB2_2:
0x6b: {  	p0 =	sne.s32 s2, $0x7C0  }
.Ltmp0:
0x6c: {  	_ = 	snop;
	(pc) =	sbr.rel @p0 .LBB2_2-.Ltmp0, $4  }
0x6d: {  	_ = 	snop  }
0x6e: {  	s5 =	sshra.s32 s2, $0x2;
	s2 =	sadd.s32 $0x40, s2;
	v6 =	vperm.xlane v5, v0  }
0x6f: {  	v5 =	vld [tilespmem:s5+$0x0]  }
0x70: {  	[tilespmem:s0+$0x200] =	vst v6;
	s0 =	smov.u32 s5  }
0x71: {  	_ =	sdelay $0x2  }
0x72: {  	v5 =	vperm.xlane v5, v0;
	_ =	sdelay $0x1  }
0x73: {  	[tilespmem:s0+$0x200] =	vst v5  }
0x74: {  	_ =	swait.ge [sflag:s21], $0x8000  }
0x75: {  	[sflag:s21] =	ssyncset.done $0x0  }
0x76: {  	[sflag:s21] =	ssyncadd.s32 $0xFFFF8000  }
0x77: {  	v5 =	vld [tilespmem:$0x220];
	_ =	sdelay $0x4  }
0x78: {  	v6 =	vshll.u32 v5, $0x4  }
0x79: {  	v5 =	vand.u32 $0x7, v5;
	v6 =	vand.u32 $0xFFFFFF80, v6  }
0x7a: {  	v5 =	vor.u32 v5, v6  }
0x7b: {  	v6 =	vperm.xlane v5, v2;
	_ =	sdelay $0x1  }
0x7c: {  	v6 =	vadd.s32 v3, v6;
	_ =	sdelay $0x3  }
0x7d: {  	s2 =	simm.s32 $0x0  }
0x7e: {  	[tilespmem:s22], [sflag:$0x3] =	stream.indirect_vreg.gather [hbm4b:s1+s2], $0x80, v6, vm0, $0xb8;
	[tilespmem:$0x18400] =	vst v63  }
0x7f: {  	s16 =	simm.s32 $0x10C00  }
0x80: {  	[tilespmem:s16], [sflag:$0x3] =	stream.indirect_vreg.gather [hbm4b:s7+s2], $0x80, v6, vm0, $0xb8;
	[tilespmem:$0x18400] =	vst v63  }
0x81: {  	s17 =	simm.s32 $0x11400  }
0x82: {  	[tilespmem:s17], [sflag:$0x3] =	stream.indirect_vreg.gather [hbm4b:s8+s2], $0x80, v6, vm0, $0xb8;
	[tilespmem:$0x18400] =	vst v63  }
0x83: {  	s18 =	simm.s32 $0x11C00  }
0x84: {  	[tilespmem:s18], [sflag:$0x3] =	stream.indirect_vreg.gather [hbm4b:s9+s2], $0x80, v6, vm0, $0xb8;
	[tilespmem:$0x18400] =	vst v63  }
0x85: {  	s19 =	simm.s32 $0x12400  }
0x86: {  	[tilespmem:s19], [sflag:$0x3] =	stream.indirect_vreg.gather [hbm4b:s10+s2], $0x80, v6, vm0, $0xb8;
	[tilespmem:$0x18400] =	vst v63  }
0x87: {  	s20 =	simm.s32 $0x12C00;
	v5 =	vperm.xlane v5, v4  }
0x88: {  	[tilespmem:s20], [sflag:$0x3] =	stream.indirect_vreg.gather [hbm4b:s11+s2], $0x80, v6, vm0, $0xb8;
	[tilespmem:$0x18400] =	vst v63  }
0x89: {  	s28 =	simm.s32 $0x13400;
	v5 =	vadd.s32 v3, v5  }
0x8a: {  	[tilespmem:s28], [sflag:$0x3] =	stream.indirect_vreg.gather [hbm4b:s12+s2], $0x80, v6, vm0, $0xb8;
	[tilespmem:$0x18400] =	vst v63  }
0x8b: {  	s4 =	simm.s32 $0x13C00  }
0x8c: {  	[tilespmem:s4], [sflag:$0x3] =	stream.indirect_vreg.gather [hbm4b:s13+s2], $0x80, v6, vm0, $0xb8;
	[tilespmem:$0x18400] =	vst v63  }
0x8d: {  	s5 =	simm.s32 $0x14400  }
0x8e: {  	[tilespmem:s5], [sflag:$0x3] =	stream.indirect_vreg.gather [hbm4b:s1+s2], $0x80, v5, vm0, $0xb8;
	[tilespmem:$0x18400] =	vst v63  }
0x8f: {  	s6 =	simm.s32 $0x14C00  }
0x90: {  	[tilespmem:s6], [sflag:$0x3] =	stream.indirect_vreg.gather [hbm4b:s7+s2], $0x80, v5, vm0, $0xb8;
	[tilespmem:$0x18400] =	vst v63  }
0x91: {  	s15 =	simm.s32 $0x15400  }
0x92: {  	[tilespmem:s15], [sflag:$0x3] =	stream.indirect_vreg.gather [hbm4b:s8+s2], $0x80, v5, vm0, $0xb8;
	[tilespmem:$0x18400] =	vst v63  }
0x93: {  	s16 =	simm.s32 $0x15C00  }
0x94: {  	[tilespmem:s16], [sflag:$0x3] =	stream.indirect_vreg.gather [hbm4b:s9+s2], $0x80, v5, vm0, $0xb8;
	[tilespmem:$0x18400] =	vst v63  }
0x95: {  	s17 =	simm.s32 $0x16400  }
0x96: {  	[tilespmem:s17], [sflag:$0x3] =	stream.indirect_vreg.gather [hbm4b:s10+s2], $0x80, v5, vm0, $0xb8;
	[tilespmem:$0x18400] =	vst v63  }
0x97: {  	s18 =	simm.s32 $0x16C00  }
0x98: {  	[tilespmem:s18], [sflag:$0x3] =	stream.indirect_vreg.gather [hbm4b:s11+s2], $0x80, v5, vm0, $0xb8;
	[tilespmem:$0x18400] =	vst v63  }
0x99: {  	s19 =	simm.s32 $0x17400;
	s28 =	sand.u32 $0x70, s2;
	s5 =	sand.u32 $0x3C00, s2  }
0x9a: {  	[tilespmem:s19], [sflag:$0x3] =	stream.indirect_vreg.gather [hbm4b:s12+s2], $0x80, v5, vm0, $0xb8;
	[tilespmem:$0x18400] =	vst v63  }
0x9b: {  	s20 =	simm.s32 $0x17C00;
	s0 =	sor.u32 s28, s5  }
0x9c: {  	[tilespmem:s20], [sflag:$0x3] =	stream.indirect_vreg.gather [hbm4b:s13+s2], $0x80, v5, vm0, $0xb8;
	[tilespmem:$0x18400] =	vst v63  }
0x9d: {  	v5 =	vld [tilespmem:s0+$0x4780]  }
0x9e: {  	v7 =	vld [tilespmem:s0+$0x4600]  }
0x9f: {  	v6 =	vld [tilespmem:s0+$0x4500]  }
0xa0: {  	v8 =	vld [tilespmem:s0+$0x4700]  }
0xa1: {  	v9 =	vld [tilespmem:s0+$0x4580]  }
0xa2: {  	v10 =	vld [tilespmem:s0+$0x4480]  }
0xa3: {  	v11 =	vld [tilespmem:s0+$0x4680]  }
0xa4: {  	[tilespmem:s0+$0x600] =	vst.add.f32.msk $0xffff, v7  }
0xa5: {  	v7 =	vld [tilespmem:s0+$0x4400]  }
0xa6: {  	[tilespmem:s0+$0x580] =	vst.add.f32.msk $0xffff, v9  }
0xa7: {  	s2 =	sand.u32 $0x7, s2;
	[tilespmem:s0+$0x480] =	vst.add.f32.msk $0xffff, v10  }
0xa8: {  	s2 =	sshll.u32 s2, $0x4;
	[tilespmem:s0+$0x700] =	vst.add.f32.msk $0xffff, v8  }
0xa9: {  	s6 =	simm.s32 $0x1;
	s2 =	sadd.s32 $0x0, s2;
	[tilespmem:s0+$0x680] =	vst.add.f32.msk $0xffff, v11  }
0xaa: {  	s18 =	simm.s32 $0x10;
	s15 =	sor.u32 $0x380, s2;
	s2 =	simm.s32 $0x80;
	[tilespmem:s0+$0x400] =	vst.add.f32.msk $0xffff, v7  }
.LBB2_4:
0xab: {  	s5 =	sand.u32 $0x70, s18  }
0xac: {  	s19 =	sand.u32 $0x3C00, s2;
	[tilespmem:s0+$0x500] =	vst.add.f32.msk $0xffff, v6;
	s0 =	smov.u32 s18;
	s20 =	sadd.s32 $0x10, s18  }
0xad: {  	p0 =	sne.s32 s18, $0x7F0;
	s0 =	sor.u32 s5, s19;
	[tilespmem:s15+$0x400] =	vst.add.f32.msk $0xffff, v5  }
0xae: {  	v5 =	vld [tilespmem:s0+$0x4780]  }
0xaf: {  	v7 =	vld [tilespmem:s0+$0x4600]  }
0xb0: {  	v6 =	vld [tilespmem:s0+$0x4500]  }
0xb1: {  	v8 =	vld [tilespmem:s0+$0x4700]  }
0xb2: {  	v9 =	vld [tilespmem:s0+$0x4580]  }
0xb3: {  	v10 =	vld [tilespmem:s0+$0x4480]  }
0xb4: {  	[tilespmem:s0+$0x600] =	vst.add.f32.msk $0xffff, v7  }
0xb5: {  	v7 =	vld [tilespmem:s0+$0x4400]  }
0xb6: {  	v11 =	vld [tilespmem:s0+$0x4680]  }
.Ltmp1:
0xb7: {  	[tilespmem:s0+$0x580] =	vst.add.f32.msk $0xffff, v9;
	(pc) =	sbr.rel @p0 .LBB2_4-.Ltmp1, $4  }
0xb8: {  	s5 =	sand.u32 $0x7, s6;
	[tilespmem:s0+$0x480] =	vst.add.f32.msk $0xffff, v10  }
0xb9: {  	s5 =	sshll.u32 s5, $0x4;
	[tilespmem:s0+$0x700] =	vst.add.f32.msk $0xffff, v8  }
0xba: {  	s6 =	sadd.s32 $0x1, s6;
	s5 =	sadd.s32 s5, s2;
	[tilespmem:s0+$0x400] =	vst.add.f32.msk $0xffff, v7  }
0xbb: {  	s18 =	smov.u32 s20;
	s2 =	sadd.s32 $0x80, s2;
	s15 =	sor.u32 $0x380, s5;
	[tilespmem:s0+$0x680] =	vst.add.f32.msk $0xffff, v11  }
0xbc: {  	[tilespmem:s0+$0x500] =	vst.add.f32.msk $0xffff, v6  }
0xbd: {  	s0 =	simm.s32 $0x0;
	s2 =	rddreg [dreg:$0x6];
	[tilespmem:s15+$0x400] =	vst.add.f32.msk $0xffff, v5  }
0xbe: {  	[hbm4b:s2+s0] =	stream.linear.scatter [tilespmem:s23], [sflag:$0x4], $0x4000, $0x38;
	[tilespmem:$0x18400] =	vst v63  }
0xbf: {  	_ =	swait.ge [sflag:s24], $0x8000  }
0xc0: {  	[sflag:s24] =	ssyncset.done $0x0  }
0xc1: {  	[sflag:s24] =	ssyncadd.s32 $0xFFFF8000  }
0xc2: {  	_ =	swait.ge [sflag:s29], $0x4000  }
0xc3: {  	[sflag:s29] =	ssyncset.done $0x0  }
0xc4: {  	[sflag:s29] =	ssyncadd.s32 $0xFFFFC000  }
0xc5: {  	v5 =	vld [tilespmem:$0x230];
	_ =	sdelay $0x4  }
0xc6: {  	v6 =	vshll.u32 v5, $0x4  }
0xc7: {  	v5 =	vand.u32 $0x7, v5;
	v6 =	vand.u32 $0xFFFFFF80, v6  }
0xc8: {  	v5 =	vor.u32 v5, v6  }
0xc9: {  	v6 =	vperm.xlane v5, v2;
	_ =	sdelay $0x1  }
0xca: {  	v6 =	vadd.s32 v3, v6;
	_ =	sdelay $0x4  }
0xcb: {  	[tilespmem:s23], [sflag:$0x1] =	stream.indirect_vreg.gather [hbm4b:s1+s0], $0x80, v6, vm0, $0xb8;
	[tilespmem:$0x18400] =	vst v63  }
0xcc: {  	s16 =	simm.s32 $0xC00  }
0xcd: {  	[tilespmem:s16], [sflag:$0x1] =	stream.indirect_vreg.gather [hbm4b:s7+s0], $0x80, v6, vm0, $0xb8;
	[tilespmem:$0x18400] =	vst v63  }
0xce: {  	s17 =	simm.s32 $0x1400  }
0xcf: {  	[tilespmem:s17], [sflag:$0x1] =	stream.indirect_vreg.gather [hbm4b:s8+s0], $0x80, v6, vm0, $0xb8;
	[tilespmem:$0x18400] =	vst v63  }
0xd0: {  	s18 =	simm.s32 $0x1C00  }
0xd1: {  	[tilespmem:s18], [sflag:$0x1] =	stream.indirect_vreg.gather [hbm4b:s9+s0], $0x80, v6, vm0, $0xb8;
	[tilespmem:$0x18400] =	vst v63  }
0xd2: {  	s19 =	simm.s32 $0x2400  }
0xd3: {  	[tilespmem:s19], [sflag:$0x1] =	stream.indirect_vreg.gather [hbm4b:s10+s0], $0x80, v6, vm0, $0xb8;
	[tilespmem:$0x18400] =	vst v63  }
0xd4: {  	s20 =	simm.s32 $0x2C00;
	v5 =	vperm.xlane v5, v4  }
0xd5: {  	[tilespmem:s20], [sflag:$0x1] =	stream.indirect_vreg.gather [hbm4b:s11+s0], $0x80, v6, vm0, $0xb8;
	[tilespmem:$0x18400] =	vst v63  }
0xd6: {  	s28 =	simm.s32 $0x3400;
	v5 =	vadd.s32 v3, v5  }
0xd7: {  	[tilespmem:s28], [sflag:$0x1] =	stream.indirect_vreg.gather [hbm4b:s12+s0], $0x80, v6, vm0, $0xb8;
	[tilespmem:$0x18400] =	vst v63  }
0xd8: {  	s4 =	simm.s32 $0x3C00  }
0xd9: {  	[tilespmem:s4], [sflag:$0x1] =	stream.indirect_vreg.gather [hbm4b:s13+s0], $0x80, v6, vm0, $0xb8;
	[tilespmem:$0x18400] =	vst v63  }
0xda: {  	s5 =	simm.s32 $0x4400  }
0xdb: {  	[tilespmem:s5], [sflag:$0x1] =	stream.indirect_vreg.gather [hbm4b:s1+s0], $0x80, v5, vm0, $0xb8;
	[tilespmem:$0x18400] =	vst v63  }
0xdc: {  	s6 =	simm.s32 $0x4C00  }
0xdd: {  	[tilespmem:s6], [sflag:$0x1] =	stream.indirect_vreg.gather [hbm4b:s7+s0], $0x80, v5, vm0, $0xb8;
	[tilespmem:$0x18400] =	vst v63  }
0xde: {  	s15 =	simm.s32 $0x5400  }
0xdf: {  	[tilespmem:s15], [sflag:$0x1] =	stream.indirect_vreg.gather [hbm4b:s8+s0], $0x80, v5, vm0, $0xb8;
	[tilespmem:$0x18400] =	vst v63  }
0xe0: {  	s16 =	simm.s32 $0x5C00  }
0xe1: {  	[tilespmem:s16], [sflag:$0x1] =	stream.indirect_vreg.gather [hbm4b:s9+s0], $0x80, v5, vm0, $0xb8;
	[tilespmem:$0x18400] =	vst v63  }
0xe2: {  	s17 =	simm.s32 $0x6400  }
0xe3: {  	[tilespmem:s17], [sflag:$0x1] =	stream.indirect_vreg.gather [hbm4b:s10+s0], $0x80, v5, vm0, $0xb8;
	[tilespmem:$0x18400] =	vst v63  }
0xe4: {  	s18 =	simm.s32 $0x6C00  }
0xe5: {  	[tilespmem:s18], [sflag:$0x1] =	stream.indirect_vreg.gather [hbm4b:s11+s0], $0x80, v5, vm0, $0xb8;
	[tilespmem:$0x18400] =	vst v63  }
0xe6: {  	s19 =	simm.s32 $0x7400  }
0xe7: {  	[tilespmem:s19], [sflag:$0x1] =	stream.indirect_vreg.gather [hbm4b:s12+s0], $0x80, v5, vm0, $0xb8;
	[tilespmem:$0x18400] =	vst v63  }
0xe8: {  	s20 =	simm.s32 $0x7C00  }
0xe9: {  	[tilespmem:s20], [sflag:$0x1] =	stream.indirect_vreg.gather [hbm4b:s13+s0], $0x80, v5, vm0, $0xb8;
	[tilespmem:$0x18400] =	vst v63  }
0xea: {  	s28 =	sand.u32 $0x70, s0;
	s0 =	sand.u32 $0x3C00, s0  }
0xeb: {  	s0 =	sor.u32 s28, s0  }
0xec: {  	v5 =	vld [tilespmem:s0+$0xC780]  }
0xed: {  	v6 =	vld [tilespmem:s0+$0xC400]  }
0xee: {  	v7 =	vld [tilespmem:s0+$0xC480]  }
0xef: {  	v8 =	vld [tilespmem:s0+$0xC500]  }
0xf0: {  	v9 =	vld [tilespmem:s0+$0xC580]  }
0xf1: {  	v10 =	vld [tilespmem:s0+$0xC600]  }
0xf2: {  	v11 =	vld [tilespmem:s0+$0xC680]  }
0xf3: {  	[tilespmem:s0+$0x8780] =	vst.add.f32.msk $0xffff, v5  }
0xf4: {  	v5 =	vld [tilespmem:s0+$0xC700]  }
0xf5: {  	[tilespmem:s0+$0x8400] =	vst.add.f32.msk $0xffff, v6  }
0xf6: {  	[tilespmem:s0+$0x8480] =	vst.add.f32.msk $0xffff, v7  }
0xf7: {  	[tilespmem:s0+$0x8500] =	vst.add.f32.msk $0xffff, v8  }
0xf8: {  	[tilespmem:s0+$0x8580] =	vst.add.f32.msk $0xffff, v9  }
0xf9: {  	s2 =	simm.s32 $0x80;
	s5 =	simm.s32 $0x10;
	[tilespmem:s0+$0x8600] =	vst.add.f32.msk $0xffff, v10  }
0xfa: {  	s5 =	sand.u32 $0x70, s5;
	s6 =	simm.s32 $0x20;
	s15 =	sand.u32 $0x3C00, s2;
	[tilespmem:s0+$0x8680] =	vst.add.f32.msk $0xffff, v11  }
.LBB2_6:
0xfb: {  	p0 =	sne.s32 s6, $0x7F0;
	[tilespmem:s0+$0x8700] =	vst.add.f32.msk $0xffff, v5;
	s0 =	sor.u32 s5, s15  }
0xfc: {  	v5 =	vld [tilespmem:s0+$0xC780]  }
0xfd: {  	v6 =	vld [tilespmem:s0+$0xC400]  }
0xfe: {  	v7 =	vld [tilespmem:s0+$0xC480]  }
0xff: {  	v8 =	vld [tilespmem:s0+$0xC500]  }
0x100: {  	v9 =	vld [tilespmem:s0+$0xC580]  }
0x101: {  	[tilespmem:s0+$0x8780] =	vst.add.f32.msk $0xffff, v5  }
0x102: {  	v10 =	vld [tilespmem:s0+$0xC600]  }
0x103: {  	v11 =	vld [tilespmem:s0+$0xC680]  }
0x104: {  	v5 =	vld [tilespmem:s0+$0xC700]  }
0x105: {  	[tilespmem:s0+$0x8400] =	vst.add.f32.msk $0xffff, v6  }
.Ltmp2:
0x106: {  	[tilespmem:s0+$0x8480] =	vst.add.f32.msk $0xffff, v7;
	(pc) =	sbr.rel @p0 .LBB2_6-.Ltmp2, $4  }
0x107: {  	[tilespmem:s0+$0x8500] =	vst.add.f32.msk $0xffff, v8  }
0x108: {  	[tilespmem:s0+$0x8580] =	vst.add.f32.msk $0xffff, v9  }
0x109: {  	s2 =	sadd.s32 $0x80, s2;
	[tilespmem:s0+$0x8600] =	vst.add.f32.msk $0xffff, v10  }
0x10a: {  	s5 =	sand.u32 $0x70, s6;
	s6 =	sadd.s32 $0x10, s6;
	s15 =	sand.u32 $0x3C00, s2;
	[tilespmem:s0+$0x8680] =	vst.add.f32.msk $0xffff, v11  }
0x10b: {  	s2 =	sor.u32 s5, s15;
	[tilespmem:s0+$0x8700] =	vst.add.f32.msk $0xffff, v5  }
0x10c: {  	v5 =	vld [tilespmem:s2+$0xC780]  }
0x10d: {  	v6 =	vld [tilespmem:s2+$0xC400]  }
0x10e: {  	v7 =	vld [tilespmem:s2+$0xC480]  }
0x10f: {  	v8 =	vld [tilespmem:s2+$0xC500]  }
0x110: {  	v9 =	vld [tilespmem:s2+$0xC580]  }
0x111: {  	v10 =	vld [tilespmem:s2+$0xC680]  }
0x112: {  	v11 =	vld [tilespmem:s2+$0xC700]  }
0x113: {  	[tilespmem:s2+$0x8780] =	vst.add.f32.msk $0xffff, v5  }
0x114: {  	v5 =	vld [tilespmem:s2+$0xC600]  }
0x115: {  	[tilespmem:s2+$0x8400] =	vst.add.f32.msk $0xffff, v6  }
0x116: {  	[tilespmem:s2+$0x8480] =	vst.add.f32.msk $0xffff, v7  }
0x117: {  	[tilespmem:s2+$0x8500] =	vst.add.f32.msk $0xffff, v8  }
0x118: {  	[tilespmem:s2+$0x8580] =	vst.add.f32.msk $0xffff, v9  }
0x119: {  	[tilespmem:s2+$0x8680] =	vst.add.f32.msk $0xffff, v10  }
0x11a: {  	[tilespmem:s2+$0x8700] =	vst.add.f32.msk $0xffff, v11  }
0x11b: {  	s20 =	rddreg [dreg:$0x7];
	s28 =	simm.s32 $0x0;
	[tilespmem:s2+$0x8600] =	vst.add.f32.msk $0xffff, v5  }
0x11c: {  	[hbm4b:s20+s25] =	stream.linear.scatter [tilespmem:s14], [sflag:$0x5], $0x4000, $0x38;
	[tilespmem:$0x18400] =	vst v63  }
.LBB2_8:
0x11d: {  	_ =	swait.ge [sflag:s30], $0x8000  }
0x11e: {  	s2 =	smul.u32 $0x3, s28;
	[sflag:s30] =	ssyncset.done $0x0  }
0x11f: {  	[sflag:s30] =	ssyncadd.s32 $0xFFFF8000  }
0x120: {  	s0 =	sadd.s32 $0x4, s2;
	_ =	swait.ge [sflag:s26], $0x4000  }
0x121: {  	s5 =	sshll.u32 s0, $0x4;
	[sflag:s26] =	ssyncset.done $0x0  }
0x122: {  	s5 =	sand.u32 $0x3FFFFFF0, s5;
	[sflag:s26] =	ssyncadd.s32 $0xFFFFC000  }
0x123: {  	v5 =	vld [tilespmem:s5+$0x200];
	_ =	sdelay $0x4  }
0x124: {  	v6 =	vshll.u32 v5, $0x4  }
0x125: {  	v5 =	vand.u32 $0x7, v5;
	v6 =	vand.u32 $0xFFFFFF80, v6  }
0x126: {  	v5 =	vor.u32 v5, v6  }
0x127: {  	v6 =	vperm.xlane v5, v2;
	_ =	sdelay $0x1  }
0x128: {  	v6 =	vadd.s32 v3, v6;
	_ =	sdelay $0x4  }
0x129: {  	[tilespmem:s14], [sflag:$0x2] =	stream.indirect_vreg.gather [hbm4b:s1+s25], $0x80, v6, vm0, $0xb8;
	[tilespmem:$0x18400] =	vst v63  }
0x12a: {  	s4 =	simm.s32 $0x8C00  }
0x12b: {  	[tilespmem:s4], [sflag:$0x2] =	stream.indirect_vreg.gather [hbm4b:s7+s25], $0x80, v6, vm0, $0xb8;
	[tilespmem:$0x18400] =	vst v63  }
0x12c: {  	s5 =	simm.s32 $0x9400  }
0x12d: {  	[tilespmem:s5], [sflag:$0x2] =	stream.indirect_vreg.gather [hbm4b:s8+s25], $0x80, v6, vm0, $0xb8;
	[tilespmem:$0x18400] =	vst v63  }
0x12e: {  	s6 =	simm.s32 $0x9C00  }
0x12f: {  	[tilespmem:s6], [sflag:$0x2] =	stream.indirect_vreg.gather [hbm4b:s9+s25], $0x80, v6, vm0, $0xb8;
	[tilespmem:$0x18400] =	vst v63  }
0x130: {  	s15 =	simm.s32 $0xA400  }
0x131: {  	[tilespmem:s15], [sflag:$0x2] =	stream.indirect_vreg.gather [hbm4b:s10+s25], $0x80, v6, vm0, $0xb8;
	[tilespmem:$0x18400] =	vst v63  }
0x132: {  	s16 =	simm.s32 $0xAC00;
	v5 =	vperm.xlane v5, v4  }
0x133: {  	[tilespmem:s16], [sflag:$0x2] =	stream.indirect_vreg.gather [hbm4b:s11+s25], $0x80, v6, vm0, $0xb8;
	[tilespmem:$0x18400] =	vst v63  }
0x134: {  	s17 =	simm.s32 $0xB400;
	v5 =	vadd.s32 v3, v5  }
0x135: {  	[tilespmem:s17], [sflag:$0x2] =	stream.indirect_vreg.gather [hbm4b:s12+s25], $0x80, v6, vm0, $0xb8;
	[tilespmem:$0x18400] =	vst v63  }
0x136: {  	s18 =	simm.s32 $0xBC00  }
0x137: {  	[tilespmem:s18], [sflag:$0x2] =	stream.indirect_vreg.gather [hbm4b:s13+s25], $0x80, v6, vm0, $0xb8;
	[tilespmem:$0x18400] =	vst v63  }
0x138: {  	s19 =	simm.s32 $0xC400  }
0x139: {  	[tilespmem:s19], [sflag:$0x2] =	stream.indirect_vreg.gather [hbm4b:s1+s25], $0x80, v5, vm0, $0xb8;
	[tilespmem:$0x18400] =	vst v63  }
0x13a: {  	s20 =	simm.s32 $0xCC00  }
0x13b: {  	[tilespmem:s20], [sflag:$0x2] =	stream.indirect_vreg.gather [hbm4b:s7+s25], $0x80, v5, vm0, $0xb8;
	[tilespmem:$0x18400] =	vst v63  }
0x13c: {  	s5 =	simm.s32 $0xD400  }
0x13d: {  	[tilespmem:s5], [sflag:$0x2] =	stream.indirect_vreg.gather [hbm4b:s8+s25], $0x80, v5, vm0, $0xb8;
	[tilespmem:$0x18400] =	vst v63  }
0x13e: {  	s6 =	simm.s32 $0xDC00  }
0x13f: {  	[tilespmem:s6], [sflag:$0x2] =	stream.indirect_vreg.gather [hbm4b:s9+s25], $0x80, v5, vm0, $0xb8;
	[tilespmem:$0x18400] =	vst v63  }
0x140: {  	s15 =	simm.s32 $0xE400  }
0x141: {  	[tilespmem:s15], [sflag:$0x2] =	stream.indirect_vreg.gather [hbm4b:s10+s25], $0x80, v5, vm0, $0xb8;
	[tilespmem:$0x18400] =	vst v63  }
0x142: {  	s16 =	simm.s32 $0xEC00  }
0x143: {  	[tilespmem:s16], [sflag:$0x2] =	stream.indirect_vreg.gather [hbm4b:s11+s25], $0x80, v5, vm0, $0xb8;
	[tilespmem:$0x18400] =	vst v63  }
0x144: {  	s17 =	simm.s32 $0xF400;
	s19 =	sand.u32 $0x70, s25;
	s6 =	sand.u32 $0x3C00, s25  }
0x145: {  	[tilespmem:s17], [sflag:$0x2] =	stream.indirect_vreg.gather [hbm4b:s12+s25], $0x80, v5, vm0, $0xb8;
	[tilespmem:$0x18400] =	vst v63  }
0x146: {  	s18 =	simm.s32 $0xFC00;
	s6 =	sor.u32 s19, s6  }
0x147: {  	[tilespmem:s18], [sflag:$0x2] =	stream.indirect_vreg.gather [hbm4b:s13+s25], $0x80, v5, vm0, $0xb8;
	[tilespmem:$0x18400] =	vst v63  }
0x148: {  	v5 =	vld [tilespmem:s6+$0x14780]  }
0x149: {  	v6 =	vld [tilespmem:s6+$0x14400]  }
0x14a: {  	v7 =	vld [tilespmem:s6+$0x14480]  }
0x14b: {  	v8 =	vld [tilespmem:s6+$0x14500]  }
0x14c: {  	v9 =	vld [tilespmem:s6+$0x14580]  }
0x14d: {  	v10 =	vld [tilespmem:s6+$0x14600]  }
0x14e: {  	v11 =	vld [tilespmem:s6+$0x14680]  }
0x14f: {  	[tilespmem:s6+$0x10780] =	vst.add.f32.msk $0xffff, v5  }
0x150: {  	v5 =	vld [tilespmem:s6+$0x14700]  }
0x151: {  	[tilespmem:s6+$0x10400] =	vst.add.f32.msk $0xffff, v6  }
0x152: {  	[tilespmem:s6+$0x10480] =	vst.add.f32.msk $0xffff, v7  }
0x153: {  	[tilespmem:s6+$0x10500] =	vst.add.f32.msk $0xffff, v8  }
0x154: {  	[tilespmem:s6+$0x10580] =	vst.add.f32.msk $0xffff, v9  }
0x155: {  	s20 =	simm.s32 $0x10;
	s15 =	simm.s32 $0x80;
	[tilespmem:s6+$0x10600] =	vst.add.f32.msk $0xffff, v10  }
0x156: {  	s5 =	sand.u32 $0x70, s20;
	s19 =	sand.u32 $0x3C00, s15;
	s18 =	simm.s32 $0x20;
	[tilespmem:s6+$0x10680] =	vst.add.f32.msk $0xffff, v11  }
.LBB2_9:
0x157: {  	p0 =	sne.s32 s18, $0x7F0;
	[tilespmem:s6+$0x10700] =	vst.add.f32.msk $0xffff, v5;
	s6 =	sor.u32 s5, s19  }
0x158: {  	v5 =	vld [tilespmem:s6+$0x14780]  }
0x159: {  	v6 =	vld [tilespmem:s6+$0x14400]  }
0x15a: {  	v7 =	vld [tilespmem:s6+$0x14480]  }
0x15b: {  	v8 =	vld [tilespmem:s6+$0x14500]  }
0x15c: {  	v9 =	vld [tilespmem:s6+$0x14580]  }
0x15d: {  	[tilespmem:s6+$0x10780] =	vst.add.f32.msk $0xffff, v5  }
0x15e: {  	v10 =	vld [tilespmem:s6+$0x14600]  }
0x15f: {  	v11 =	vld [tilespmem:s6+$0x14680]  }
0x160: {  	v5 =	vld [tilespmem:s6+$0x14700]  }
0x161: {  	[tilespmem:s6+$0x10400] =	vst.add.f32.msk $0xffff, v6  }
.Ltmp3:
0x162: {  	[tilespmem:s6+$0x10480] =	vst.add.f32.msk $0xffff, v7;
	(pc) =	sbr.rel @p0 .LBB2_9-.Ltmp3, $4  }
0x163: {  	[tilespmem:s6+$0x10500] =	vst.add.f32.msk $0xffff, v8  }
0x164: {  	[tilespmem:s6+$0x10580] =	vst.add.f32.msk $0xffff, v9  }
0x165: {  	s15 =	sadd.s32 $0x80, s15;
	[tilespmem:s6+$0x10600] =	vst.add.f32.msk $0xffff, v10  }
0x166: {  	s5 =	sand.u32 $0x70, s18;
	s18 =	sadd.s32 $0x10, s18;
	s19 =	sand.u32 $0x3C00, s15;
	[tilespmem:s6+$0x10680] =	vst.add.f32.msk $0xffff, v11  }
0x167: {  	s5 =	sor.u32 s5, s19;
	[tilespmem:s6+$0x10700] =	vst.add.f32.msk $0xffff, v5  }
0x168: {  	v5 =	vld [tilespmem:s5+$0x14780]  }
0x169: {  	v6 =	vld [tilespmem:s5+$0x14400]  }
0x16a: {  	v7 =	vld [tilespmem:s5+$0x14480]  }
0x16b: {  	v8 =	vld [tilespmem:s5+$0x14500]  }
0x16c: {  	v9 =	vld [tilespmem:s5+$0x14580]  }
0x16d: {  	v10 =	vld [tilespmem:s5+$0x14680]  }
0x16e: {  	v11 =	vld [tilespmem:s5+$0x14700]  }
0x16f: {  	[tilespmem:s5+$0x10780] =	vst.add.f32.msk $0xffff, v5  }
0x170: {  	v5 =	vld [tilespmem:s5+$0x14600]  }
0x171: {  	[tilespmem:s5+$0x10400] =	vst.add.f32.msk $0xffff, v6  }
0x172: {  	[tilespmem:s5+$0x10480] =	vst.add.f32.msk $0xffff, v7  }
0x173: {  	s4 =	rddreg [dreg:$0x8];
	[tilespmem:s5+$0x10500] =	vst.add.f32.msk $0xffff, v8  }
0x174: {  	s20 =	sadd.s32 s2, s4;
	[tilespmem:s5+$0x10580] =	vst.add.f32.msk $0xffff, v9  }
0x175: {  	s6 =	sshll.u32 s20, $0xB;
	[tilespmem:s5+$0x10680] =	vst.add.f32.msk $0xffff, v10  }
0x176: {  	s6 =	sand.u32 $0x1FFFF800, s6;
	[tilespmem:s5+$0x10700] =	vst.add.f32.msk $0xffff, v11  }
0x177: {  	s18 =	simm.s32 $0x0;
	s4 =	sadd.s32 s3, s6;
	[tilespmem:s5+$0x10600] =	vst.add.f32.msk $0xffff, v5  }
0x178: {  	[hbm4b:s4+s18] =	stream.linear.scatter [tilespmem:s22], [sflag:$0x6], $0x4000, $0x38;
	[tilespmem:$0x18400] =	vst v63  }
0x179: {  	_ =	swait.ge [sflag:s21], $0x8000  }
0x17a: {  	[sflag:s21] =	ssyncset.done $0x0  }
0x17b: {  	[sflag:s21] =	ssyncadd.s32 $0xFFFF8000  }
0x17c: {  	s6 =	smul.u32 $0xC0, s28;
	_ =	swait.ge [sflag:s31], $0x4000  }
0x17d: {  	[sflag:s31] =	ssyncset.done $0x0  }
0x17e: {  	s6 =	sshra.s32 s6, $0x2;
	[sflag:s31] =	ssyncadd.s32 $0xFFFFC000  }
0x17f: {  	v5 =	vld [tilespmem:s6+$0x250];
	_ =	sdelay $0x4  }
0x180: {  	v6 =	vshll.u32 v5, $0x4  }
0x181: {  	v5 =	vand.u32 $0x7, v5;
	v6 =	vand.u32 $0xFFFFFF80, v6  }
0x182: {  	v5 =	vor.u32 v5, v6  }
0x183: {  	v6 =	vperm.xlane v5, v2;
	_ =	sdelay $0x1  }
0x184: {  	v6 =	vadd.s32 v3, v6;
	_ =	sdelay $0x4  }
0x185: {  	[tilespmem:s22], [sflag:$0x3] =	stream.indirect_vreg.gather [hbm4b:s1+s18], $0x80, v6, vm0, $0xb8;
	[tilespmem:$0x18400] =	vst v63  }
0x186: {  	s15 =	simm.s32 $0x10C00  }
0x187: {  	[tilespmem:s15], [sflag:$0x3] =	stream.indirect_vreg.gather [hbm4b:s7+s18], $0x80, v6, vm0, $0xb8;
	[tilespmem:$0x18400] =	vst v63  }
0x188: {  	s16 =	simm.s32 $0x11400  }
0x189: {  	[tilespmem:s16], [sflag:$0x3] =	stream.indirect_vreg.gather [hbm4b:s8+s18], $0x80, v6, vm0, $0xb8;
	[tilespmem:$0x18400] =	vst v63  }
0x18a: {  	s17 =	simm.s32 $0x11C00  }
0x18b: {  	[tilespmem:s17], [sflag:$0x3] =	stream.indirect_vreg.gather [hbm4b:s9+s18], $0x80, v6, vm0, $0xb8;
	[tilespmem:$0x18400] =	vst v63  }
0x18c: {  	s19 =	simm.s32 $0x12400  }
0x18d: {  	[tilespmem:s19], [sflag:$0x3] =	stream.indirect_vreg.gather [hbm4b:s10+s18], $0x80, v6, vm0, $0xb8;
	[tilespmem:$0x18400] =	vst v63  }
0x18e: {  	s20 =	simm.s32 $0x12C00;
	v5 =	vperm.xlane v5, v4  }
0x18f: {  	[tilespmem:s20], [sflag:$0x3] =	stream.indirect_vreg.gather [hbm4b:s11+s18], $0x80, v6, vm0, $0xb8;
	[tilespmem:$0x18400] =	vst v63  }
0x190: {  	s5 =	simm.s32 $0x13400;
	v5 =	vadd.s32 v3, v5  }
0x191: {  	[tilespmem:s5], [sflag:$0x3] =	stream.indirect_vreg.gather [hbm4b:s12+s18], $0x80, v6, vm0, $0xb8;
	[tilespmem:$0x18400] =	vst v63  }
0x192: {  	s15 =	simm.s32 $0x13C00  }
0x193: {  	[tilespmem:s15], [sflag:$0x3] =	stream.indirect_vreg.gather [hbm4b:s13+s18], $0x80, v6, vm0, $0xb8;
	[tilespmem:$0x18400] =	vst v63  }
0x194: {  	s16 =	simm.s32 $0x14400  }
0x195: {  	[tilespmem:s16], [sflag:$0x3] =	stream.indirect_vreg.gather [hbm4b:s1+s18], $0x80, v5, vm0, $0xb8;
	[tilespmem:$0x18400] =	vst v63  }
0x196: {  	s17 =	simm.s32 $0x14C00  }
0x197: {  	[tilespmem:s17], [sflag:$0x3] =	stream.indirect_vreg.gather [hbm4b:s7+s18], $0x80, v5, vm0, $0xb8;
	[tilespmem:$0x18400] =	vst v63  }
0x198: {  	s19 =	simm.s32 $0x15400  }
0x199: {  	[tilespmem:s19], [sflag:$0x3] =	stream.indirect_vreg.gather [hbm4b:s8+s18], $0x80, v5, vm0, $0xb8;
	[tilespmem:$0x18400] =	vst v63  }
0x19a: {  	s20 =	simm.s32 $0x15C00  }
0x19b: {  	[tilespmem:s20], [sflag:$0x3] =	stream.indirect_vreg.gather [hbm4b:s9+s18], $0x80, v5, vm0, $0xb8;
	[tilespmem:$0x18400] =	vst v63  }
0x19c: {  	s5 =	simm.s32 $0x16400  }
0x19d: {  	[tilespmem:s5], [sflag:$0x3] =	stream.indirect_vreg.gather [hbm4b:s10+s18], $0x80, v5, vm0, $0xb8;
	[tilespmem:$0x18400] =	vst v63  }
0x19e: {  	s15 =	simm.s32 $0x16C00  }
0x19f: {  	[tilespmem:s15], [sflag:$0x3] =	stream.indirect_vreg.gather [hbm4b:s11+s18], $0x80, v5, vm0, $0xb8;
	[tilespmem:$0x18400] =	vst v63  }
0x1a0: {  	s16 =	simm.s32 $0x17400;
	s19 =	sand.u32 $0x70, s18;
	s15 =	sand.u32 $0x3C00, s18  }
0x1a1: {  	[tilespmem:s16], [sflag:$0x3] =	stream.indirect_vreg.gather [hbm4b:s12+s18], $0x80, v5, vm0, $0xb8;
	[tilespmem:$0x18400] =	vst v63  }
0x1a2: {  	s17 =	simm.s32 $0x17C00;
	s15 =	sor.u32 s19, s15  }
0x1a3: {  	[tilespmem:s17], [sflag:$0x3] =	stream.indirect_vreg.gather [hbm4b:s13+s18], $0x80, v5, vm0, $0xb8;
	[tilespmem:$0x18400] =	vst v63  }
0x1a4: {  	v5 =	vld [tilespmem:s15+$0x4780]  }
0x1a5: {  	v7 =	vld [tilespmem:s15+$0x4600]  }
0x1a6: {  	v6 =	vld [tilespmem:s15+$0x4500]  }
0x1a7: {  	v8 =	vld [tilespmem:s15+$0x4700]  }
0x1a8: {  	v61 =	vld [tilespmem:s15+$0x4580]  }
0x1a9: {  	v62 =	vld [tilespmem:s15+$0x4480]  }
0x1aa: {  	v63 =	vld [tilespmem:s15+$0x4680]  }
0x1ab: {  	[tilespmem:s15+$0x600] =	vst.add.f32.msk $0xffff, v7  }
0x1ac: {  	v7 =	vld [tilespmem:s15+$0x4400]  }
0x1ad: {  	[tilespmem:s15+$0x580] =	vst.add.f32.msk $0xffff, v61  }
0x1ae: {  	s20 =	sand.u32 $0x7, s18;
	[tilespmem:s15+$0x480] =	vst.add.f32.msk $0xffff, v62  }
0x1af: {  	s18 =	sshll.u32 s20, $0x4;
	[tilespmem:s15+$0x700] =	vst.add.f32.msk $0xffff, v8  }
0x1b0: {  	s5 =	simm.s32 $0x10;
	s18 =	sadd.s32 $0x0, s18;
	[tilespmem:s15+$0x680] =	vst.add.f32.msk $0xffff, v63  }
0x1b1: {  	s19 =	simm.s32 $0x1;
	s20 =	sor.u32 $0x380, s18;
	s18 =	simm.s32 $0x80;
	[tilespmem:s15+$0x400] =	vst.add.f32.msk $0xffff, v7  }
.LBB2_11:
0x1b2: {  	s16 =	sand.u32 $0x70, s5  }
0x1b3: {  	s17 =	sand.u32 $0x3C00, s18;
	[tilespmem:s15+$0x500] =	vst.add.f32.msk $0xffff, v6;
	s15 =	smov.u32 s5;
	s4 =	sadd.s32 $0x10, s5  }
0x1b4: {  	p0 =	sne.s32 s5, $0x7F0;
	s15 =	sor.u32 s16, s17;
	[tilespmem:s20+$0x400] =	vst.add.f32.msk $0xffff, v5  }
0x1b5: {  	v5 =	vld [tilespmem:s15+$0x4780]  }
0x1b6: {  	v7 =	vld [tilespmem:s15+$0x4600]  }
0x1b7: {  	v6 =	vld [tilespmem:s15+$0x4500]  }
0x1b8: {  	v8 =	vld [tilespmem:s15+$0x4700]  }
0x1b9: {  	v9 =	vld [tilespmem:s15+$0x4580]  }
0x1ba: {  	v10 =	vld [tilespmem:s15+$0x4480]  }
0x1bb: {  	[tilespmem:s15+$0x600] =	vst.add.f32.msk $0xffff, v7  }
0x1bc: {  	v7 =	vld [tilespmem:s15+$0x4400]  }
0x1bd: {  	v11 =	vld [tilespmem:s15+$0x4680]  }
.Ltmp4:
0x1be: {  	[tilespmem:s15+$0x580] =	vst.add.f32.msk $0xffff, v9;
	(pc) =	sbr.rel @p0 .LBB2_11-.Ltmp4, $4  }
0x1bf: {  	s5 =	sand.u32 $0x7, s19;
	[tilespmem:s15+$0x480] =	vst.add.f32.msk $0xffff, v10  }
0x1c0: {  	s5 =	sshll.u32 s5, $0x4;
	[tilespmem:s15+$0x700] =	vst.add.f32.msk $0xffff, v8  }
0x1c1: {  	s19 =	sadd.s32 $0x1, s19;
	s5 =	sadd.s32 s5, s18;
	[tilespmem:s15+$0x400] =	vst.add.f32.msk $0xffff, v7  }
0x1c2: {  	s18 =	sadd.s32 $0x80, s18;
	s20 =	sor.u32 $0x380, s5;
	s5 =	smov.u32 s4;
	[tilespmem:s15+$0x680] =	vst.add.f32.msk $0xffff, v11  }
0x1c3: {  	s4 =	rddreg [dreg:$0x9]  }
0x1c4: {  	s2 =	sadd.s32 s2, s4  }
0x1c5: {  	s2 =	sshll.u32 s2, $0xB  }
0x1c6: {  	[tilespmem:s15+$0x500] =	vst.add.f32.msk $0xffff, v6;
	s2 =	sand.u32 $0x1FFFF800, s2  }
0x1c7: {  	[tilespmem:s20+$0x400] =	vst.add.f32.msk $0xffff, v5;
	s4 =	simm.s32 $0x0;
	s2 =	sadd.s32 s3, s2  }
0x1c8: {  	[hbm4b:s2+s4] =	stream.linear.scatter [tilespmem:s23], [sflag:$0x4], $0x4000, $0x38;
	[tilespmem:$0x18400] =	vst v63  }
0x1c9: {  	_ =	swait.ge [sflag:s24], $0x8000  }
0x1ca: {  	[sflag:s24] =	ssyncset.done $0x0  }
0x1cb: {  	[sflag:s24] =	ssyncadd.s32 $0xFFFF8000  }
0x1cc: {  	_ =	swait.ge [sflag:s29], $0x4000  }
0x1cd: {  	[sflag:s29] =	ssyncset.done $0x0  }
0x1ce: {  	[sflag:s29] =	ssyncadd.s32 $0xFFFFC000  }
0x1cf: {  	v5 =	vld [tilespmem:s6+$0x260];
	_ =	sdelay $0x4  }
0x1d0: {  	v6 =	vshll.u32 v5, $0x4  }
0x1d1: {  	v5 =	vand.u32 $0x7, v5;
	v6 =	vand.u32 $0xFFFFFF80, v6  }
0x1d2: {  	v5 =	vor.u32 v5, v6  }
0x1d3: {  	v6 =	vperm.xlane v5, v2;
	_ =	sdelay $0x1  }
0x1d4: {  	v6 =	vadd.s32 v3, v6;
	_ =	sdelay $0x4  }
0x1d5: {  	[tilespmem:s23], [sflag:$0x1] =	stream.indirect_vreg.gather [hbm4b:s1+s4], $0x80, v6, vm0, $0xb8;
	[tilespmem:$0x18400] =	vst v63  }
0x1d6: {  	s20 =	simm.s32 $0xC00  }
0x1d7: {  	[tilespmem:s20], [sflag:$0x1] =	stream.indirect_vreg.gather [hbm4b:s7+s4], $0x80, v6, vm0, $0xb8;
	[tilespmem:$0x18400] =	vst v63  }
0x1d8: {  	s5 =	simm.s32 $0x1400  }
0x1d9: {  	[tilespmem:s5], [sflag:$0x1] =	stream.indirect_vreg.gather [hbm4b:s8+s4], $0x80, v6, vm0, $0xb8;
	[tilespmem:$0x18400] =	vst v63  }
0x1da: {  	s6 =	simm.s32 $0x1C00  }
0x1db: {  	[tilespmem:s6], [sflag:$0x1] =	stream.indirect_vreg.gather [hbm4b:s9+s4], $0x80, v6, vm0, $0xb8;
	[tilespmem:$0x18400] =	vst v63  }
0x1dc: {  	s15 =	simm.s32 $0x2400  }
0x1dd: {  	[tilespmem:s15], [sflag:$0x1] =	stream.indirect_vreg.gather [hbm4b:s10+s4], $0x80, v6, vm0, $0xb8;
	[tilespmem:$0x18400] =	vst v63  }
0x1de: {  	s16 =	simm.s32 $0x2C00;
	v5 =	vperm.xlane v5, v4  }
0x1df: {  	[tilespmem:s16], [sflag:$0x1] =	stream.indirect_vreg.gather [hbm4b:s11+s4], $0x80, v6, vm0, $0xb8;
	[tilespmem:$0x18400] =	vst v63  }
0x1e0: {  	s17 =	simm.s32 $0x3400;
	v5 =	vadd.s32 v3, v5  }
0x1e1: {  	[tilespmem:s17], [sflag:$0x1] =	stream.indirect_vreg.gather [hbm4b:s12+s4], $0x80, v6, vm0, $0xb8;
	[tilespmem:$0x18400] =	vst v63  }
0x1e2: {  	s18 =	simm.s32 $0x3C00  }
0x1e3: {  	[tilespmem:s18], [sflag:$0x1] =	stream.indirect_vreg.gather [hbm4b:s13+s4], $0x80, v6, vm0, $0xb8;
	[tilespmem:$0x18400] =	vst v63  }
0x1e4: {  	s19 =	simm.s32 $0x4400  }
0x1e5: {  	[tilespmem:s19], [sflag:$0x1] =	stream.indirect_vreg.gather [hbm4b:s1+s4], $0x80, v5, vm0, $0xb8;
	[tilespmem:$0x18400] =	vst v63  }
0x1e6: {  	s20 =	simm.s32 $0x4C00  }
0x1e7: {  	[tilespmem:s20], [sflag:$0x1] =	stream.indirect_vreg.gather [hbm4b:s7+s4], $0x80, v5, vm0, $0xb8;
	[tilespmem:$0x18400] =	vst v63  }
0x1e8: {  	s5 =	simm.s32 $0x5400  }
0x1e9: {  	[tilespmem:s5], [sflag:$0x1] =	stream.indirect_vreg.gather [hbm4b:s8+s4], $0x80, v5, vm0, $0xb8;
	[tilespmem:$0x18400] =	vst v63  }
0x1ea: {  	s6 =	simm.s32 $0x5C00  }
0x1eb: {  	[tilespmem:s6], [sflag:$0x1] =	stream.indirect_vreg.gather [hbm4b:s9+s4], $0x80, v5, vm0, $0xb8;
	[tilespmem:$0x18400] =	vst v63  }
0x1ec: {  	s15 =	simm.s32 $0x6400  }
0x1ed: {  	[tilespmem:s15], [sflag:$0x1] =	stream.indirect_vreg.gather [hbm4b:s10+s4], $0x80, v5, vm0, $0xb8;
	[tilespmem:$0x18400] =	vst v63  }
0x1ee: {  	s16 =	simm.s32 $0x6C00  }
0x1ef: {  	[tilespmem:s16], [sflag:$0x1] =	stream.indirect_vreg.gather [hbm4b:s11+s4], $0x80, v5, vm0, $0xb8;
	[tilespmem:$0x18400] =	vst v63  }
0x1f0: {  	s17 =	simm.s32 $0x7400  }
0x1f1: {  	[tilespmem:s17], [sflag:$0x1] =	stream.indirect_vreg.gather [hbm4b:s12+s4], $0x80, v5, vm0, $0xb8;
	[tilespmem:$0x18400] =	vst v63  }
0x1f2: {  	s18 =	simm.s32 $0x7C00  }
0x1f3: {  	[tilespmem:s18], [sflag:$0x1] =	stream.indirect_vreg.gather [hbm4b:s13+s4], $0x80, v5, vm0, $0xb8;
	[tilespmem:$0x18400] =	vst v63  }
0x1f4: {  	s19 =	sand.u32 $0x70, s4;
	s4 =	sand.u32 $0x3C00, s4  }
0x1f5: {  	s2 =	sor.u32 s19, s4  }
0x1f6: {  	v5 =	vld [tilespmem:s2+$0xC780]  }
0x1f7: {  	v6 =	vld [tilespmem:s2+$0xC400]  }
0x1f8: {  	v7 =	vld [tilespmem:s2+$0xC480]  }
0x1f9: {  	v8 =	vld [tilespmem:s2+$0xC500]  }
0x1fa: {  	v9 =	vld [tilespmem:s2+$0xC580]  }
0x1fb: {  	v10 =	vld [tilespmem:s2+$0xC600]  }
0x1fc: {  	v11 =	vld [tilespmem:s2+$0xC680]  }
0x1fd: {  	[tilespmem:s2+$0x8780] =	vst.add.f32.msk $0xffff, v5  }
0x1fe: {  	v5 =	vld [tilespmem:s2+$0xC700]  }
0x1ff: {  	[tilespmem:s2+$0x8400] =	vst.add.f32.msk $0xffff, v6  }
0x200: {  	[tilespmem:s2+$0x8480] =	vst.add.f32.msk $0xffff, v7  }
0x201: {  	[tilespmem:s2+$0x8500] =	vst.add.f32.msk $0xffff, v8  }
0x202: {  	[tilespmem:s2+$0x8580] =	vst.add.f32.msk $0xffff, v9  }
0x203: {  	s20 =	simm.s32 $0x10;
	s6 =	simm.s32 $0x80;
	[tilespmem:s2+$0x8600] =	vst.add.f32.msk $0xffff, v10  }
0x204: {  	s5 =	sand.u32 $0x70, s20;
	s15 =	simm.s32 $0x20;
	s18 =	sand.u32 $0x3C00, s6;
	[tilespmem:s2+$0x8680] =	vst.add.f32.msk $0xffff, v11  }
.LBB2_13:
0x205: {  	p0 =	sne.s32 s15, $0x7F0;
	[tilespmem:s2+$0x8700] =	vst.add.f32.msk $0xffff, v5;
	s2 =	sor.u32 s5, s18  }
0x206: {  	v5 =	vld [tilespmem:s2+$0xC780]  }
0x207: {  	v6 =	vld [tilespmem:s2+$0xC400]  }
0x208: {  	v7 =	vld [tilespmem:s2+$0xC480]  }
0x209: {  	v8 =	vld [tilespmem:s2+$0xC500]  }
0x20a: {  	v9 =	vld [tilespmem:s2+$0xC580]  }
0x20b: {  	[tilespmem:s2+$0x8780] =	vst.add.f32.msk $0xffff, v5  }
0x20c: {  	v10 =	vld [tilespmem:s2+$0xC600]  }
0x20d: {  	v11 =	vld [tilespmem:s2+$0xC680]  }
0x20e: {  	v5 =	vld [tilespmem:s2+$0xC700]  }
0x20f: {  	[tilespmem:s2+$0x8400] =	vst.add.f32.msk $0xffff, v6  }
.Ltmp5:
0x210: {  	[tilespmem:s2+$0x8480] =	vst.add.f32.msk $0xffff, v7;
	(pc) =	sbr.rel @p0 .LBB2_13-.Ltmp5, $4  }
0x211: {  	[tilespmem:s2+$0x8500] =	vst.add.f32.msk $0xffff, v8  }
0x212: {  	[tilespmem:s2+$0x8580] =	vst.add.f32.msk $0xffff, v9  }
0x213: {  	s6 =	sadd.s32 $0x80, s6;
	[tilespmem:s2+$0x8600] =	vst.add.f32.msk $0xffff, v10  }
0x214: {  	s5 =	sand.u32 $0x70, s15;
	s15 =	sadd.s32 $0x10, s15;
	s18 =	sand.u32 $0x3C00, s6;
	[tilespmem:s2+$0x8680] =	vst.add.f32.msk $0xffff, v11  }
0x215: {  	s4 =	sor.u32 s5, s18;
	[tilespmem:s2+$0x8700] =	vst.add.f32.msk $0xffff, v5  }
0x216: {  	v5 =	vld [tilespmem:s4+$0xC780]  }
0x217: {  	v6 =	vld [tilespmem:s4+$0xC400]  }
0x218: {  	v7 =	vld [tilespmem:s4+$0xC480]  }
0x219: {  	v8 =	vld [tilespmem:s4+$0xC500]  }
0x21a: {  	v9 =	vld [tilespmem:s4+$0xC580]  }
0x21b: {  	v10 =	vld [tilespmem:s4+$0xC680]  }
0x21c: {  	v11 =	vld [tilespmem:s4+$0xC700]  }
0x21d: {  	[tilespmem:s4+$0x8780] =	vst.add.f32.msk $0xffff, v5  }
0x21e: {  	v5 =	vld [tilespmem:s4+$0xC600]  }
0x21f: {  	[tilespmem:s4+$0x8400] =	vst.add.f32.msk $0xffff, v6  }
0x220: {  	s28 =	sadd.s32 $0x1, s28;
	[tilespmem:s4+$0x8480] =	vst.add.f32.msk $0xffff, v7  }
0x221: {  	s19 =	rddreg [dreg:$0x4];
	p0 =	sne.s32 s28, $0x9;
	[tilespmem:s4+$0x8500] =	vst.add.f32.msk $0xffff, v8  }
.Ltmp6:
0x222: {  	s0 =	sadd.s32 s19, s0;
	[tilespmem:s4+$0x8580] =	vst.add.f32.msk $0xffff, v9;
	(pc) =	sbr.rel @p0 .LBB2_8-.Ltmp6, $4  }
0x223: {  	s0 =	sshll.u32 s0, $0xB;
	[tilespmem:s4+$0x8680] =	vst.add.f32.msk $0xffff, v10  }
0x224: {  	s0 =	sand.u32 $0x1FFFF800, s0;
	[tilespmem:s4+$0x8700] =	vst.add.f32.msk $0xffff, v11  }
0x225: {  	s20 =	simm.s32 $0x0;
	s0 =	sadd.s32 s3, s0;
	[tilespmem:s4+$0x8600] =	vst.add.f32.msk $0xffff, v5  }
0x226: {  	[hbm4b:s0+s20] =	stream.linear.scatter [tilespmem:s14], [sflag:$0x5], $0x4000, $0x38;
	[tilespmem:$0x18400] =	vst v63  }
0x227: {  	_ =	swait.ge [sflag:s30], $0x8000  }
0x228: {  	[sflag:s30] =	ssyncset.done $0x0  }
0x229: {  	[sflag:s30] =	ssyncadd.s32 $0xFFFF8000  }
0x22a: {  	_ =	swait.ge [sflag:s26], $0x4000  }
0x22b: {  	[sflag:s26] =	ssyncset.done $0x0  }
0x22c: {  	[sflag:s26] =	ssyncadd.s32 $0xFFFFC000  }
0x22d: {  	v5 =	vld [tilespmem:$0x3F0];
	_ =	sdelay $0x4  }
0x22e: {  	v6 =	vshll.u32 v5, $0x4  }
0x22f: {  	v5 =	vand.u32 $0x7, v5;
	v6 =	vand.u32 $0xFFFFFF80, v6  }
0x230: {  	v5 =	vor.u32 v5, v6  }
0x231: {  	v6 =	vperm.xlane v5, v2;
	_ =	sdelay $0x1  }
0x232: {  	v6 =	vadd.s32 v3, v6;
	_ =	sdelay $0x3  }
0x233: {  	s0 =	simm.s32 $0x0  }
0x234: {  	[tilespmem:s14], [sflag:$0x2] =	stream.indirect_vreg.gather [hbm4b:s1+s0], $0x80, v6, vm0, $0xb8;
	[tilespmem:$0x18400] =	vst v63  }
0x235: {  	s2 =	simm.s32 $0x8C00  }
0x236: {  	[tilespmem:s2], [sflag:$0x2] =	stream.indirect_vreg.gather [hbm4b:s7+s0], $0x80, v6, vm0, $0xb8;
	[tilespmem:$0x18400] =	vst v63  }
0x237: {  	s17 =	simm.s32 $0x9400  }
0x238: {  	[tilespmem:s17], [sflag:$0x2] =	stream.indirect_vreg.gather [hbm4b:s8+s0], $0x80, v6, vm0, $0xb8;
	[tilespmem:$0x18400] =	vst v63  }
0x239: {  	s18 =	simm.s32 $0x9C00  }
0x23a: {  	[tilespmem:s18], [sflag:$0x2] =	stream.indirect_vreg.gather [hbm4b:s9+s0], $0x80, v6, vm0, $0xb8;
	[tilespmem:$0x18400] =	vst v63  }
0x23b: {  	s19 =	simm.s32 $0xA400  }
0x23c: {  	[tilespmem:s19], [sflag:$0x2] =	stream.indirect_vreg.gather [hbm4b:s10+s0], $0x80, v6, vm0, $0xb8;
	[tilespmem:$0x18400] =	vst v63  }
0x23d: {  	s20 =	simm.s32 $0xAC00;
	v5 =	vperm.xlane v5, v4  }
0x23e: {  	[tilespmem:s20], [sflag:$0x2] =	stream.indirect_vreg.gather [hbm4b:s11+s0], $0x80, v6, vm0, $0xb8;
	[tilespmem:$0x18400] =	vst v63  }
0x23f: {  	s28 =	simm.s32 $0xB400;
	v5 =	vadd.s32 v3, v5  }
0x240: {  	[tilespmem:s28], [sflag:$0x2] =	stream.indirect_vreg.gather [hbm4b:s12+s0], $0x80, v6, vm0, $0xb8;
	[tilespmem:$0x18400] =	vst v63  }
0x241: {  	s4 =	simm.s32 $0xBC00  }
0x242: {  	[tilespmem:s4], [sflag:$0x2] =	stream.indirect_vreg.gather [hbm4b:s13+s0], $0x80, v6, vm0, $0xb8;
	[tilespmem:$0x18400] =	vst v63  }
0x243: {  	s5 =	simm.s32 $0xC400  }
0x244: {  	[tilespmem:s5], [sflag:$0x2] =	stream.indirect_vreg.gather [hbm4b:s1+s0], $0x80, v5, vm0, $0xb8;
	[tilespmem:$0x18400] =	vst v63  }
0x245: {  	s6 =	simm.s32 $0xCC00  }
0x246: {  	[tilespmem:s6], [sflag:$0x2] =	stream.indirect_vreg.gather [hbm4b:s7+s0], $0x80, v5, vm0, $0xb8;
	[tilespmem:$0x18400] =	vst v63  }
0x247: {  	s15 =	simm.s32 $0xD400  }
0x248: {  	[tilespmem:s15], [sflag:$0x2] =	stream.indirect_vreg.gather [hbm4b:s8+s0], $0x80, v5, vm0, $0xb8;
	[tilespmem:$0x18400] =	vst v63  }
0x249: {  	s16 =	simm.s32 $0xDC00  }
0x24a: {  	[tilespmem:s16], [sflag:$0x2] =	stream.indirect_vreg.gather [hbm4b:s9+s0], $0x80, v5, vm0, $0xb8;
	[tilespmem:$0x18400] =	vst v63  }
0x24b: {  	s17 =	simm.s32 $0xE400  }
0x24c: {  	[tilespmem:s17], [sflag:$0x2] =	stream.indirect_vreg.gather [hbm4b:s10+s0], $0x80, v5, vm0, $0xb8;
	[tilespmem:$0x18400] =	vst v63  }
0x24d: {  	s18 =	simm.s32 $0xEC00  }
0x24e: {  	[tilespmem:s18], [sflag:$0x2] =	stream.indirect_vreg.gather [hbm4b:s11+s0], $0x80, v5, vm0, $0xb8;
	[tilespmem:$0x18400] =	vst v63  }
0x24f: {  	s19 =	simm.s32 $0xF400  }
0x250: {  	[tilespmem:s19], [sflag:$0x2] =	stream.indirect_vreg.gather [hbm4b:s12+s0], $0x80, v5, vm0, $0xb8;
	[tilespmem:$0x18400] =	vst v63  }
0x251: {  	s20 =	simm.s32 $0xFC00  }
0x252: {  	[tilespmem:s20], [sflag:$0x2] =	stream.indirect_vreg.gather [hbm4b:s13+s0], $0x80, v5, vm0, $0xb8;
	[tilespmem:$0x18400] =	vst v63  }
0x253: {  	s28 =	sand.u32 $0x70, s0;
	s0 =	sand.u32 $0x3C00, s0  }
0x254: {  	s0 =	sor.u32 s28, s0  }
0x255: {  	v5 =	vld [tilespmem:s0+$0x14780]  }
0x256: {  	v6 =	vld [tilespmem:s0+$0x14400]  }
0x257: {  	v7 =	vld [tilespmem:s0+$0x14480]  }
0x258: {  	v8 =	vld [tilespmem:s0+$0x14500]  }
0x259: {  	v9 =	vld [tilespmem:s0+$0x14580]  }
0x25a: {  	v10 =	vld [tilespmem:s0+$0x14600]  }
0x25b: {  	v11 =	vld [tilespmem:s0+$0x14680]  }
0x25c: {  	[tilespmem:s0+$0x10780] =	vst.add.f32.msk $0xffff, v5  }
0x25d: {  	v5 =	vld [tilespmem:s0+$0x14700]  }
0x25e: {  	[tilespmem:s0+$0x10400] =	vst.add.f32.msk $0xffff, v6  }
0x25f: {  	[tilespmem:s0+$0x10480] =	vst.add.f32.msk $0xffff, v7  }
0x260: {  	[tilespmem:s0+$0x10500] =	vst.add.f32.msk $0xffff, v8  }
0x261: {  	[tilespmem:s0+$0x10580] =	vst.add.f32.msk $0xffff, v9  }
0x262: {  	s2 =	simm.s32 $0x80;
	s4 =	simm.s32 $0x10;
	[tilespmem:s0+$0x10600] =	vst.add.f32.msk $0xffff, v10  }
0x263: {  	s5 =	sand.u32 $0x70, s4;
	s6 =	simm.s32 $0x20;
	s15 =	sand.u32 $0x3C00, s2;
	[tilespmem:s0+$0x10680] =	vst.add.f32.msk $0xffff, v11  }
.LBB2_16:
0x264: {  	p0 =	sne.s32 s6, $0x7F0;
	[tilespmem:s0+$0x10700] =	vst.add.f32.msk $0xffff, v5;
	s0 =	sor.u32 s5, s15  }
0x265: {  	v5 =	vld [tilespmem:s0+$0x14780]  }
0x266: {  	v6 =	vld [tilespmem:s0+$0x14400]  }
0x267: {  	v7 =	vld [tilespmem:s0+$0x14480]  }
0x268: {  	v8 =	vld [tilespmem:s0+$0x14500]  }
0x269: {  	v9 =	vld [tilespmem:s0+$0x14580]  }
0x26a: {  	[tilespmem:s0+$0x10780] =	vst.add.f32.msk $0xffff, v5  }
0x26b: {  	v10 =	vld [tilespmem:s0+$0x14600]  }
0x26c: {  	v11 =	vld [tilespmem:s0+$0x14680]  }
0x26d: {  	v5 =	vld [tilespmem:s0+$0x14700]  }
0x26e: {  	[tilespmem:s0+$0x10400] =	vst.add.f32.msk $0xffff, v6  }
.Ltmp7:
0x26f: {  	[tilespmem:s0+$0x10480] =	vst.add.f32.msk $0xffff, v7;
	(pc) =	sbr.rel @p0 .LBB2_16-.Ltmp7, $4  }
0x270: {  	[tilespmem:s0+$0x10500] =	vst.add.f32.msk $0xffff, v8  }
0x271: {  	[tilespmem:s0+$0x10580] =	vst.add.f32.msk $0xffff, v9  }
0x272: {  	s2 =	sadd.s32 $0x80, s2;
	[tilespmem:s0+$0x10600] =	vst.add.f32.msk $0xffff, v10  }
0x273: {  	s5 =	sand.u32 $0x70, s6;
	s6 =	sadd.s32 $0x10, s6;
	s15 =	sand.u32 $0x3C00, s2;
	[tilespmem:s0+$0x10680] =	vst.add.f32.msk $0xffff, v11  }
0x274: {  	s2 =	sor.u32 s5, s15;
	[tilespmem:s0+$0x10700] =	vst.add.f32.msk $0xffff, v5  }
0x275: {  	v5 =	vld [tilespmem:s2+$0x14780]  }
0x276: {  	v6 =	vld [tilespmem:s2+$0x14400]  }
0x277: {  	v7 =	vld [tilespmem:s2+$0x14480]  }
0x278: {  	v8 =	vld [tilespmem:s2+$0x14500]  }
0x279: {  	v9 =	vld [tilespmem:s2+$0x14580]  }
0x27a: {  	v10 =	vld [tilespmem:s2+$0x14680]  }
0x27b: {  	v11 =	vld [tilespmem:s2+$0x14700]  }
0x27c: {  	[tilespmem:s2+$0x10780] =	vst.add.f32.msk $0xffff, v5  }
0x27d: {  	v5 =	vld [tilespmem:s2+$0x14600]  }
0x27e: {  	[tilespmem:s2+$0x10400] =	vst.add.f32.msk $0xffff, v6  }
0x27f: {  	[tilespmem:s2+$0x10480] =	vst.add.f32.msk $0xffff, v7  }
0x280: {  	[tilespmem:s2+$0x10500] =	vst.add.f32.msk $0xffff, v8  }
0x281: {  	[tilespmem:s2+$0x10580] =	vst.add.f32.msk $0xffff, v9  }
0x282: {  	[tilespmem:s2+$0x10680] =	vst.add.f32.msk $0xffff, v10  }
0x283: {  	[tilespmem:s2+$0x10700] =	vst.add.f32.msk $0xffff, v11  }
0x284: {  	s19 =	simm.s32 $0x0;
	s20 =	rddreg [dreg:$0xa];
	[tilespmem:s2+$0x10600] =	vst.add.f32.msk $0xffff, v5  }
0x285: {  	[hbm4b:s20+s19] =	stream.linear.scatter [tilespmem:s22], [sflag:$0x6], $0x4000, $0x38;
	[tilespmem:$0x18400] =	vst v63  }
0x286: {  	_ =	swait.ge [sflag:s21], $0x8000  }
0x287: {  	s28 =	sand.u32 $0x70, s19;
	s4 =	sand.u32 $0x3C00, s19;
	[sflag:s21] =	ssyncset.done $0x0  }
0x288: {  	s0 =	sor.u32 s28, s4;
	[sflag:s21] =	ssyncadd.s32 $0xFFFF8000  }
0x289: {  	v5 =	vld [tilespmem:s0+$0x4780]  }
0x28a: {  	v7 =	vld [tilespmem:s0+$0x4600]  }
0x28b: {  	v6 =	vld [tilespmem:s0+$0x4500]  }
0x28c: {  	v8 =	vld [tilespmem:s0+$0x4700]  }
0x28d: {  	v61 =	vld [tilespmem:s0+$0x4580]  }
0x28e: {  	v62 =	vld [tilespmem:s0+$0x4480]  }
0x28f: {  	v63 =	vld [tilespmem:s0+$0x4680]  }
0x290: {  	[tilespmem:s0+$0x600] =	vst.add.f32.msk $0xffff, v7  }
0x291: {  	v7 =	vld [tilespmem:s0+$0x4400]  }
0x292: {  	[tilespmem:s0+$0x580] =	vst.add.f32.msk $0xffff, v61  }
0x293: {  	s2 =	sand.u32 $0x7, s19;
	[tilespmem:s0+$0x480] =	vst.add.f32.msk $0xffff, v62  }
0x294: {  	s2 =	sshll.u32 s2, $0x4;
	[tilespmem:s0+$0x700] =	vst.add.f32.msk $0xffff, v8  }
0x295: {  	s5 =	simm.s32 $0x10;
	s2 =	sadd.s32 $0x0, s2;
	[tilespmem:s0+$0x680] =	vst.add.f32.msk $0xffff, v63  }
0x296: {  	s6 =	simm.s32 $0x1;
	s15 =	sor.u32 $0x380, s2;
	s2 =	simm.s32 $0x80;
	[tilespmem:s0+$0x400] =	vst.add.f32.msk $0xffff, v7  }
.LBB2_18:
0x297: {  	s4 =	sand.u32 $0x70, s5  }
0x298: {  	s16 =	sand.u32 $0x3C00, s2;
	[tilespmem:s0+$0x500] =	vst.add.f32.msk $0xffff, v6;
	s0 =	smov.u32 s5;
	s17 =	sadd.s32 $0x10, s5  }
0x299: {  	p0 =	sne.s32 s5, $0x7F0;
	s0 =	sor.u32 s4, s16;
	[tilespmem:s15+$0x400] =	vst.add.f32.msk $0xffff, v5  }
0x29a: {  	v5 =	vld [tilespmem:s0+$0x4780]  }
0x29b: {  	v7 =	vld [tilespmem:s0+$0x4600]  }
0x29c: {  	v6 =	vld [tilespmem:s0+$0x4500]  }
0x29d: {  	v8 =	vld [tilespmem:s0+$0x4700]  }
0x29e: {  	v9 =	vld [tilespmem:s0+$0x4580]  }
0x29f: {  	v10 =	vld [tilespmem:s0+$0x4480]  }
0x2a0: {  	[tilespmem:s0+$0x600] =	vst.add.f32.msk $0xffff, v7  }
0x2a1: {  	v7 =	vld [tilespmem:s0+$0x4400]  }
0x2a2: {  	v11 =	vld [tilespmem:s0+$0x4680]  }
.Ltmp8:
0x2a3: {  	[tilespmem:s0+$0x580] =	vst.add.f32.msk $0xffff, v9;
	(pc) =	sbr.rel @p0 .LBB2_18-.Ltmp8, $4  }
0x2a4: {  	s4 =	sand.u32 $0x7, s6;
	[tilespmem:s0+$0x480] =	vst.add.f32.msk $0xffff, v10  }
0x2a5: {  	s4 =	sshll.u32 s4, $0x4;
	[tilespmem:s0+$0x700] =	vst.add.f32.msk $0xffff, v8  }
0x2a6: {  	s6 =	sadd.s32 $0x1, s6;
	s4 =	sadd.s32 s4, s2;
	[tilespmem:s0+$0x400] =	vst.add.f32.msk $0xffff, v7  }
0x2a7: {  	s5 =	smov.u32 s17;
	s2 =	sadd.s32 $0x80, s2;
	s15 =	sor.u32 $0x380, s4;
	[tilespmem:s0+$0x680] =	vst.add.f32.msk $0xffff, v11  }
0x2a8: {  	[tilespmem:s0+$0x500] =	vst.add.f32.msk $0xffff, v6  }
0x2a9: {  	s20 =	simm.s32 $0x0;
	s2 =	rddreg [dreg:$0xb];
	[tilespmem:s15+$0x400] =	vst.add.f32.msk $0xffff, v5  }
0x2aa: {  	[hbm4b:s2+s20] =	stream.linear.scatter [tilespmem:s23], [sflag:$0x4], $0x4000, $0x38;
	[tilespmem:$0x18400] =	vst v63  }
0x2ab: {  	_ =	swait.ge [sflag:s24], $0x8000  }
0x2ac: {  	s28 =	sand.u32 $0x70, s20;
	s0 =	sand.u32 $0x3C00, s20;
	[sflag:s24] =	ssyncset.done $0x0  }
0x2ad: {  	s0 =	sor.u32 s28, s0;
	[sflag:s24] =	ssyncadd.s32 $0xFFFF8000  }
0x2ae: {  	v5 =	vld [tilespmem:s0+$0xC780]  }
0x2af: {  	v6 =	vld [tilespmem:s0+$0xC400]  }
0x2b0: {  	v7 =	vld [tilespmem:s0+$0xC480]  }
0x2b1: {  	v8 =	vld [tilespmem:s0+$0xC500]  }
0x2b2: {  	v9 =	vld [tilespmem:s0+$0xC580]  }
0x2b3: {  	v10 =	vld [tilespmem:s0+$0xC600]  }
0x2b4: {  	v11 =	vld [tilespmem:s0+$0xC680]  }
0x2b5: {  	[tilespmem:s0+$0x8780] =	vst.add.f32.msk $0xffff, v5  }
0x2b6: {  	v5 =	vld [tilespmem:s0+$0xC700]  }
0x2b7: {  	[tilespmem:s0+$0x8400] =	vst.add.f32.msk $0xffff, v6  }
0x2b8: {  	[tilespmem:s0+$0x8480] =	vst.add.f32.msk $0xffff, v7  }
0x2b9: {  	[tilespmem:s0+$0x8500] =	vst.add.f32.msk $0xffff, v8  }
0x2ba: {  	[tilespmem:s0+$0x8580] =	vst.add.f32.msk $0xffff, v9  }
0x2bb: {  	s4 =	simm.s32 $0x10;
	s2 =	simm.s32 $0x80;
	[tilespmem:s0+$0x8600] =	vst.add.f32.msk $0xffff, v10  }
0x2bc: {  	s6 =	simm.s32 $0x20;
	s5 =	sand.u32 $0x70, s4;
	s15 =	sand.u32 $0x3C00, s2;
	[tilespmem:s0+$0x8680] =	vst.add.f32.msk $0xffff, v11  }
.LBB2_20:
0x2bd: {  	p0 =	sne.s32 s6, $0x7F0;
	[tilespmem:s0+$0x8700] =	vst.add.f32.msk $0xffff, v5;
	s0 =	sor.u32 s5, s15  }
0x2be: {  	v5 =	vld [tilespmem:s0+$0xC780]  }
0x2bf: {  	v6 =	vld [tilespmem:s0+$0xC400]  }
0x2c0: {  	v7 =	vld [tilespmem:s0+$0xC480]  }
0x2c1: {  	v8 =	vld [tilespmem:s0+$0xC500]  }
0x2c2: {  	v9 =	vld [tilespmem:s0+$0xC580]  }
0x2c3: {  	[tilespmem:s0+$0x8780] =	vst.add.f32.msk $0xffff, v5  }
0x2c4: {  	v10 =	vld [tilespmem:s0+$0xC600]  }
0x2c5: {  	v11 =	vld [tilespmem:s0+$0xC680]  }
0x2c6: {  	v5 =	vld [tilespmem:s0+$0xC700]  }
0x2c7: {  	[tilespmem:s0+$0x8400] =	vst.add.f32.msk $0xffff, v6  }
.Ltmp9:
0x2c8: {  	[tilespmem:s0+$0x8480] =	vst.add.f32.msk $0xffff, v7;
	(pc) =	sbr.rel @p0 .LBB2_20-.Ltmp9, $4  }
0x2c9: {  	[tilespmem:s0+$0x8500] =	vst.add.f32.msk $0xffff, v8  }
0x2ca: {  	[tilespmem:s0+$0x8580] =	vst.add.f32.msk $0xffff, v9  }
0x2cb: {  	s2 =	sadd.s32 $0x80, s2;
	[tilespmem:s0+$0x8600] =	vst.add.f32.msk $0xffff, v10  }
0x2cc: {  	s5 =	sand.u32 $0x70, s6;
	s6 =	sadd.s32 $0x10, s6;
	s15 =	sand.u32 $0x3C00, s2;
	[tilespmem:s0+$0x8680] =	vst.add.f32.msk $0xffff, v11  }
0x2cd: {  	s2 =	sor.u32 s5, s15;
	[tilespmem:s0+$0x8700] =	vst.add.f32.msk $0xffff, v5  }
0x2ce: {  	v5 =	vld [tilespmem:s2+$0xC780]  }
0x2cf: {  	v6 =	vld [tilespmem:s2+$0xC400]  }
0x2d0: {  	v7 =	vld [tilespmem:s2+$0xC480]  }
0x2d1: {  	v8 =	vld [tilespmem:s2+$0xC500]  }
0x2d2: {  	v9 =	vld [tilespmem:s2+$0xC580]  }
0x2d3: {  	v10 =	vld [tilespmem:s2+$0xC680]  }
0x2d4: {  	v11 =	vld [tilespmem:s2+$0xC700]  }
0x2d5: {  	[tilespmem:s2+$0x8780] =	vst.add.f32.msk $0xffff, v5  }
0x2d6: {  	v5 =	vld [tilespmem:s2+$0xC600]  }
0x2d7: {  	[tilespmem:s2+$0x8400] =	vst.add.f32.msk $0xffff, v6  }
0x2d8: {  	[tilespmem:s2+$0x8480] =	vst.add.f32.msk $0xffff, v7  }
0x2d9: {  	[tilespmem:s2+$0x8500] =	vst.add.f32.msk $0xffff, v8  }
0x2da: {  	[tilespmem:s2+$0x8580] =	vst.add.f32.msk $0xffff, v9  }
0x2db: {  	[tilespmem:s2+$0x8680] =	vst.add.f32.msk $0xffff, v10  }
0x2dc: {  	[tilespmem:s2+$0x8700] =	vst.add.f32.msk $0xffff, v11  }
0x2dd: {  	s15 =	simm.s32 $0x0;
	s19 =	rddreg [dreg:$0xc];
	[tilespmem:s2+$0x8600] =	vst.add.f32.msk $0xffff, v5  }
0x2de: {  	[hbm4b:s19+s15] =	stream.linear.scatter [tilespmem:s14], [sflag:$0x5], $0x4000, $0x38;
	[tilespmem:$0x18400] =	vst v63  }
0x2df: {  	_ =	swait.ge [sflag:s29], $0x4000  }
0x2e0: {  	[sflag:s29] =	ssyncset.done $0x0  }
0x2e1: {  	[sflag:s29] =	ssyncadd.s32 $0xFFFFC000  }
0x2e2: {  	_ =	swait.ge [sflag:s26], $0x4000  }
0x2e3: {  	[sflag:s26] =	ssyncset.done $0x0  }
0x2e4: {  	[sflag:s26] =	ssyncadd.s32 $0xFFFFC000  }
0x2e5: {  	_ =	swait.ge [sflag:s31], $0x4000  }
0x2e6: {  	s20 =	rddreg [dreg:$0xe]  }
0x2e7: {  	s28 =	rddreg [dreg:$0xd];
	s2 =	sadd.s32 $0x1, s20  }
0x2e8: {  	p0 =	sne.s32 s2, s28  }
.Ltmp10:
0x2e9: {  	_ = 	snop;
	(pc) =	sbr.rel @p0 .LBB2_1-.Ltmp10, $3  }
0x2ea: {  	_ =	sdelay $0x1  }
0x2eb: {  	[sflag:s31] =	ssyncset.done $0x0  }
0x2ec: {  	[sflag:s31] =	ssyncadd.s32 $0xFFFFC000  }
0x2ed: {  	_ =	sfence.sel $0x180000  }
0x2ee: {  	[bflag:$0x0] =	sbarrier.arrive $0xFFFF  }
0x2ef: {  	_ =	strace $0x90000047  }
0x2f0: {  	s0 =	stileid.u32;
	[bflag:$0x2] =	sbarrier.arrive $0xFFFF  }
0x2f1: {  	p0 =	sne.s32 s0, $0x0;
	s0 =	rddreg [dreg:$0x3]  }
0x2f2: {  	s0 =	sadd.s32 @!p0 $0x100000, s0  }
0x2f3: {  	[sflag:s0] =	ssyncadd.tile.s32 @!p0 $0x1;
	_ =	shalt  }
.Lfunc_end2:
_tile_overlayer_lowered:
.L_overlay_start_2:
0x2f4: {  	(tag) =	ssettag $0x2  }
0x2f5: {  	s0 =	rddreg [dreg:$0x0];
	s2 =	stileid.u32  }
0x2f6: {  	s1 =	rddreg [dreg:$0x1];
	p0 =	sne.s32 s2, $0x0  }
0x2f7: {  	s3 =	rddreg [dreg:$0x2];
	[bflag:$0x3] =	sbarrier.arrive $0xFFFF;
	s2 =	simm.s32 @!p0 $0x1C07  }
0x2f8: {  	[timem:s3], [sflag:s2] =	dma.local @!p0 [hbm:s0], s1  }
0x2f9: {  	s0 =	simm.s32 @!p0 $0x7  }
0x2fa: {  	_ =	swait.ge @!p0 [sflag:s0], s1  }
0x2fb: {  	s1 =	ssub.s32 @!p0 $0x0, s1;
	[sflag:s0] =	ssyncset.done @!p0 $0x0  }
0x2fc: {  	[sflag:s0] =	ssyncadd.s32 @!p0 s1  }
0x2fd: {  	[bflag:$0x3] =	sbarrier.arrive $0xFFFF  }
0x2fe: {  	_ =	shalt  }

</sc_bundles>
